<compile_context>
chip_gen: v7x
topology: tpu7x:2x2x1
jax: 0.10.2.dev20260603
libtpu: 0.0.44.dev20260713+nightly
codegen_flags: <defaults>
</compile_context>

<pallas_src>
import dataclasses

import jax
import jax.numpy as jnp
from jax import lax
from jax.experimental import pallas as pl
from jax.experimental.pallas import tpu as pltpu
from jax.experimental.pallas import tpu_sc as plsc

F32 = jnp.float32
_HIGHEST = lax.Precision.HIGHEST


def _dot(a, b):
    return jnp.dot(a, b, precision=_HIGHEST, preferred_element_type=F32)



def _node_premul(x, W1x, b1a):
    N, D = x.shape
    BN = 1000

    def body(x_ref, w_ref, b_ref, o_ref):
        o_ref[...] = _dot(x_ref[...], w_ref[...]) + b_ref[...]

    return pl.pallas_call(
        body,
        grid=(N // BN,),
        in_specs=[
            pl.BlockSpec((BN, D), lambda i: (i, 0)),
            pl.BlockSpec((D, D), lambda i: (0, 0)),
            pl.BlockSpec((1, D), lambda i: (0, 0)),
        ],
        out_specs=pl.BlockSpec((BN, D), lambda i: (i, 0)),
        out_shape=jax.ShapeDtypeStruct((N, D), F32),
    )(x, W1x, b1a)



def _sc_gather(xa, row, nc, ns, blk):
    N, D = xa.shape
    E = row.shape[0]
    nw = nc * ns
    epw = E // nw
    nblk = epw // blk

    mesh = plsc.VectorSubcoreMesh(core_axis_name="c", subcore_axis_name="s")

    assert nblk % 2 == 0 and nblk * blk == epw

    @pl.kernel(
        out_type=jax.ShapeDtypeStruct((E, D), F32),
        mesh=mesh,
        scratch_types=[
            pltpu.VMEM((blk,), jnp.int32),
            pltpu.VMEM((blk,), jnp.int32),
            pltpu.VMEM((blk, D), F32),
            pltpu.VMEM((blk, D), F32),
            pltpu.SemaphoreType.DMA,
            pltpu.SemaphoreType.DMA,
        ],
    )
    def k(xa_hbm, row_hbm, out_hbm, idx0_v, idx1_v, g0_v, g1_v,
          sem0, sem1):
        c = lax.axis_index("c")
        s = lax.axis_index("s")
        base0 = (c * ns + s) * epw
        idx = (idx0_v, idx1_v)
        gv = (g0_v, g1_v)
        sem = (sem0, sem1)

        def issue(i, b):
            base = base0 + i * blk
            pltpu.sync_copy(row_hbm.at[pl.ds(base, blk)], idx[b])
            pltpu.async_copy(xa_hbm.at[idx[b]], gv[b], sem[b])

        issue(0, 0)

        @pl.loop(0, nblk, step=2)
        def _(i0):
            for b in (0, 1):
                i = i0 + b

                @pl.when(i + 1 < nblk)
                def _():
                    issue(i + 1, 1 - b)

                pltpu.make_async_copy(xa_hbm.at[pl.ds(0, blk)], gv[b],
                                      sem[b]).wait()
                base = base0 + i * blk
                pltpu.sync_copy(gv[b], out_hbm.at[pl.ds(base, blk)])

    return k(xa, row)



def _edge_mlp(g, ea, W1e):
    E, D = g.shape
    DE = ea.shape[1]
    BE = 4000

    def body(g_ref, ea_ref, w_ref, o_ref):
        o_ref[...] = jnp.maximum(g_ref[...] + _dot(ea_ref[...], w_ref[...]), 0.0)

    return pl.pallas_call(
        body,
        grid=(E // BE,),
        in_specs=[
            pl.BlockSpec((BE, D), lambda i: (i, 0)),
            pl.BlockSpec((BE, DE), lambda i: (i, 0)),
            pl.BlockSpec((DE, D), lambda i: (0, 0)),
        ],
        out_specs=pl.BlockSpec((BE, D), lambda i: (i, 0)),
        out_shape=jax.ShapeDtypeStruct((E, D), F32),
    )(g, ea, W1e)



def _sc_scatter(h, col, N, nc, ns, blk):
    E, D = h.shape
    NP = 2
    ZR = 40
    H = -(-N // (nc * NP * ZR)) * ZR
    HP = H + 8
    HB = -(-(H + 1) // 128) * 128
    NPAD = nc * NP * H
    eps = E // ns
    nblk = eps // blk
    assert nblk % 2 == 1 and nblk * blk == eps
    nzblk = H // ZR
    per_sub = -(-nzblk // ns)
    VC = 16

    zeros128 = jnp.zeros((ZR, D), F32)

    mesh = plsc.VectorSubcoreMesh(core_axis_name="c", subcore_axis_name="s")
    cp_params = pltpu.CompilerParams()
    if "needs_layout_passes" in pltpu.CompilerParams.__dataclass_fields__:
        cp_params = dataclasses.replace(cp_params, needs_layout_passes=False)

    def one_pass(p):
        @pl.kernel(
            out_type=(
                jax.ShapeDtypeStruct((nc * H, D), F32),
                jax.ShapeDtypeStruct((nc * H,), F32),
            ),
            mesh=mesh,
            compiler_params=cp_params,
            scratch_types=[
                pltpu.VMEM((blk,), jnp.int32),
                pltpu.VMEM((blk,), jnp.int32),
                pltpu.VMEM((blk, D), F32),
                pltpu.VMEM((blk, D), F32),
                pltpu.VMEM((HB,), F32),
                pltpu.VMEM((HB,), F32),
                pltpu.VMEM_SHARED((HP, D), F32),
                pltpu.VMEM_SHARED((ns, HB), F32),
                pltpu.SemaphoreType.DMA,
                pltpu.SemaphoreType.DMA,
            ],
        )
        def k(h_hbm, col_hbm, z128_hbm,
              sum_hbm, cnt_hbm, cidx0_v, cidx1_v, h0_v, h1_v, hist_v,
              tmp_v, acc_s, stage_s, sem_h0, sem_h1):
            c = lax.axis_index("c")
            s = lax.axis_index("s")
            node0 = c * (NP * H) + p * H
            base0 = s * eps
            ones_v = jnp.ones((VC,), F32)

            @pl.loop(0, per_sub)
            def _(j):
                b = s + j * ns

                @pl.when(b < nzblk)
                def _():
                    pltpu.sync_copy(z128_hbm, acc_s.at[pl.ds(b * ZR, ZR)])

            @pl.loop(0, HB, step=VC)
            def _(v):
                hist_v[pl.ds(v, VC)] = jnp.zeros((VC,), F32)

            plsc.subcore_barrier()

            cidx = (cidx0_v, cidx1_v)
            hv = (h0_v, h1_v)
            sem_h = (sem_h0, sem_h1)

            def issue(i, b):
                base = base0 + i * blk
                pltpu.sync_copy(col_hbm.at[pl.ds(base, blk)], cidx[b])
                pltpu.async_copy(h_hbm.at[pl.ds(base, blk)], hv[b], sem_h[b])

            def rebase_hist(b):
                @pl.loop(0, blk, step=VC)
                def _(v):
                    idx = cidx[b][pl.ds(v, VC)] - node0
                    ok = (idx >= 0) & (idx < H)
                    idx = jnp.where(ok, idx, H)
                    cidx[b][pl.ds(v, VC)] = idx
                    plsc.addupdate_scatter(hist_v, [idx], ones_v)

            def drain_h(b):
                pltpu.make_async_copy(h_hbm.at[pl.ds(0, blk)], hv[b],
                                      sem_h[b]).wait()

            issue(0, 0)

            @pl.loop(0, nblk - 1, step=2)
            def _(i0):
                for b in (0, 1):
                    i = i0 + b
                    rebase_hist(b)

                    @pl.when(i + 1 < nblk)
                    def _():
                        issue(i + 1, 1 - b)

                    drain_h(b)
                    pltpu.sync_copy(hv[b], acc_s.at[cidx[b]], add=True)

            rebase_hist((nblk - 1) % 2)
            drain_h((nblk - 1) % 2)
            pltpu.sync_copy(hv[(nblk - 1) % 2],
                            acc_s.at[cidx[(nblk - 1) % 2]], add=True)

            plsc.subcore_barrier()

            @pl.loop(0, per_sub)
            def _(j):
                b = s + j * ns

                @pl.when(b < nzblk)
                def _():
                    pltpu.sync_copy(acc_s.at[pl.ds(b * ZR, ZR)],
                                    sum_hbm.at[pl.ds(c * H + b * ZR, ZR)])

            pltpu.sync_copy(hist_v, stage_s.at[s])
            plsc.subcore_barrier()

            @pl.when(s == 0)
            def _():
                @pl.loop(1, ns)
                def _(r):
                    pltpu.sync_copy(stage_s.at[r], tmp_v)

                    @pl.loop(0, HB, step=VC)
                    def _(v):
                        hist_v[pl.ds(v, VC)] = (hist_v[pl.ds(v, VC)]
                                                + tmp_v[pl.ds(v, VC)])

                pltpu.sync_copy(hist_v.at[pl.ds(0, H)],
                                cnt_hbm.at[pl.ds(c * H, H)])

        return k(h, col, zeros128)

    parts = [one_pass(p) for p in range(NP)]
    sums = (jnp.stack([q[0] for q in parts])
            .reshape(NP, nc, H, D).transpose(1, 0, 2, 3).reshape(NPAD, D))
    cnts = (jnp.stack([q[1] for q in parts])
            .reshape(NP, nc, H).transpose(1, 0, 2).reshape(NPAD,))
    return sums[:N], cnts[:N].reshape(N, 1)



def _node_mlp2(x, sums, cnts, batch2d, u, W1b, b1b, W2x, W2m, W2u, b2a, W2b, b2b):
    N, D = x.shape
    NG, DU = u.shape
    CW = cnts.shape[1]
    BN = 1000

    def body(x_ref, s_ref, c_ref, bt_ref, u_ref, w1b_ref, b1b_ref,
             w2x_ref, w2m_ref, w2u_ref, b2a_ref, w2b_ref, b2b_ref, o_ref):
        s = s_ref[...]
        cnt = c_ref[:, :1]
        summed = _dot(s, w1b_ref[...]) + cnt * b1b_ref[...]
        mean = summed / jnp.maximum(cnt, 1.0)
        oh = (bt_ref[...] == lax.broadcasted_iota(jnp.int32, (1, NG), 1)).astype(F32)
        ug = _dot(oh, _dot(u_ref[...], w2u_ref[...]))
        h2 = jnp.maximum(
            _dot(x_ref[...], w2x_ref[...]) + _dot(mean, w2m_ref[...])
            + ug + b2a_ref[...], 0.0)
        o_ref[...] = _dot(h2, w2b_ref[...]) + b2b_ref[...]

    return pl.pallas_call(
        body,
        grid=(N // BN,),
        in_specs=[
            pl.BlockSpec((BN, D), lambda i: (i, 0)),
            pl.BlockSpec((BN, D), lambda i: (i, 0)),
            pl.BlockSpec((BN, CW), lambda i: (i, 0)),
            pl.BlockSpec((BN, 1), lambda i: (i, 0)),
            pl.BlockSpec((NG, DU), lambda i: (0, 0)),
            pl.BlockSpec((D, D), lambda i: (0, 0)),
            pl.BlockSpec((1, D), lambda i: (0, 0)),
            pl.BlockSpec((D, D), lambda i: (0, 0)),
            pl.BlockSpec((D, D), lambda i: (0, 0)),
            pl.BlockSpec((DU, D), lambda i: (0, 0)),
            pl.BlockSpec((1, D), lambda i: (0, 0)),
            pl.BlockSpec((D, D), lambda i: (0, 0)),
            pl.BlockSpec((1, D), lambda i: (0, 0)),
        ],
        out_specs=pl.BlockSpec((BN, D), lambda i: (i, 0)),
        out_shape=jax.ShapeDtypeStruct((N, D), F32),
    )(x, sums, cnts, batch2d, u, W1b, b1b, W2x, W2m, W2u, b2a, W2b, b2b)


def kernel(x, edge_index, edge_attr, u, batch, W1a, b1a, W1b, b1b, W2a, b2a, W2b, b2b):
    N, D = x.shape
    E = edge_index.shape[1]

    row = edge_index[0].astype(jnp.int32)
    col = edge_index[1].astype(jnp.int32)
    batch2d = batch.astype(jnp.int32).reshape(N, 1)
    b1a2 = b1a.reshape(1, -1)
    b1b2 = b1b.reshape(1, -1)
    b2a2 = b2a.reshape(1, -1)
    b2b2 = b2b.reshape(1, -1)
    W1x, W1e = W1a[:D], W1a[D:]
    W2x, W2m, W2u = W2a[:D], W2a[D : 2 * D], W2a[2 * D :]

    nc, ns = 2, 16

    xa = _node_premul(x, W1x, b1a2)
    g = _sc_gather(xa, row, nc, ns, 200)
    h = _edge_mlp(g, edge_attr, W1e)
    sums, cnts = _sc_scatter(h, col, N, nc, ns, 160)
    return _node_mlp2(x, sums, cnts, batch2d, u, W1b, b1b2,
                      W2x, W2m, W2u, b2a2, W2b, b2b2)

# --- scband reference (transcript-rebuilt; emitter-appended) ---
"""Pipeline reference for scband-node-model-44418551775948 (READ-ONLY COPY).

The authoritative reference and input builder live on the scoring server;
editing this copy changes nothing except your own understanding.
"""

import jax, jax.numpy as jnp
import numpy as np

N = 10000
E = 320000
D_FEAT = 128
D_EDGE = 16
D_U = 64
N_GRAPHS = 16
HIDDEN = 128


def setup_inputs(seed: int = 0) -> dict:
    key = jax.random.key(seed)
    ks = jax.random.split(key, 16)
    x = jax.random.normal(ks[0], (N, D_FEAT), dtype=jnp.float32)
    edge_index = jax.random.randint(ks[1], (2, E), 0, N, dtype=jnp.int64)
    edge_attr = jax.random.normal(ks[2], (E, D_EDGE), dtype=jnp.float32)
    u = jax.random.normal(ks[3], (N_GRAPHS, D_U), dtype=jnp.float32)
    batch = jnp.sort(jax.random.randint(ks[4], (N,), 0, N_GRAPHS, dtype=jnp.int64))
    d_in1 = D_FEAT + D_EDGE
    d_in2 = D_FEAT + D_FEAT + D_U
    W1a = jax.random.normal(ks[5], (d_in1, HIDDEN), dtype=jnp.float32) * (1.0 / np.sqrt(d_in1))
    b1a = jnp.zeros((HIDDEN,), dtype=jnp.float32)
    W1b = jax.random.normal(ks[6], (HIDDEN, D_FEAT), dtype=jnp.float32) * (1.0 / np.sqrt(HIDDEN))
    b1b = jnp.zeros((D_FEAT,), dtype=jnp.float32)
    W2a = jax.random.normal(ks[7], (d_in2, HIDDEN), dtype=jnp.float32) * (1.0 / np.sqrt(d_in2))
    b2a = jnp.zeros((HIDDEN,), dtype=jnp.float32)
    W2b = jax.random.normal(ks[8], (HIDDEN, D_FEAT), dtype=jnp.float32) * (1.0 / np.sqrt(HIDDEN))
    b2b = jnp.zeros((D_FEAT,), dtype=jnp.float32)
    return {"x": x, "edge_index": edge_index, "edge_attr": edge_attr, "u": u, "batch": batch,
            "W1a": W1a, "b1a": b1a, "W1b": W1b, "b1b": b1b,
            "W2a": W2a, "b2a": b2a, "W2b": W2b, "b2b": b2b}


def reference(x, edge_index, edge_attr, u, batch, W1a, b1a, W1b, b1b, W2a, b2a, W2b, b2b):
    row = edge_index[0]
    col = edge_index[1]
    # node_mlp_1 on [x[row], edge_attr]
    out = jnp.concatenate([x[row], edge_attr], axis=1)
    out = jnp.maximum(out @ W1a + b1a, 0.0)
    out = out @ W1b + b1b
    # scatter-mean over destination nodes (col), dim_size = N
    summed = jax.ops.segment_sum(out, col, num_segments=x.shape[0])
    counts = jax.ops.segment_sum(jnp.ones((col.shape[0],), dtype=jnp.float32), col, num_segments=x.shape[0])
    mean = summed / jnp.maximum(counts, 1.0)[:, None]
    # node_mlp_2 on [x, aggregated, u[batch]]
    out2 = jnp.concatenate([x, mean, u[batch]], axis=1)
    out2 = jnp.maximum(out2 @ W2a + b2a, 0.0)
    out2 = out2 @ W2b + b2b
    return out2

if __name__ == "__main__":
    import jax
    _d = setup_inputs()
    print(jax.jit(kernel)(*tuple(_d.values())))

</pallas_src>

<mosaic_0001>
#map = affine_map<(d0, d1) -> (0, 0)>
#map1 = affine_map<(d0, d1) -> (0)>
module attributes {stable_mosaic.version = 14 : i64} {
  func.func @k(%arg0: i32, %arg1: i32, %arg2: memref<320000x128xf32, #tpu.memory_space<hbm>>, %arg3: memref<320000xi32, #tpu.memory_space<hbm>>, %arg4: memref<40x128xf32, #tpu.memory_space<hbm>>, %arg5: memref<5040x128xf32, #tpu.memory_space<hbm>>, %arg6: memref<5040xf32, #tpu.memory_space<hbm>>, %arg7: memref<160xi32, #tpu.memory_space<vmem>>, %arg8: memref<160xi32, #tpu.memory_space<vmem>>, %arg9: memref<160x128xf32, #tpu.memory_space<vmem>>, %arg10: memref<160x128xf32, #tpu.memory_space<vmem>>, %arg11: memref<2560xf32, #tpu.memory_space<vmem>>, %arg12: memref<2560xf32, #tpu.memory_space<vmem>>, %arg13: memref<2528x128xf32, #tpu.memory_space<vmem_shared>>, %arg14: memref<16x2560xf32, #tpu.memory_space<vmem_shared>>, %arg15: memref<!tpu.dma_semaphore, #tpu.memory_space<semaphore_mem>>, %arg16: memref<!tpu.dma_semaphore, #tpu.memory_space<semaphore_mem>>) attributes {dimension_semantics = [#tpu.dimension_semantics<core_parallel>, #tpu.dimension_semantics<subcore_parallel>], iteration_bounds = array<i64: 2, 16>, scalar_prefetch = 0 : i64, scratch_operands = 10 : i64, tpu.core_type = #tpu.core_type<sc_vector_subcore>, window_params = [{transform_indices = #map}, {transform_indices = #map1}, {transform_indices = #map}, {transform_indices = #map}, {transform_indices = #map1}]} {
    %mul3A = arith.constant 5040 : i32
    %mul3A_0 = arith.muli %arg0, %mul3A : i32
    %add3A = arith.constant 0 : i32
    %add3A_1 = arith.addi %mul3A_0, %add3A : i32
    %mul3A_2 = arith.constant 20000 : i32
    %mul3A_3 = arith.muli %arg1, %mul3A_2 : i32
    %broadcast_in_dim3A = arith.constant 1.000000e+00 : f32
    %broadcast_in_dim3A_4 = vector.broadcast %broadcast_in_dim3A : f32 to vector<16xf32>
    %scan3A = arith.constant 0 : i32
    %scan3A_5 = arith.constant 4 : i32
    %scan3A_6 = arith.addi %scan3A, %scan3A_5 : i32
    %scan3A_7 = arith.constant 1 : i32
    scf.for %scan3A_43 = %scan3A to %scan3A_6 step %scan3A_7  : i32 {
      %mul3A_44 = arith.constant 1 : i32
      %mul3A_45 = arith.muli %scan3A_43, %mul3A_44 : i32
      %add3A_46 = arith.constant 0 : i32
      %add3A_47 = arith.addi %add3A_46, %mul3A_45 : i32
      %mul3A_48 = arith.constant 16 : i32
      %mul3A_49 = arith.muli %add3A_47, %mul3A_48 : i32
      %add3A_50 = arith.addi %arg1, %mul3A_49 : i32
      %lt3A = arith.constant 63 : i32
      %lt3A_51 = arith.cmpi slt, %add3A_50, %lt3A : i32
      %convert_element_type3A_52 = arith.extui %lt3A_51 : i1 to i32
      %cond3A_53 = arith.constant 0 : i32
      %cond3A_54 = arith.cmpi ne, %convert_element_type3A_52, %cond3A_53 : i32
      scf.if %cond3A_54 {
        %mul3A_55 = arith.constant 40 : i32
        %mul3A_56 = arith.muli %add3A_50, %mul3A_55 : i32
        "tpu.region"() ({
          %run_scoped3A = tpu.sem_alloc : memref<!tpu.dma_semaphore, #tpu.memory_space<semaphore_mem>>
          %dma_start3A_57 = arith.constant 0 : i32
          %dma_start3A_58 = tpu.memref_slice %arg13[%mul3A_56, %dma_start3A_57] : memref<2528x128xf32, #tpu.memory_space<vmem_shared>> -> memref<40x128xf32, #tpu.memory_space<vmem_shared>>
          tpu.enqueue_dma source(%arg4 : memref<40x128xf32, #tpu.memory_space<hbm>>) target(%dma_start3A_58 : memref<40x128xf32, #tpu.memory_space<vmem_shared>>) target_semaphore(%run_scoped3A : memref<!tpu.dma_semaphore, #tpu.memory_space<semaphore_mem>>)
          %dma_wait3A_59 = arith.constant 0 : i32
          %dma_wait3A_60 = tpu.memref_slice %arg13[%mul3A_56, %dma_wait3A_59] : memref<2528x128xf32, #tpu.memory_space<vmem_shared>> -> memref<40x128xf32, #tpu.memory_space<vmem_shared>>
          tpu.wait_dma2 semaphore(%run_scoped3A : memref<!tpu.dma_semaphore, #tpu.memory_space<semaphore_mem>>) src(%arg4 : memref<40x128xf32, #tpu.memory_space<hbm>>) dst(%dma_wait3A_60 : memref<40x128xf32, #tpu.memory_space<vmem_shared>>)
          tpu.yield
        }) : () -> ()
      } else {
      }
    }
    %scan3A_8 = arith.constant 4 : i32
    %scan3A_9 = arith.constant 0 : i32
    %scan3A_10 = arith.constant 160 : i32
    %scan3A_11 = arith.addi %scan3A_9, %scan3A_10 : i32
    %scan3A_12 = arith.constant 1 : i32
    scf.for %scan3A_43 = %scan3A_9 to %scan3A_11 step %scan3A_12  : i32 {
      %mul3A_44 = arith.constant 16 : i32
      %mul3A_45 = arith.muli %scan3A_43, %mul3A_44 : i32
      %add3A_46 = arith.constant 0 : i32
      %add3A_47 = arith.addi %add3A_46, %mul3A_45 : i32
      %broadcast_in_dim3A_48 = arith.constant 0.000000e+00 : f32
      %broadcast_in_dim3A_49 = vector.broadcast %broadcast_in_dim3A_48 : f32 to vector<16xf32>
      %swap3A = arith.index_cast %add3A_47 : i32 to index
      %swap3A_50 = tpu.vector_load %arg11[%swap3A] {strides = array<i32>} : memref<2560xf32, #tpu.memory_space<vmem>>, vector<16xf32>,
      tpu.vector_store %arg11[%swap3A], %broadcast_in_dim3A_49 {strides = array<i32>} : memref<2560xf32, #tpu.memory_space<vmem>>, vector<16xf32>,
    }
    %scan3A_13 = arith.constant 160 : i32
    %barrier3A = arith.constant 0 : index
    tpu.barrier barrier_id(%barrier3A)
    %add3A_14 = arith.constant 0 : i32
    %add3A_15 = arith.addi %mul3A_3, %add3A_14 : i32
    "tpu.region"() ({
      %run_scoped3A = tpu.sem_alloc : memref<!tpu.dma_semaphore, #tpu.memory_space<semaphore_mem>>
      %dma_start3A_43 = tpu.memref_slice %arg3[%add3A_15] : memref<320000xi32, #tpu.memory_space<hbm>> -> memref<160xi32, #tpu.memory_space<hbm>>
      %dma_start3A_44 = tpu.memref_slice %arg3[%add3A_15] : memref<320000xi32, #tpu.memory_space<hbm>> -> memref<160xi32, #tpu.memory_space<hbm>>
      tpu.enqueue_dma source(%dma_start3A_44 : memref<160xi32, #tpu.memory_space<hbm>>) target(%arg7 : memref<160xi32, #tpu.memory_space<vmem>>) target_semaphore(%run_scoped3A : memref<!tpu.dma_semaphore, #tpu.memory_space<semaphore_mem>>)
      %dma_wait3A_45 = tpu.memref_slice %arg3[%add3A_15] : memref<320000xi32, #tpu.memory_space<hbm>> -> memref<160xi32, #tpu.memory_space<hbm>>
      %dma_wait3A_46 = tpu.memref_slice %arg3[%add3A_15] : memref<320000xi32, #tpu.memory_space<hbm>> -> memref<160xi32, #tpu.memory_space<hbm>>
      tpu.wait_dma2 semaphore(%run_scoped3A : memref<!tpu.dma_semaphore, #tpu.memory_space<semaphore_mem>>) src(%dma_wait3A_46 : memref<160xi32, #tpu.memory_space<hbm>>) dst(%arg7 : memref<160xi32, #tpu.memory_space<vmem>>)
      tpu.yield
    }) : () -> ()
    %dma_start3A = arith.constant 0 : i32
    %dma_start3A_16 = tpu.memref_slice %arg2[%add3A_15, %dma_start3A] : memref<320000x128xf32, #tpu.memory_space<hbm>> -> memref<160x128xf32, #tpu.memory_space<hbm>>
    %dma_start3A_17 = arith.constant 0 : i32
    %dma_start3A_18 = tpu.memref_slice %arg2[%add3A_15, %dma_start3A_17] : memref<320000x128xf32, #tpu.memory_space<hbm>> -> memref<160x128xf32, #tpu.memory_space<hbm>>
    tpu.enqueue_dma source(%dma_start3A_18 : memref<160x128xf32, #tpu.memory_space<hbm>>) target(%arg9 : memref<160x128xf32, #tpu.memory_space<vmem>>) target_semaphore(%arg15 : memref<!tpu.dma_semaphore, #tpu.memory_space<semaphore_mem>>)
    %scan3A_19 = arith.constant 0 : i32
    %scan3A_20 = arith.constant 62 : i32
    %scan3A_21 = arith.addi %scan3A_19, %scan3A_20 : i32
    %scan3A_22 = arith.constant 1 : i32
    scf.for %scan3A_43 = %scan3A_19 to %scan3A_21 step %scan3A_22  : i32 {
      %mul3A_44 = arith.constant 2 : i32
      %mul3A_45 = arith.muli %scan3A_43, %mul3A_44 : i32
      %add3A_46 = arith.constant 0 : i32
      %add3A_47 = arith.addi %add3A_46, %mul3A_45 : i32
      %add3A_48 = arith.constant 0 : i32
      %add3A_49 = arith.addi %add3A_47, %add3A_48 : i32
      %scan3A_50 = arith.constant 0 : i32
      %scan3A_51 = arith.constant 10 : i32
      %scan3A_52 = arith.addi %scan3A_50, %scan3A_51 : i32
      %scan3A_53 = arith.constant 1 : i32
      scf.for %scan3A_87 = %scan3A_50 to %scan3A_52 step %scan3A_53  : i32 {
        %mul3A_88 = arith.constant 16 : i32
        %mul3A_89 = arith.muli %scan3A_87, %mul3A_88 : i32
        %add3A_90 = arith.constant 0 : i32
        %add3A_91 = arith.addi %add3A_90, %mul3A_89 : i32
        %get3A = arith.index_cast %add3A_91 : i32 to index
        %get3A_92 = tpu.vector_load %arg7[%get3A] {strides = array<i32>} : memref<160xi32, #tpu.memory_space<vmem>>, vector<16xi32>,
        %sub3A = vector.broadcast %add3A_1 : i32 to vector<16xi32>
        %sub3A_93 = arith.subi %get3A_92, %sub3A : vector<16xi32>
        %ge3A = arith.constant 0 : i32
        %ge3A_94 = vector.broadcast %ge3A : i32 to vector<16xi32>
        %ge3A_95 = arith.cmpi sge, %sub3A_93, %ge3A_94 : vector<16xi32>
        %lt3A_96 = arith.constant 2520 : i32
        %lt3A_97 = vector.broadcast %lt3A_96 : i32 to vector<16xi32>
        %lt3A_98 = arith.cmpi slt, %sub3A_93, %lt3A_97 : vector<16xi32>
        %and3A = arith.andi %ge3A_95, %lt3A_98 : vector<16xi1>
        %jit3A = arith.constant 2520 : i32
        %broadcast_in_dim3A_99 = vector.broadcast %jit3A : i32 to vector<16xi32>
        %select_n3A = arith.select %and3A, %sub3A_93, %broadcast_in_dim3A_99 : vector<16xi1>, vector<16xi32>
        %swap3A = arith.index_cast %add3A_91 : i32 to index
        %swap3A_100 = tpu.vector_load %arg7[%swap3A] {strides = array<i32>} : memref<160xi32, #tpu.memory_space<vmem>>, vector<16xi32>,
        tpu.vector_store %arg7[%swap3A], %select_n3A {strides = array<i32>} : memref<160xi32, #tpu.memory_space<vmem>>, vector<16xi32>,
        tpu.vector_store_idx %arg11[%select_n3A], %broadcast_in_dim3A_4 {add = true} : memref<2560xf32, #tpu.memory_space<vmem>>[vector<16xi32>], vector<16xf32>,
      }
      %scan3A_54 = arith.constant 10 : i32
      %add3A_55 = arith.constant 1 : i32
      %add3A_56 = arith.addi %add3A_49, %add3A_55 : i32
      %lt3A = arith.constant 125 : i32
      %lt3A_57 = arith.cmpi slt, %add3A_56, %lt3A : i32
      %convert_element_type3A_58 = arith.extui %lt3A_57 : i1 to i32
      %cond3A_59 = arith.constant 0 : i32
      %cond3A_60 = arith.cmpi ne, %convert_element_type3A_58, %cond3A_59 : i32
      scf.if %cond3A_60 {
        %add3A_87 = arith.constant 1 : i32
        %add3A_88 = arith.addi %add3A_49, %add3A_87 : i32
        %mul3A_89 = arith.constant 160 : i32
        %mul3A_90 = arith.muli %add3A_88, %mul3A_89 : i32
        %add3A_91 = arith.addi %mul3A_3, %mul3A_90 : i32
        "tpu.region"() ({
          %run_scoped3A = tpu.sem_alloc : memref<!tpu.dma_semaphore, #tpu.memory_space<semaphore_mem>>
          %dma_start3A_96 = tpu.memref_slice %arg3[%add3A_91] : memref<320000xi32, #tpu.memory_space<hbm>> -> memref<160xi32, #tpu.memory_space<hbm>>
          %dma_start3A_97 = tpu.memref_slice %arg3[%add3A_91] : memref<320000xi32, #tpu.memory_space<hbm>> -> memref<160xi32, #tpu.memory_space<hbm>>
          tpu.enqueue_dma source(%dma_start3A_97 : memref<160xi32, #tpu.memory_space<hbm>>) target(%arg8 : memref<160xi32, #tpu.memory_space<vmem>>) target_semaphore(%run_scoped3A : memref<!tpu.dma_semaphore, #tpu.memory_space<semaphore_mem>>)
          %dma_wait3A_98 = tpu.memref_slice %arg3[%add3A_91] : memref<320000xi32, #tpu.memory_space<hbm>> -> memref<160xi32, #tpu.memory_space<hbm>>
          %dma_wait3A_99 = tpu.memref_slice %arg3[%add3A_91] : memref<320000xi32, #tpu.memory_space<hbm>> -> memref<160xi32, #tpu.memory_space<hbm>>
          tpu.wait_dma2 semaphore(%run_scoped3A : memref<!tpu.dma_semaphore, #tpu.memory_space<semaphore_mem>>) src(%dma_wait3A_99 : memref<160xi32, #tpu.memory_space<hbm>>) dst(%arg8 : memref<160xi32, #tpu.memory_space<vmem>>)
          tpu.yield
        }) : () -> ()
        %dma_start3A_92 = arith.constant 0 : i32
        %dma_start3A_93 = tpu.memref_slice %arg2[%add3A_91, %dma_start3A_92] : memref<320000x128xf32, #tpu.memory_space<hbm>> -> memref<160x128xf32, #tpu.memory_space<hbm>>
        %dma_start3A_94 = arith.constant 0 : i32
        %dma_start3A_95 = tpu.memref_slice %arg2[%add3A_91, %dma_start3A_94] : memref<320000x128xf32, #tpu.memory_space<hbm>> -> memref<160x128xf32, #tpu.memory_space<hbm>>
        tpu.enqueue_dma source(%dma_start3A_95 : memref<160x128xf32, #tpu.memory_space<hbm>>) target(%arg10 : memref<160x128xf32, #tpu.memory_space<vmem>>) target_semaphore(%arg16 : memref<!tpu.dma_semaphore, #tpu.memory_space<semaphore_mem>>)
      } else {
      }
      %dma_wait3A_61 = arith.constant 0 : i32
      %dma_wait3A_62 = arith.constant 0 : i32
      %dma_wait3A_63 = tpu.memref_slice %arg2[%dma_wait3A_61, %dma_wait3A_62] : memref<320000x128xf32, #tpu.memory_space<hbm>> -> memref<160x128xf32, #tpu.memory_space<hbm>>
      %dma_wait3A_64 = arith.constant 0 : i32
      %dma_wait3A_65 = arith.constant 0 : i32
      %dma_wait3A_66 = tpu.memref_slice %arg2[%dma_wait3A_64, %dma_wait3A_65] : memref<320000x128xf32, #tpu.memory_space<hbm>> -> memref<160x128xf32, #tpu.memory_space<hbm>>
      tpu.wait_dma2 semaphore(%arg15 : memref<!tpu.dma_semaphore, #tpu.memory_space<semaphore_mem>>) src(%dma_wait3A_66 : memref<160x128xf32, #tpu.memory_space<hbm>>) dst(%arg9 : memref<160x128xf32, #tpu.memory_space<vmem>>)
      "tpu.region"() ({
        %run_scoped3A = tpu.sem_alloc : memref<!tpu.dma_semaphore, #tpu.memory_space<semaphore_mem>>
        %dma_start3A_87 = arith.constant 0 : i32
        %dma_start3A_88 = arith.constant 0 : i32
        %dma_start3A_89 = tpu.memref_slice %arg13[%dma_start3A_87, %dma_start3A_88] : memref<2528x128xf32, #tpu.memory_space<vmem_shared>> -> memref<2528x128xf32, #tpu.memory_space<vmem_shared>>
        tpu.enqueue_indirect_dma source(%arg9 : memref<160x128xf32, #tpu.memory_space<vmem>>) target(%dma_start3A_89 : memref<2528x128xf32, #tpu.memory_space<vmem_shared>>) offsets(%arg7 : memref<160xi32, #tpu.memory_space<vmem>>) semaphore(%run_scoped3A : memref<!tpu.dma_semaphore, #tpu.memory_space<semaphore_mem>>) {add = true}
        %dma_wait3A_90 = arith.constant 0 : i32
        %dma_wait3A_91 = arith.constant 0 : i32
        %dma_wait3A_92 = tpu.memref_slice %arg13[%dma_wait3A_90, %dma_wait3A_91] : memref<2528x128xf32, #tpu.memory_space<vmem_shared>> -> memref<2528x128xf32, #tpu.memory_space<vmem_shared>>
        tpu.wait_indirect_dma semaphore(%run_scoped3A : memref<!tpu.dma_semaphore, #tpu.memory_space<semaphore_mem>>) src(%arg9 : memref<160x128xf32, #tpu.memory_space<vmem>>) dst(%dma_wait3A_92 : memref<2528x128xf32, #tpu.memory_space<vmem_shared>>)
        tpu.yield
      }) : () -> ()
      %add3A_67 = arith.constant 1 : i32
      %add3A_68 = arith.addi %add3A_47, %add3A_67 : i32
      %scan3A_69 = arith.constant 0 : i32
      %scan3A_70 = arith.constant 10 : i32
      %scan3A_71 = arith.addi %scan3A_69, %scan3A_70 : i32
      %scan3A_72 = arith.constant 1 : i32
      scf.for %scan3A_87 = %scan3A_69 to %scan3A_71 step %scan3A_72  : i32 {
        %mul3A_88 = arith.constant 16 : i32
        %mul3A_89 = arith.muli %scan3A_87, %mul3A_88 : i32
        %add3A_90 = arith.constant 0 : i32
        %add3A_91 = arith.addi %add3A_90, %mul3A_89 : i32
        %get3A = arith.index_cast %add3A_91 : i32 to index
        %get3A_92 = tpu.vector_load %arg8[%get3A] {strides = array<i32>} : memref<160xi32, #tpu.memory_space<vmem>>, vector<16xi32>,
        %sub3A = vector.broadcast %add3A_1 : i32 to vector<16xi32>
        %sub3A_93 = arith.subi %get3A_92, %sub3A : vector<16xi32>
        %ge3A = arith.constant 0 : i32
        %ge3A_94 = vector.broadcast %ge3A : i32 to vector<16xi32>
        %ge3A_95 = arith.cmpi sge, %sub3A_93, %ge3A_94 : vector<16xi32>
        %lt3A_96 = arith.constant 2520 : i32
        %lt3A_97 = vector.broadcast %lt3A_96 : i32 to vector<16xi32>
        %lt3A_98 = arith.cmpi slt, %sub3A_93, %lt3A_97 : vector<16xi32>
        %and3A = arith.andi %ge3A_95, %lt3A_98 : vector<16xi1>
        %jit3A = arith.constant 2520 : i32
        %broadcast_in_dim3A_99 = vector.broadcast %jit3A : i32 to vector<16xi32>
        %select_n3A = arith.select %and3A, %sub3A_93, %broadcast_in_dim3A_99 : vector<16xi1>, vector<16xi32>
        %swap3A = arith.index_cast %add3A_91 : i32 to index
        %swap3A_100 = tpu.vector_load %arg8[%swap3A] {strides = array<i32>} : memref<160xi32, #tpu.memory_space<vmem>>, vector<16xi32>,
        tpu.vector_store %arg8[%swap3A], %select_n3A {strides = array<i32>} : memref<160xi32, #tpu.memory_space<vmem>>, vector<16xi32>,
        tpu.vector_store_idx %arg11[%select_n3A], %broadcast_in_dim3A_4 {add = true} : memref<2560xf32, #tpu.memory_space<vmem>>[vector<16xi32>], vector<16xf32>,
      }
      %scan3A_73 = arith.constant 10 : i32
      %add3A_74 = arith.constant 1 : i32
      %add3A_75 = arith.addi %add3A_68, %add3A_74 : i32
      %lt3A_76 = arith.constant 125 : i32
      %lt3A_77 = arith.cmpi slt, %add3A_75, %lt3A_76 : i32
      %convert_element_type3A_78 = arith.extui %lt3A_77 : i1 to i32
      %cond3A_79 = arith.constant 0 : i32
      %cond3A_80 = arith.cmpi ne, %convert_element_type3A_78, %cond3A_79 : i32
      scf.if %cond3A_80 {
        %add3A_87 = arith.constant 1 : i32
        %add3A_88 = arith.addi %add3A_68, %add3A_87 : i32
        %mul3A_89 = arith.constant 160 : i32
        %mul3A_90 = arith.muli %add3A_88, %mul3A_89 : i32
        %add3A_91 = arith.addi %mul3A_3, %mul3A_90 : i32
        "tpu.region"() ({
          %run_scoped3A = tpu.sem_alloc : memref<!tpu.dma_semaphore, #tpu.memory_space<semaphore_mem>>
          %dma_start3A_96 = tpu.memref_slice %arg3[%add3A_91] : memref<320000xi32, #tpu.memory_space<hbm>> -> memref<160xi32, #tpu.memory_space<hbm>>
          %dma_start3A_97 = tpu.memref_slice %arg3[%add3A_91] : memref<320000xi32, #tpu.memory_space<hbm>> -> memref<160xi32, #tpu.memory_space<hbm>>
          tpu.enqueue_dma source(%dma_start3A_97 : memref<160xi32, #tpu.memory_space<hbm>>) target(%arg7 : memref<160xi32, #tpu.memory_space<vmem>>) target_semaphore(%run_scoped3A : memref<!tpu.dma_semaphore, #tpu.memory_space<semaphore_mem>>)
          %dma_wait3A_98 = tpu.memref_slice %arg3[%add3A_91] : memref<320000xi32, #tpu.memory_space<hbm>> -> memref<160xi32, #tpu.memory_space<hbm>>
          %dma_wait3A_99 = tpu.memref_slice %arg3[%add3A_91] : memref<320000xi32, #tpu.memory_space<hbm>> -> memref<160xi32, #tpu.memory_space<hbm>>
          tpu.wait_dma2 semaphore(%run_scoped3A : memref<!tpu.dma_semaphore, #tpu.memory_space<semaphore_mem>>) src(%dma_wait3A_99 : memref<160xi32, #tpu.memory_space<hbm>>) dst(%arg7 : memref<160xi32, #tpu.memory_space<vmem>>)
          tpu.yield
        }) : () -> ()
        %dma_start3A_92 = arith.constant 0 : i32
        %dma_start3A_93 = tpu.memref_slice %arg2[%add3A_91, %dma_start3A_92] : memref<320000x128xf32, #tpu.memory_space<hbm>> -> memref<160x128xf32, #tpu.memory_space<hbm>>
        %dma_start3A_94 = arith.constant 0 : i32
        %dma_start3A_95 = tpu.memref_slice %arg2[%add3A_91, %dma_start3A_94] : memref<320000x128xf32, #tpu.memory_space<hbm>> -> memref<160x128xf32, #tpu.memory_space<hbm>>
        tpu.enqueue_dma source(%dma_start3A_95 : memref<160x128xf32, #tpu.memory_space<hbm>>) target(%arg9 : memref<160x128xf32, #tpu.memory_space<vmem>>) target_semaphore(%arg15 : memref<!tpu.dma_semaphore, #tpu.memory_space<semaphore_mem>>)
      } else {
      }
      %dma_wait3A_81 = arith.constant 0 : i32
      %dma_wait3A_82 = arith.constant 0 : i32
      %dma_wait3A_83 = tpu.memref_slice %arg2[%dma_wait3A_81, %dma_wait3A_82] : memref<320000x128xf32, #tpu.memory_space<hbm>> -> memref<160x128xf32, #tpu.memory_space<hbm>>
      %dma_wait3A_84 = arith.constant 0 : i32
      %dma_wait3A_85 = arith.constant 0 : i32
      %dma_wait3A_86 = tpu.memref_slice %arg2[%dma_wait3A_84, %dma_wait3A_85] : memref<320000x128xf32, #tpu.memory_space<hbm>> -> memref<160x128xf32, #tpu.memory_space<hbm>>
      tpu.wait_dma2 semaphore(%arg16 : memref<!tpu.dma_semaphore, #tpu.memory_space<semaphore_mem>>) src(%dma_wait3A_86 : memref<160x128xf32, #tpu.memory_space<hbm>>) dst(%arg10 : memref<160x128xf32, #tpu.memory_space<vmem>>)
      "tpu.region"() ({
        %run_scoped3A = tpu.sem_alloc : memref<!tpu.dma_semaphore, #tpu.memory_space<semaphore_mem>>
        %dma_start3A_87 = arith.constant 0 : i32
        %dma_start3A_88 = arith.constant 0 : i32
        %dma_start3A_89 = tpu.memref_slice %arg13[%dma_start3A_87, %dma_start3A_88] : memref<2528x128xf32, #tpu.memory_space<vmem_shared>> -> memref<2528x128xf32, #tpu.memory_space<vmem_shared>>
        tpu.enqueue_indirect_dma source(%arg10 : memref<160x128xf32, #tpu.memory_space<vmem>>) target(%dma_start3A_89 : memref<2528x128xf32, #tpu.memory_space<vmem_shared>>) offsets(%arg8 : memref<160xi32, #tpu.memory_space<vmem>>) semaphore(%run_scoped3A : memref<!tpu.dma_semaphore, #tpu.memory_space<semaphore_mem>>) {add = true}
        %dma_wait3A_90 = arith.constant 0 : i32
        %dma_wait3A_91 = arith.constant 0 : i32
        %dma_wait3A_92 = tpu.memref_slice %arg13[%dma_wait3A_90, %dma_wait3A_91] : memref<2528x128xf32, #tpu.memory_space<vmem_shared>> -> memref<2528x128xf32, #tpu.memory_space<vmem_shared>>
        tpu.wait_indirect_dma semaphore(%run_scoped3A : memref<!tpu.dma_semaphore, #tpu.memory_space<semaphore_mem>>) src(%arg10 : memref<160x128xf32, #tpu.memory_space<vmem>>) dst(%dma_wait3A_92 : memref<2528x128xf32, #tpu.memory_space<vmem_shared>>)
        tpu.yield
      }) : () -> ()
    }
    %scan3A_23 = arith.constant 62 : i32
    %scan3A_24 = arith.constant 0 : i32
    %scan3A_25 = arith.constant 10 : i32
    %scan3A_26 = arith.addi %scan3A_24, %scan3A_25 : i32
    %scan3A_27 = arith.constant 1 : i32
    scf.for %scan3A_43 = %scan3A_24 to %scan3A_26 step %scan3A_27  : i32 {
      %mul3A_44 = arith.constant 16 : i32
      %mul3A_45 = arith.muli %scan3A_43, %mul3A_44 : i32
      %add3A_46 = arith.constant 0 : i32
      %add3A_47 = arith.addi %add3A_46, %mul3A_45 : i32
      %get3A = arith.index_cast %add3A_47 : i32 to index
      %get3A_48 = tpu.vector_load %arg7[%get3A] {strides = array<i32>} : memref<160xi32, #tpu.memory_space<vmem>>, vector<16xi32>,
      %sub3A = vector.broadcast %add3A_1 : i32 to vector<16xi32>
      %sub3A_49 = arith.subi %get3A_48, %sub3A : vector<16xi32>
      %ge3A = arith.constant 0 : i32
      %ge3A_50 = vector.broadcast %ge3A : i32 to vector<16xi32>
      %ge3A_51 = arith.cmpi sge, %sub3A_49, %ge3A_50 : vector<16xi32>
      %lt3A = arith.constant 2520 : i32
      %lt3A_52 = vector.broadcast %lt3A : i32 to vector<16xi32>
      %lt3A_53 = arith.cmpi slt, %sub3A_49, %lt3A_52 : vector<16xi32>
      %and3A = arith.andi %ge3A_51, %lt3A_53 : vector<16xi1>
      %jit3A = arith.constant 2520 : i32
      %broadcast_in_dim3A_54 = vector.broadcast %jit3A : i32 to vector<16xi32>
      %select_n3A = arith.select %and3A, %sub3A_49, %broadcast_in_dim3A_54 : vector<16xi1>, vector<16xi32>
      %swap3A = arith.index_cast %add3A_47 : i32 to index
      %swap3A_55 = tpu.vector_load %arg7[%swap3A] {strides = array<i32>} : memref<160xi32, #tpu.memory_space<vmem>>, vector<16xi32>,
      tpu.vector_store %arg7[%swap3A], %select_n3A {strides = array<i32>} : memref<160xi32, #tpu.memory_space<vmem>>, vector<16xi32>,
      tpu.vector_store_idx %arg11[%select_n3A], %broadcast_in_dim3A_4 {add = true} : memref<2560xf32, #tpu.memory_space<vmem>>[vector<16xi32>], vector<16xf32>,
    }
    %scan3A_28 = arith.constant 10 : i32
    %dma_wait3A = arith.constant 0 : i32
    %dma_wait3A_29 = arith.constant 0 : i32
    %dma_wait3A_30 = tpu.memref_slice %arg2[%dma_wait3A, %dma_wait3A_29] : memref<320000x128xf32, #tpu.memory_space<hbm>> -> memref<160x128xf32, #tpu.memory_space<hbm>>
    %dma_wait3A_31 = arith.constant 0 : i32
    %dma_wait3A_32 = arith.constant 0 : i32
    %dma_wait3A_33 = tpu.memref_slice %arg2[%dma_wait3A_31, %dma_wait3A_32] : memref<320000x128xf32, #tpu.memory_space<hbm>> -> memref<160x128xf32, #tpu.memory_space<hbm>>
    tpu.wait_dma2 semaphore(%arg15 : memref<!tpu.dma_semaphore, #tpu.memory_space<semaphore_mem>>) src(%dma_wait3A_33 : memref<160x128xf32, #tpu.memory_space<hbm>>) dst(%arg9 : memref<160x128xf32, #tpu.memory_space<vmem>>)
    "tpu.region"() ({
      %run_scoped3A = tpu.sem_alloc : memref<!tpu.dma_semaphore, #tpu.memory_space<semaphore_mem>>
      %dma_start3A_43 = arith.constant 0 : i32
      %dma_start3A_44 = arith.constant 0 : i32
      %dma_start3A_45 = tpu.memref_slice %arg13[%dma_start3A_43, %dma_start3A_44] : memref<2528x128xf32, #tpu.memory_space<vmem_shared>> -> memref<2528x128xf32, #tpu.memory_space<vmem_shared>>
      tpu.enqueue_indirect_dma source(%arg9 : memref<160x128xf32, #tpu.memory_space<vmem>>) target(%dma_start3A_45 : memref<2528x128xf32, #tpu.memory_space<vmem_shared>>) offsets(%arg7 : memref<160xi32, #tpu.memory_space<vmem>>) semaphore(%run_scoped3A : memref<!tpu.dma_semaphore, #tpu.memory_space<semaphore_mem>>) {add = true}
      %dma_wait3A_46 = arith.constant 0 : i32
      %dma_wait3A_47 = arith.constant 0 : i32
      %dma_wait3A_48 = tpu.memref_slice %arg13[%dma_wait3A_46, %dma_wait3A_47] : memref<2528x128xf32, #tpu.memory_space<vmem_shared>> -> memref<2528x128xf32, #tpu.memory_space<vmem_shared>>
      tpu.wait_indirect_dma semaphore(%run_scoped3A : memref<!tpu.dma_semaphore, #tpu.memory_space<semaphore_mem>>) src(%arg9 : memref<160x128xf32, #tpu.memory_space<vmem>>) dst(%dma_wait3A_48 : memref<2528x128xf32, #tpu.memory_space<vmem_shared>>)
      tpu.yield
    }) : () -> ()
    %barrier3A_34 = arith.constant 0 : index
    tpu.barrier barrier_id(%barrier3A_34)
    %scan3A_35 = arith.constant 0 : i32
    %scan3A_36 = arith.constant 4 : i32
    %scan3A_37 = arith.addi %scan3A_35, %scan3A_36 : i32
    %scan3A_38 = arith.constant 1 : i32
    scf.for %scan3A_43 = %scan3A_35 to %scan3A_37 step %scan3A_38  : i32 {
      %mul3A_44 = arith.constant 1 : i32
      %mul3A_45 = arith.muli %scan3A_43, %mul3A_44 : i32
      %add3A_46 = arith.constant 0 : i32
      %add3A_47 = arith.addi %add3A_46, %mul3A_45 : i32
      %mul3A_48 = arith.constant 16 : i32
      %mul3A_49 = arith.muli %add3A_47, %mul3A_48 : i32
      %add3A_50 = arith.addi %arg1, %mul3A_49 : i32
      %lt3A = arith.constant 63 : i32
      %lt3A_51 = arith.cmpi slt, %add3A_50, %lt3A : i32
      %convert_element_type3A_52 = arith.extui %lt3A_51 : i1 to i32
      %cond3A_53 = arith.constant 0 : i32
      %cond3A_54 = arith.cmpi ne, %convert_element_type3A_52, %cond3A_53 : i32
      scf.if %cond3A_54 {
        %mul3A_55 = arith.constant 40 : i32
        %mul3A_56 = arith.muli %add3A_50, %mul3A_55 : i32
        %mul3A_57 = arith.constant 2520 : i32
        %mul3A_58 = arith.muli %arg0, %mul3A_57 : i32
        %mul3A_59 = arith.constant 40 : i32
        %mul3A_60 = arith.muli %add3A_50, %mul3A_59 : i32
        %add3A_61 = arith.addi %mul3A_58, %mul3A_60 : i32
        "tpu.region"() ({
          %run_scoped3A = tpu.sem_alloc : memref<!tpu.dma_semaphore, #tpu.memory_space<semaphore_mem>>
          %dma_start3A_62 = arith.constant 0 : i32
          %dma_start3A_63 = tpu.memref_slice %arg5[%add3A_61, %dma_start3A_62] : memref<5040x128xf32, #tpu.memory_space<hbm>> -> memref<40x128xf32, #tpu.memory_space<hbm>>
          %dma_start3A_64 = arith.constant 0 : i32
          %dma_start3A_65 = tpu.memref_slice %arg13[%mul3A_56, %dma_start3A_64] : memref<2528x128xf32, #tpu.memory_space<vmem_shared>> -> memref<40x128xf32, #tpu.memory_space<vmem_shared>>
          tpu.enqueue_dma source(%dma_start3A_65 : memref<40x128xf32, #tpu.memory_space<vmem_shared>>) target(%dma_start3A_63 : memref<40x128xf32, #tpu.memory_space<hbm>>) target_semaphore(%run_scoped3A : memref<!tpu.dma_semaphore, #tpu.memory_space<semaphore_mem>>)
          %dma_wait3A_66 = arith.constant 0 : i32
          %dma_wait3A_67 = tpu.memref_slice %arg5[%add3A_61, %dma_wait3A_66] : memref<5040x128xf32, #tpu.memory_space<hbm>> -> memref<40x128xf32, #tpu.memory_space<hbm>>
          %dma_wait3A_68 = arith.constant 0 : i32
          %dma_wait3A_69 = tpu.memref_slice %arg13[%mul3A_56, %dma_wait3A_68] : memref<2528x128xf32, #tpu.memory_space<vmem_shared>> -> memref<40x128xf32, #tpu.memory_space<vmem_shared>>
          tpu.wait_dma2 semaphore(%run_scoped3A : memref<!tpu.dma_semaphore, #tpu.memory_space<semaphore_mem>>) src(%dma_wait3A_69 : memref<40x128xf32, #tpu.memory_space<vmem_shared>>) dst(%dma_wait3A_67 : memref<40x128xf32, #tpu.memory_space<hbm>>)
          tpu.yield
        }) : () -> ()
      } else {
      }
    }
    %scan3A_39 = arith.constant 4 : i32
    "tpu.region"() ({
      %run_scoped3A = tpu.sem_alloc : memref<!tpu.dma_semaphore, #tpu.memory_space<semaphore_mem>>
      %dma_start3A_43 = arith.constant 0 : i32
      %dma_start3A_44 = tpu.memref_slice %arg14[%arg1, %dma_start3A_43] : memref<16x2560xf32, #tpu.memory_space<vmem_shared>> -> memref<1x2560xf32, #tpu.memory_space<vmem_shared>>
      %dma_start3A_45 = tpu.memref_squeeze %dma_start3A_44 : memref<1x2560xf32, #tpu.memory_space<vmem_shared>> -> memref<2560xf32, #tpu.memory_space<vmem_shared>>
      %dma_start3A_46 = arith.constant 0 : i32
      %dma_start3A_47 = tpu.memref_slice %arg14[%arg1, %dma_start3A_46] : memref<16x2560xf32, #tpu.memory_space<vmem_shared>> -> memref<1x2560xf32, #tpu.memory_space<vmem_shared>>
      %dma_start3A_48 = tpu.memref_squeeze %dma_start3A_47 : memref<1x2560xf32, #tpu.memory_space<vmem_shared>> -> memref<2560xf32, #tpu.memory_space<vmem_shared>>
      tpu.enqueue_dma source(%arg11 : memref<2560xf32, #tpu.memory_space<vmem>>) target(%dma_start3A_48 : memref<2560xf32, #tpu.memory_space<vmem_shared>>) target_semaphore(%run_scoped3A : memref<!tpu.dma_semaphore, #tpu.memory_space<semaphore_mem>>)
      %dma_wait3A_49 = arith.constant 0 : i32
      %dma_wait3A_50 = tpu.memref_slice %arg14[%arg1, %dma_wait3A_49] : memref<16x2560xf32, #tpu.memory_space<vmem_shared>> -> memref<1x2560xf32, #tpu.memory_space<vmem_shared>>
      %dma_wait3A_51 = tpu.memref_squeeze %dma_wait3A_50 : memref<1x2560xf32, #tpu.memory_space<vmem_shared>> -> memref<2560xf32, #tpu.memory_space<vmem_shared>>
      %dma_wait3A_52 = arith.constant 0 : i32
      %dma_wait3A_53 = tpu.memref_slice %arg14[%arg1, %dma_wait3A_52] : memref<16x2560xf32, #tpu.memory_space<vmem_shared>> -> memref<1x2560xf32, #tpu.memory_space<vmem_shared>>
      %dma_wait3A_54 = tpu.memref_squeeze %dma_wait3A_53 : memref<1x2560xf32, #tpu.memory_space<vmem_shared>> -> memref<2560xf32, #tpu.memory_space<vmem_shared>>
      tpu.wait_dma2 semaphore(%run_scoped3A : memref<!tpu.dma_semaphore, #tpu.memory_space<semaphore_mem>>) src(%arg11 : memref<2560xf32, #tpu.memory_space<vmem>>) dst(%dma_wait3A_54 : memref<2560xf32, #tpu.memory_space<vmem_shared>>)
      tpu.yield
    }) : () -> ()
    %barrier3A_40 = arith.constant 0 : index
    tpu.barrier barrier_id(%barrier3A_40)
    %eq3A = arith.constant 0 : i32
    %eq3A_41 = arith.cmpi eq, %arg1, %eq3A : i32
    %convert_element_type3A = arith.extui %eq3A_41 : i1 to i32
    %cond3A = arith.constant 0 : i32
    %cond3A_42 = arith.cmpi ne, %convert_element_type3A, %cond3A : i32
    scf.if %cond3A_42 {
      %scan3A_43 = arith.constant 0 : i32
      %scan3A_44 = arith.constant 15 : i32
      %scan3A_45 = arith.addi %scan3A_43, %scan3A_44 : i32
      %scan3A_46 = arith.constant 1 : i32
      scf.for %scan3A_50 = %scan3A_43 to %scan3A_45 step %scan3A_46  : i32 {
        %mul3A_51 = arith.constant 1 : i32
        %mul3A_52 = arith.muli %scan3A_50, %mul3A_51 : i32
        %add3A_53 = arith.constant 1 : i32
        %add3A_54 = arith.addi %add3A_53, %mul3A_52 : i32
        "tpu.region"() ({
          %run_scoped3A = tpu.sem_alloc : memref<!tpu.dma_semaphore, #tpu.memory_space<semaphore_mem>>
          %dma_start3A_60 = arith.constant 0 : i32
          %dma_start3A_61 = tpu.memref_slice %arg14[%add3A_54, %dma_start3A_60] : memref<16x2560xf32, #tpu.memory_space<vmem_shared>> -> memref<1x2560xf32, #tpu.memory_space<vmem_shared>>
          %dma_start3A_62 = tpu.memref_squeeze %dma_start3A_61 : memref<1x2560xf32, #tpu.memory_space<vmem_shared>> -> memref<2560xf32, #tpu.memory_space<vmem_shared>>
          %dma_start3A_63 = arith.constant 0 : i32
          %dma_start3A_64 = tpu.memref_slice %arg14[%add3A_54, %dma_start3A_63] : memref<16x2560xf32, #tpu.memory_space<vmem_shared>> -> memref<1x2560xf32, #tpu.memory_space<vmem_shared>>
          %dma_start3A_65 = tpu.memref_squeeze %dma_start3A_64 : memref<1x2560xf32, #tpu.memory_space<vmem_shared>> -> memref<2560xf32, #tpu.memory_space<vmem_shared>>
          tpu.enqueue_dma source(%dma_start3A_65 : memref<2560xf32, #tpu.memory_space<vmem_shared>>) target(%arg12 : memref<2560xf32, #tpu.memory_space<vmem>>) target_semaphore(%run_scoped3A : memref<!tpu.dma_semaphore, #tpu.memory_space<semaphore_mem>>)
          %dma_wait3A_66 = arith.constant 0 : i32
          %dma_wait3A_67 = tpu.memref_slice %arg14[%add3A_54, %dma_wait3A_66] : memref<16x2560xf32, #tpu.memory_space<vmem_shared>> -> memref<1x2560xf32, #tpu.memory_space<vmem_shared>>
          %dma_wait3A_68 = tpu.memref_squeeze %dma_wait3A_67 : memref<1x2560xf32, #tpu.memory_space<vmem_shared>> -> memref<2560xf32, #tpu.memory_space<vmem_shared>>
          %dma_wait3A_69 = arith.constant 0 : i32
          %dma_wait3A_70 = tpu.memref_slice %arg14[%add3A_54, %dma_wait3A_69] : memref<16x2560xf32, #tpu.memory_space<vmem_shared>> -> memref<1x2560xf32, #tpu.memory_space<vmem_shared>>
          %dma_wait3A_71 = tpu.memref_squeeze %dma_wait3A_70 : memref<1x2560xf32, #tpu.memory_space<vmem_shared>> -> memref<2560xf32, #tpu.memory_space<vmem_shared>>
          tpu.wait_dma2 semaphore(%run_scoped3A : memref<!tpu.dma_semaphore, #tpu.memory_space<semaphore_mem>>) src(%dma_wait3A_71 : memref<2560xf32, #tpu.memory_space<vmem_shared>>) dst(%arg12 : memref<2560xf32, #tpu.memory_space<vmem>>)
          tpu.yield
        }) : () -> ()
        %scan3A_55 = arith.constant 0 : i32
        %scan3A_56 = arith.constant 160 : i32
        %scan3A_57 = arith.addi %scan3A_55, %scan3A_56 : i32
        %scan3A_58 = arith.constant 1 : i32
        scf.for %scan3A_60 = %scan3A_55 to %scan3A_57 step %scan3A_58  : i32 {
          %mul3A_61 = arith.constant 16 : i32
          %mul3A_62 = arith.muli %scan3A_60, %mul3A_61 : i32
          %add3A_63 = arith.constant 0 : i32
          %add3A_64 = arith.addi %add3A_63, %mul3A_62 : i32
          %get3A = arith.index_cast %add3A_64 : i32 to index
          %get3A_65 = tpu.vector_load %arg11[%get3A] {strides = array<i32>} : memref<2560xf32, #tpu.memory_space<vmem>>, vector<16xf32>,
          %get3A_66 = arith.index_cast %add3A_64 : i32 to index
          %get3A_67 = tpu.vector_load %arg12[%get3A_66] {strides = array<i32>} : memref<2560xf32, #tpu.memory_space<vmem>>, vector<16xf32>,
          %add3A_68 = arith.addf %get3A_65, %get3A_67 : vector<16xf32>
          %swap3A = arith.index_cast %add3A_64 : i32 to index
          %swap3A_69 = tpu.vector_load %arg11[%swap3A] {strides = array<i32>} : memref<2560xf32, #tpu.memory_space<vmem>>, vector<16xf32>,
          tpu.vector_store %arg11[%swap3A], %add3A_68 {strides = array<i32>} : memref<2560xf32, #tpu.memory_space<vmem>>, vector<16xf32>,
        }
        %scan3A_59 = arith.constant 160 : i32
      }
      %scan3A_47 = arith.constant 15 : i32
      %mul3A_48 = arith.constant 2520 : i32
      %mul3A_49 = arith.muli %arg0, %mul3A_48 : i32
      "tpu.region"() ({
        %run_scoped3A = tpu.sem_alloc : memref<!tpu.dma_semaphore, #tpu.memory_space<semaphore_mem>>
        %dma_start3A_50 = arith.constant 0 : i32
        %dma_start3A_51 = tpu.memref_slice %arg11[%dma_start3A_50] : memref<2560xf32, #tpu.memory_space<vmem>> -> memref<2520xf32, #tpu.memory_space<vmem>>
        %dma_start3A_52 = tpu.memref_slice %arg6[%mul3A_49] : memref<5040xf32, #tpu.memory_space<hbm>> -> memref<2520xf32, #tpu.memory_space<hbm>>
        %dma_start3A_53 = tpu.memref_slice %arg6[%mul3A_49] : memref<5040xf32, #tpu.memory_space<hbm>> -> memref<2520xf32, #tpu.memory_space<hbm>>
        %dma_start3A_54 = arith.constant 0 : i32
        %dma_start3A_55 = tpu.memref_slice %arg11[%dma_start3A_54] : memref<2560xf32, #tpu.memory_space<vmem>> -> memref<2520xf32, #tpu.memory_space<vmem>>
        tpu.enqueue_dma source(%dma_start3A_55 : memref<2520xf32, #tpu.memory_space<vmem>>) target(%dma_start3A_53 : memref<2520xf32, #tpu.memory_space<hbm>>) target_semaphore(%run_scoped3A : memref<!tpu.dma_semaphore, #tpu.memory_space<semaphore_mem>>)
        %dma_wait3A_56 = arith.constant 0 : i32
        %dma_wait3A_57 = tpu.memref_slice %arg11[%dma_wait3A_56] : memref<2560xf32, #tpu.memory_space<vmem>> -> memref<2520xf32, #tpu.memory_space<vmem>>
        %dma_wait3A_58 = tpu.memref_slice %arg6[%mul3A_49] : memref<5040xf32, #tpu.memory_space<hbm>> -> memref<2520xf32, #tpu.memory_space<hbm>>
        %dma_wait3A_59 = tpu.memref_slice %arg6[%mul3A_49] : memref<5040xf32, #tpu.memory_space<hbm>> -> memref<2520xf32, #tpu.memory_space<hbm>>
        %dma_wait3A_60 = arith.constant 0 : i32
        %dma_wait3A_61 = tpu.memref_slice %arg11[%dma_wait3A_60] : memref<2560xf32, #tpu.memory_space<vmem>> -> memref<2520xf32, #tpu.memory_space<vmem>>
        tpu.wait_dma2 semaphore(%run_scoped3A : memref<!tpu.dma_semaphore, #tpu.memory_space<semaphore_mem>>) src(%dma_wait3A_61 : memref<2520xf32, #tpu.memory_space<vmem>>) dst(%dma_wait3A_59 : memref<2520xf32, #tpu.memory_space<hbm>>)
        tpu.yield
      }) : () -> ()
    } else {
    }
    return
  }
}

#map = affine_map<(d0, d1) -> (0, 0)>
#map1 = affine_map<(d0, d1) -> (0)>
module attributes {stable_mosaic.version = 14 : i64} {
  func.func @k(%arg0: i32, %arg1: i32, %arg2: memref<320000x128xf32, #tpu.memory_space<hbm>>, %arg3: memref<320000xi32, #tpu.memory_space<hbm>>, %arg4: memref<40x128xf32, #tpu.memory_space<hbm>>, %arg5: memref<5040x128xf32, #tpu.memory_space<hbm>>, %arg6: memref<5040xf32, #tpu.memory_space<hbm>>, %arg7: memref<160xi32, #tpu.memory_space<vmem>>, %arg8: memref<160xi32, #tpu.memory_space<vmem>>, %arg9: memref<160x128xf32, #tpu.memory_space<vmem>>, %arg10: memref<160x128xf32, #tpu.memory_space<vmem>>, %arg11: memref<2560xf32, #tpu.memory_space<vmem>>, %arg12: memref<2560xf32, #tpu.memory_space<vmem>>, %arg13: memref<2528x128xf32, #tpu.memory_space<vmem_shared>>, %arg14: memref<16x2560xf32, #tpu.memory_space<vmem_shared>>, %arg15: memref<!tpu.dma_semaphore, #tpu.memory_space<semaphore_mem>>, %arg16: memref<!tpu.dma_semaphore, #tpu.memory_space<semaphore_mem>>) attributes {dimension_semantics = [#tpu.dimension_semantics<core_parallel>, #tpu.dimension_semantics<subcore_parallel>], iteration_bounds = array<i64: 2, 16>, scalar_prefetch = 0 : i64, scratch_operands = 10 : i64, tpu.core_type = #tpu.core_type<sc_vector_subcore>, window_params = [{transform_indices = #map}, {transform_indices = #map1}, {transform_indices = #map}, {transform_indices = #map}, {transform_indices = #map1}]} {
    %mul3A = arith.constant 5040 : i32
    %mul3A_0 = arith.muli %arg0, %mul3A : i32
    %add3A = arith.constant 2520 : i32
    %add3A_1 = arith.addi %mul3A_0, %add3A : i32
    %mul3A_2 = arith.constant 20000 : i32
    %mul3A_3 = arith.muli %arg1, %mul3A_2 : i32
    %broadcast_in_dim3A = arith.constant 1.000000e+00 : f32
    %broadcast_in_dim3A_4 = vector.broadcast %broadcast_in_dim3A : f32 to vector<16xf32>
    %scan3A = arith.constant 0 : i32
    %scan3A_5 = arith.constant 4 : i32
    %scan3A_6 = arith.addi %scan3A, %scan3A_5 : i32
    %scan3A_7 = arith.constant 1 : i32
    scf.for %scan3A_43 = %scan3A to %scan3A_6 step %scan3A_7  : i32 {
      %mul3A_44 = arith.constant 1 : i32
      %mul3A_45 = arith.muli %scan3A_43, %mul3A_44 : i32
      %add3A_46 = arith.constant 0 : i32
      %add3A_47 = arith.addi %add3A_46, %mul3A_45 : i32
      %mul3A_48 = arith.constant 16 : i32
      %mul3A_49 = arith.muli %add3A_47, %mul3A_48 : i32
      %add3A_50 = arith.addi %arg1, %mul3A_49 : i32
      %lt3A = arith.constant 63 : i32
      %lt3A_51 = arith.cmpi slt, %add3A_50, %lt3A : i32
      %convert_element_type3A_52 = arith.extui %lt3A_51 : i1 to i32
      %cond3A_53 = arith.constant 0 : i32
      %cond3A_54 = arith.cmpi ne, %convert_element_type3A_52, %cond3A_53 : i32
      scf.if %cond3A_54 {
        %mul3A_55 = arith.constant 40 : i32
        %mul3A_56 = arith.muli %add3A_50, %mul3A_55 : i32
        "tpu.region"() ({
          %run_scoped3A = tpu.sem_alloc : memref<!tpu.dma_semaphore, #tpu.memory_space<semaphore_mem>>
          %dma_start3A_57 = arith.constant 0 : i32
          %dma_start3A_58 = tpu.memref_slice %arg13[%mul3A_56, %dma_start3A_57] : memref<2528x128xf32, #tpu.memory_space<vmem_shared>> -> memref<40x128xf32, #tpu.memory_space<vmem_shared>>
          tpu.enqueue_dma source(%arg4 : memref<40x128xf32, #tpu.memory_space<hbm>>) target(%dma_start3A_58 : memref<40x128xf32, #tpu.memory_space<vmem_shared>>) target_semaphore(%run_scoped3A : memref<!tpu.dma_semaphore, #tpu.memory_space<semaphore_mem>>)
          %dma_wait3A_59 = arith.constant 0 : i32
          %dma_wait3A_60 = tpu.memref_slice %arg13[%mul3A_56, %dma_wait3A_59] : memref<2528x128xf32, #tpu.memory_space<vmem_shared>> -> memref<40x128xf32, #tpu.memory_space<vmem_shared>>
          tpu.wait_dma2 semaphore(%run_scoped3A : memref<!tpu.dma_semaphore, #tpu.memory_space<semaphore_mem>>) src(%arg4 : memref<40x128xf32, #tpu.memory_space<hbm>>) dst(%dma_wait3A_60 : memref<40x128xf32, #tpu.memory_space<vmem_shared>>)
          tpu.yield
        }) : () -> ()
      } else {
      }
    }
    %scan3A_8 = arith.constant 4 : i32
    %scan3A_9 = arith.constant 0 : i32
    %scan3A_10 = arith.constant 160 : i32
    %scan3A_11 = arith.addi %scan3A_9, %scan3A_10 : i32
    %scan3A_12 = arith.constant 1 : i32
    scf.for %scan3A_43 = %scan3A_9 to %scan3A_11 step %scan3A_12  : i32 {
      %mul3A_44 = arith.constant 16 : i32
      %mul3A_45 = arith.muli %scan3A_43, %mul3A_44 : i32
      %add3A_46 = arith.constant 0 : i32
      %add3A_47 = arith.addi %add3A_46, %mul3A_45 : i32
      %broadcast_in_dim3A_48 = arith.constant 0.000000e+00 : f32
      %broadcast_in_dim3A_49 = vector.broadcast %broadcast_in_dim3A_48 : f32 to vector<16xf32>
      %swap3A = arith.index_cast %add3A_47 : i32 to index
      %swap3A_50 = tpu.vector_load %arg11[%swap3A] {strides = array<i32>} : memref<2560xf32, #tpu.memory_space<vmem>>, vector<16xf32>,
      tpu.vector_store %arg11[%swap3A], %broadcast_in_dim3A_49 {strides = array<i32>} : memref<2560xf32, #tpu.memory_space<vmem>>, vector<16xf32>,
    }
    %scan3A_13 = arith.constant 160 : i32
    %barrier3A = arith.constant 0 : index
    tpu.barrier barrier_id(%barrier3A)
    %add3A_14 = arith.constant 0 : i32
    %add3A_15 = arith.addi %mul3A_3, %add3A_14 : i32
    "tpu.region"() ({
      %run_scoped3A = tpu.sem_alloc : memref<!tpu.dma_semaphore, #tpu.memory_space<semaphore_mem>>
      %dma_start3A_43 = tpu.memref_slice %arg3[%add3A_15] : memref<320000xi32, #tpu.memory_space<hbm>> -> memref<160xi32, #tpu.memory_space<hbm>>
      %dma_start3A_44 = tpu.memref_slice %arg3[%add3A_15] : memref<320000xi32, #tpu.memory_space<hbm>> -> memref<160xi32, #tpu.memory_space<hbm>>
      tpu.enqueue_dma source(%dma_start3A_44 : memref<160xi32, #tpu.memory_space<hbm>>) target(%arg7 : memref<160xi32, #tpu.memory_space<vmem>>) target_semaphore(%run_scoped3A : memref<!tpu.dma_semaphore, #tpu.memory_space<semaphore_mem>>)
      %dma_wait3A_45 = tpu.memref_slice %arg3[%add3A_15] : memref<320000xi32, #tpu.memory_space<hbm>> -> memref<160xi32, #tpu.memory_space<hbm>>
      %dma_wait3A_46 = tpu.memref_slice %arg3[%add3A_15] : memref<320000xi32, #tpu.memory_space<hbm>> -> memref<160xi32, #tpu.memory_space<hbm>>
      tpu.wait_dma2 semaphore(%run_scoped3A : memref<!tpu.dma_semaphore, #tpu.memory_space<semaphore_mem>>) src(%dma_wait3A_46 : memref<160xi32, #tpu.memory_space<hbm>>) dst(%arg7 : memref<160xi32, #tpu.memory_space<vmem>>)
      tpu.yield
    }) : () -> ()
    %dma_start3A = arith.constant 0 : i32
    %dma_start3A_16 = tpu.memref_slice %arg2[%add3A_15, %dma_start3A] : memref<320000x128xf32, #tpu.memory_space<hbm>> -> memref<160x128xf32, #tpu.memory_space<hbm>>
    %dma_start3A_17 = arith.constant 0 : i32
    %dma_start3A_18 = tpu.memref_slice %arg2[%add3A_15, %dma_start3A_17] : memref<320000x128xf32, #tpu.memory_space<hbm>> -> memref<160x128xf32, #tpu.memory_space<hbm>>
    tpu.enqueue_dma source(%dma_start3A_18 : memref<160x128xf32, #tpu.memory_space<hbm>>) target(%arg9 : memref<160x128xf32, #tpu.memory_space<vmem>>) target_semaphore(%arg15 : memref<!tpu.dma_semaphore, #tpu.memory_space<semaphore_mem>>)
    %scan3A_19 = arith.constant 0 : i32
    %scan3A_20 = arith.constant 62 : i32
    %scan3A_21 = arith.addi %scan3A_19, %scan3A_20 : i32
    %scan3A_22 = arith.constant 1 : i32
    scf.for %scan3A_43 = %scan3A_19 to %scan3A_21 step %scan3A_22  : i32 {
      %mul3A_44 = arith.constant 2 : i32
      %mul3A_45 = arith.muli %scan3A_43, %mul3A_44 : i32
      %add3A_46 = arith.constant 0 : i32
      %add3A_47 = arith.addi %add3A_46, %mul3A_45 : i32
      %add3A_48 = arith.constant 0 : i32
      %add3A_49 = arith.addi %add3A_47, %add3A_48 : i32
      %scan3A_50 = arith.constant 0 : i32
      %scan3A_51 = arith.constant 10 : i32
      %scan3A_52 = arith.addi %scan3A_50, %scan3A_51 : i32
      %scan3A_53 = arith.constant 1 : i32
      scf.for %scan3A_87 = %scan3A_50 to %scan3A_52 step %scan3A_53  : i32 {
        %mul3A_88 = arith.constant 16 : i32
        %mul3A_89 = arith.muli %scan3A_87, %mul3A_88 : i32
        %add3A_90 = arith.constant 0 : i32
        %add3A_91 = arith.addi %add3A_90, %mul3A_89 : i32
        %get3A = arith.index_cast %add3A_91 : i32 to index
        %get3A_92 = tpu.vector_load %arg7[%get3A] {strides = array<i32>} : memref<160xi32, #tpu.memory_space<vmem>>, vector<16xi32>,
        %sub3A = vector.broadcast %add3A_1 : i32 to vector<16xi32>
        %sub3A_93 = arith.subi %get3A_92, %sub3A : vector<16xi32>
        %ge3A = arith.constant 0 : i32
        %ge3A_94 = vector.broadcast %ge3A : i32 to vector<16xi32>
        %ge3A_95 = arith.cmpi sge, %sub3A_93, %ge3A_94 : vector<16xi32>
        %lt3A_96 = arith.constant 2520 : i32
        %lt3A_97 = vector.broadcast %lt3A_96 : i32 to vector<16xi32>
        %lt3A_98 = arith.cmpi slt, %sub3A_93, %lt3A_97 : vector<16xi32>
        %and3A = arith.andi %ge3A_95, %lt3A_98 : vector<16xi1>
        %jit3A = arith.constant 2520 : i32
        %broadcast_in_dim3A_99 = vector.broadcast %jit3A : i32 to vector<16xi32>
        %select_n3A = arith.select %and3A, %sub3A_93, %broadcast_in_dim3A_99 : vector<16xi1>, vector<16xi32>
        %swap3A = arith.index_cast %add3A_91 : i32 to index
        %swap3A_100 = tpu.vector_load %arg7[%swap3A] {strides = array<i32>} : memref<160xi32, #tpu.memory_space<vmem>>, vector<16xi32>,
        tpu.vector_store %arg7[%swap3A], %select_n3A {strides = array<i32>} : memref<160xi32, #tpu.memory_space<vmem>>, vector<16xi32>,
        tpu.vector_store_idx %arg11[%select_n3A], %broadcast_in_dim3A_4 {add = true} : memref<2560xf32, #tpu.memory_space<vmem>>[vector<16xi32>], vector<16xf32>,
      }
      %scan3A_54 = arith.constant 10 : i32
      %add3A_55 = arith.constant 1 : i32
      %add3A_56 = arith.addi %add3A_49, %add3A_55 : i32
      %lt3A = arith.constant 125 : i32
      %lt3A_57 = arith.cmpi slt, %add3A_56, %lt3A : i32
      %convert_element_type3A_58 = arith.extui %lt3A_57 : i1 to i32
      %cond3A_59 = arith.constant 0 : i32
      %cond3A_60 = arith.cmpi ne, %convert_element_type3A_58, %cond3A_59 : i32
      scf.if %cond3A_60 {
        %add3A_87 = arith.constant 1 : i32
        %add3A_88 = arith.addi %add3A_49, %add3A_87 : i32
        %mul3A_89 = arith.constant 160 : i32
        %mul3A_90 = arith.muli %add3A_88, %mul3A_89 : i32
        %add3A_91 = arith.addi %mul3A_3, %mul3A_90 : i32
        "tpu.region"() ({
          %run_scoped3A = tpu.sem_alloc : memref<!tpu.dma_semaphore, #tpu.memory_space<semaphore_mem>>
          %dma_start3A_96 = tpu.memref_slice %arg3[%add3A_91] : memref<320000xi32, #tpu.memory_space<hbm>> -> memref<160xi32, #tpu.memory_space<hbm>>
          %dma_start3A_97 = tpu.memref_slice %arg3[%add3A_91] : memref<320000xi32, #tpu.memory_space<hbm>> -> memref<160xi32, #tpu.memory_space<hbm>>
          tpu.enqueue_dma source(%dma_start3A_97 : memref<160xi32, #tpu.memory_space<hbm>>) target(%arg8 : memref<160xi32, #tpu.memory_space<vmem>>) target_semaphore(%run_scoped3A : memref<!tpu.dma_semaphore, #tpu.memory_space<semaphore_mem>>)
          %dma_wait3A_98 = tpu.memref_slice %arg3[%add3A_91] : memref<320000xi32, #tpu.memory_space<hbm>> -> memref<160xi32, #tpu.memory_space<hbm>>
          %dma_wait3A_99 = tpu.memref_slice %arg3[%add3A_91] : memref<320000xi32, #tpu.memory_space<hbm>> -> memref<160xi32, #tpu.memory_space<hbm>>
          tpu.wait_dma2 semaphore(%run_scoped3A : memref<!tpu.dma_semaphore, #tpu.memory_space<semaphore_mem>>) src(%dma_wait3A_99 : memref<160xi32, #tpu.memory_space<hbm>>) dst(%arg8 : memref<160xi32, #tpu.memory_space<vmem>>)
          tpu.yield
        }) : () -> ()
        %dma_start3A_92 = arith.constant 0 : i32
        %dma_start3A_93 = tpu.memref_slice %arg2[%add3A_91, %dma_start3A_92] : memref<320000x128xf32, #tpu.memory_space<hbm>> -> memref<160x128xf32, #tpu.memory_space<hbm>>
        %dma_start3A_94 = arith.constant 0 : i32
        %dma_start3A_95 = tpu.memref_slice %arg2[%add3A_91, %dma_start3A_94] : memref<320000x128xf32, #tpu.memory_space<hbm>> -> memref<160x128xf32, #tpu.memory_space<hbm>>
        tpu.enqueue_dma source(%dma_start3A_95 : memref<160x128xf32, #tpu.memory_space<hbm>>) target(%arg10 : memref<160x128xf32, #tpu.memory_space<vmem>>) target_semaphore(%arg16 : memref<!tpu.dma_semaphore, #tpu.memory_space<semaphore_mem>>)
      } else {
      }
      %dma_wait3A_61 = arith.constant 0 : i32
      %dma_wait3A_62 = arith.constant 0 : i32
      %dma_wait3A_63 = tpu.memref_slice %arg2[%dma_wait3A_61, %dma_wait3A_62] : memref<320000x128xf32, #tpu.memory_space<hbm>> -> memref<160x128xf32, #tpu.memory_space<hbm>>
      %dma_wait3A_64 = arith.constant 0 : i32
      %dma_wait3A_65 = arith.constant 0 : i32
      %dma_wait3A_66 = tpu.memref_slice %arg2[%dma_wait3A_64, %dma_wait3A_65] : memref<320000x128xf32, #tpu.memory_space<hbm>> -> memref<160x128xf32, #tpu.memory_space<hbm>>
      tpu.wait_dma2 semaphore(%arg15 : memref<!tpu.dma_semaphore, #tpu.memory_space<semaphore_mem>>) src(%dma_wait3A_66 : memref<160x128xf32, #tpu.memory_space<hbm>>) dst(%arg9 : memref<160x128xf32, #tpu.memory_space<vmem>>)
      "tpu.region"() ({
        %run_scoped3A = tpu.sem_alloc : memref<!tpu.dma_semaphore, #tpu.memory_space<semaphore_mem>>
        %dma_start3A_87 = arith.constant 0 : i32
        %dma_start3A_88 = arith.constant 0 : i32
        %dma_start3A_89 = tpu.memref_slice %arg13[%dma_start3A_87, %dma_start3A_88] : memref<2528x128xf32, #tpu.memory_space<vmem_shared>> -> memref<2528x128xf32, #tpu.memory_space<vmem_shared>>
        tpu.enqueue_indirect_dma source(%arg9 : memref<160x128xf32, #tpu.memory_space<vmem>>) target(%dma_start3A_89 : memref<2528x128xf32, #tpu.memory_space<vmem_shared>>) offsets(%arg7 : memref<160xi32, #tpu.memory_space<vmem>>) semaphore(%run_scoped3A : memref<!tpu.dma_semaphore, #tpu.memory_space<semaphore_mem>>) {add = true}
        %dma_wait3A_90 = arith.constant 0 : i32
        %dma_wait3A_91 = arith.constant 0 : i32
        %dma_wait3A_92 = tpu.memref_slice %arg13[%dma_wait3A_90, %dma_wait3A_91] : memref<2528x128xf32, #tpu.memory_space<vmem_shared>> -> memref<2528x128xf32, #tpu.memory_space<vmem_shared>>
        tpu.wait_indirect_dma semaphore(%run_scoped3A : memref<!tpu.dma_semaphore, #tpu.memory_space<semaphore_mem>>) src(%arg9 : memref<160x128xf32, #tpu.memory_space<vmem>>) dst(%dma_wait3A_92 : memref<2528x128xf32, #tpu.memory_space<vmem_shared>>)
        tpu.yield
      }) : () -> ()
      %add3A_67 = arith.constant 1 : i32
      %add3A_68 = arith.addi %add3A_47, %add3A_67 : i32
      %scan3A_69 = arith.constant 0 : i32
      %scan3A_70 = arith.constant 10 : i32
      %scan3A_71 = arith.addi %scan3A_69, %scan3A_70 : i32
      %scan3A_72 = arith.constant 1 : i32
      scf.for %scan3A_87 = %scan3A_69 to %scan3A_71 step %scan3A_72  : i32 {
        %mul3A_88 = arith.constant 16 : i32
        %mul3A_89 = arith.muli %scan3A_87, %mul3A_88 : i32
        %add3A_90 = arith.constant 0 : i32
        %add3A_91 = arith.addi %add3A_90, %mul3A_89 : i32
        %get3A = arith.index_cast %add3A_91 : i32 to index
        %get3A_92 = tpu.vector_load %arg8[%get3A] {strides = array<i32>} : memref<160xi32, #tpu.memory_space<vmem>>, vector<16xi32>,
        %sub3A = vector.broadcast %add3A_1 : i32 to vector<16xi32>
        %sub3A_93 = arith.subi %get3A_92, %sub3A : vector<16xi32>
        %ge3A = arith.constant 0 : i32
        %ge3A_94 = vector.broadcast %ge3A : i32 to vector<16xi32>
        %ge3A_95 = arith.cmpi sge, %sub3A_93, %ge3A_94 : vector<16xi32>
        %lt3A_96 = arith.constant 2520 : i32
        %lt3A_97 = vector.broadcast %lt3A_96 : i32 to vector<16xi32>
        %lt3A_98 = arith.cmpi slt, %sub3A_93, %lt3A_97 : vector<16xi32>
        %and3A = arith.andi %ge3A_95, %lt3A_98 : vector<16xi1>
        %jit3A = arith.constant 2520 : i32
        %broadcast_in_dim3A_99 = vector.broadcast %jit3A : i32 to vector<16xi32>
        %select_n3A = arith.select %and3A, %sub3A_93, %broadcast_in_dim3A_99 : vector<16xi1>, vector<16xi32>
        %swap3A = arith.index_cast %add3A_91 : i32 to index
        %swap3A_100 = tpu.vector_load %arg8[%swap3A] {strides = array<i32>} : memref<160xi32, #tpu.memory_space<vmem>>, vector<16xi32>,
        tpu.vector_store %arg8[%swap3A], %select_n3A {strides = array<i32>} : memref<160xi32, #tpu.memory_space<vmem>>, vector<16xi32>,
        tpu.vector_store_idx %arg11[%select_n3A], %broadcast_in_dim3A_4 {add = true} : memref<2560xf32, #tpu.memory_space<vmem>>[vector<16xi32>], vector<16xf32>,
      }
      %scan3A_73 = arith.constant 10 : i32
      %add3A_74 = arith.constant 1 : i32
      %add3A_75 = arith.addi %add3A_68, %add3A_74 : i32
      %lt3A_76 = arith.constant 125 : i32
      %lt3A_77 = arith.cmpi slt, %add3A_75, %lt3A_76 : i32
      %convert_element_type3A_78 = arith.extui %lt3A_77 : i1 to i32
      %cond3A_79 = arith.constant 0 : i32
      %cond3A_80 = arith.cmpi ne, %convert_element_type3A_78, %cond3A_79 : i32
      scf.if %cond3A_80 {
        %add3A_87 = arith.constant 1 : i32
        %add3A_88 = arith.addi %add3A_68, %add3A_87 : i32
        %mul3A_89 = arith.constant 160 : i32
        %mul3A_90 = arith.muli %add3A_88, %mul3A_89 : i32
        %add3A_91 = arith.addi %mul3A_3, %mul3A_90 : i32
        "tpu.region"() ({
          %run_scoped3A = tpu.sem_alloc : memref<!tpu.dma_semaphore, #tpu.memory_space<semaphore_mem>>
          %dma_start3A_96 = tpu.memref_slice %arg3[%add3A_91] : memref<320000xi32, #tpu.memory_space<hbm>> -> memref<160xi32, #tpu.memory_space<hbm>>
          %dma_start3A_97 = tpu.memref_slice %arg3[%add3A_91] : memref<320000xi32, #tpu.memory_space<hbm>> -> memref<160xi32, #tpu.memory_space<hbm>>
          tpu.enqueue_dma source(%dma_start3A_97 : memref<160xi32, #tpu.memory_space<hbm>>) target(%arg7 : memref<160xi32, #tpu.memory_space<vmem>>) target_semaphore(%run_scoped3A : memref<!tpu.dma_semaphore, #tpu.memory_space<semaphore_mem>>)
          %dma_wait3A_98 = tpu.memref_slice %arg3[%add3A_91] : memref<320000xi32, #tpu.memory_space<hbm>> -> memref<160xi32, #tpu.memory_space<hbm>>
          %dma_wait3A_99 = tpu.memref_slice %arg3[%add3A_91] : memref<320000xi32, #tpu.memory_space<hbm>> -> memref<160xi32, #tpu.memory_space<hbm>>
          tpu.wait_dma2 semaphore(%run_scoped3A : memref<!tpu.dma_semaphore, #tpu.memory_space<semaphore_mem>>) src(%dma_wait3A_99 : memref<160xi32, #tpu.memory_space<hbm>>) dst(%arg7 : memref<160xi32, #tpu.memory_space<vmem>>)
          tpu.yield
        }) : () -> ()
        %dma_start3A_92 = arith.constant 0 : i32
        %dma_start3A_93 = tpu.memref_slice %arg2[%add3A_91, %dma_start3A_92] : memref<320000x128xf32, #tpu.memory_space<hbm>> -> memref<160x128xf32, #tpu.memory_space<hbm>>
        %dma_start3A_94 = arith.constant 0 : i32
        %dma_start3A_95 = tpu.memref_slice %arg2[%add3A_91, %dma_start3A_94] : memref<320000x128xf32, #tpu.memory_space<hbm>> -> memref<160x128xf32, #tpu.memory_space<hbm>>
        tpu.enqueue_dma source(%dma_start3A_95 : memref<160x128xf32, #tpu.memory_space<hbm>>) target(%arg9 : memref<160x128xf32, #tpu.memory_space<vmem>>) target_semaphore(%arg15 : memref<!tpu.dma_semaphore, #tpu.memory_space<semaphore_mem>>)
      } else {
      }
      %dma_wait3A_81 = arith.constant 0 : i32
      %dma_wait3A_82 = arith.constant 0 : i32
      %dma_wait3A_83 = tpu.memref_slice %arg2[%dma_wait3A_81, %dma_wait3A_82] : memref<320000x128xf32, #tpu.memory_space<hbm>> -> memref<160x128xf32, #tpu.memory_space<hbm>>
      %dma_wait3A_84 = arith.constant 0 : i32
      %dma_wait3A_85 = arith.constant 0 : i32
      %dma_wait3A_86 = tpu.memref_slice %arg2[%dma_wait3A_84, %dma_wait3A_85] : memref<320000x128xf32, #tpu.memory_space<hbm>> -> memref<160x128xf32, #tpu.memory_space<hbm>>
      tpu.wait_dma2 semaphore(%arg16 : memref<!tpu.dma_semaphore, #tpu.memory_space<semaphore_mem>>) src(%dma_wait3A_86 : memref<160x128xf32, #tpu.memory_space<hbm>>) dst(%arg10 : memref<160x128xf32, #tpu.memory_space<vmem>>)
      "tpu.region"() ({
        %run_scoped3A = tpu.sem_alloc : memref<!tpu.dma_semaphore, #tpu.memory_space<semaphore_mem>>
        %dma_start3A_87 = arith.constant 0 : i32
        %dma_start3A_88 = arith.constant 0 : i32
        %dma_start3A_89 = tpu.memref_slice %arg13[%dma_start3A_87, %dma_start3A_88] : memref<2528x128xf32, #tpu.memory_space<vmem_shared>> -> memref<2528x128xf32, #tpu.memory_space<vmem_shared>>
        tpu.enqueue_indirect_dma source(%arg10 : memref<160x128xf32, #tpu.memory_space<vmem>>) target(%dma_start3A_89 : memref<2528x128xf32, #tpu.memory_space<vmem_shared>>) offsets(%arg8 : memref<160xi32, #tpu.memory_space<vmem>>) semaphore(%run_scoped3A : memref<!tpu.dma_semaphore, #tpu.memory_space<semaphore_mem>>) {add = true}
        %dma_wait3A_90 = arith.constant 0 : i32
        %dma_wait3A_91 = arith.constant 0 : i32
        %dma_wait3A_92 = tpu.memref_slice %arg13[%dma_wait3A_90, %dma_wait3A_91] : memref<2528x128xf32, #tpu.memory_space<vmem_shared>> -> memref<2528x128xf32, #tpu.memory_space<vmem_shared>>
        tpu.wait_indirect_dma semaphore(%run_scoped3A : memref<!tpu.dma_semaphore, #tpu.memory_space<semaphore_mem>>) src(%arg10 : memref<160x128xf32, #tpu.memory_space<vmem>>) dst(%dma_wait3A_92 : memref<2528x128xf32, #tpu.memory_space<vmem_shared>>)
        tpu.yield
      }) : () -> ()
    }
    %scan3A_23 = arith.constant 62 : i32
    %scan3A_24 = arith.constant 0 : i32
    %scan3A_25 = arith.constant 10 : i32
    %scan3A_26 = arith.addi %scan3A_24, %scan3A_25 : i32
    %scan3A_27 = arith.constant 1 : i32
    scf.for %scan3A_43 = %scan3A_24 to %scan3A_26 step %scan3A_27  : i32 {
      %mul3A_44 = arith.constant 16 : i32
      %mul3A_45 = arith.muli %scan3A_43, %mul3A_44 : i32
      %add3A_46 = arith.constant 0 : i32
      %add3A_47 = arith.addi %add3A_46, %mul3A_45 : i32
      %get3A = arith.index_cast %add3A_47 : i32 to index
      %get3A_48 = tpu.vector_load %arg7[%get3A] {strides = array<i32>} : memref<160xi32, #tpu.memory_space<vmem>>, vector<16xi32>,
      %sub3A = vector.broadcast %add3A_1 : i32 to vector<16xi32>
      %sub3A_49 = arith.subi %get3A_48, %sub3A : vector<16xi32>
      %ge3A = arith.constant 0 : i32
      %ge3A_50 = vector.broadcast %ge3A : i32 to vector<16xi32>
      %ge3A_51 = arith.cmpi sge, %sub3A_49, %ge3A_50 : vector<16xi32>
      %lt3A = arith.constant 2520 : i32
      %lt3A_52 = vector.broadcast %lt3A : i32 to vector<16xi32>
      %lt3A_53 = arith.cmpi slt, %sub3A_49, %lt3A_52 : vector<16xi32>
      %and3A = arith.andi %ge3A_51, %lt3A_53 : vector<16xi1>
      %jit3A = arith.constant 2520 : i32
      %broadcast_in_dim3A_54 = vector.broadcast %jit3A : i32 to vector<16xi32>
      %select_n3A = arith.select %and3A, %sub3A_49, %broadcast_in_dim3A_54 : vector<16xi1>, vector<16xi32>
      %swap3A = arith.index_cast %add3A_47 : i32 to index
      %swap3A_55 = tpu.vector_load %arg7[%swap3A] {strides = array<i32>} : memref<160xi32, #tpu.memory_space<vmem>>, vector<16xi32>,
      tpu.vector_store %arg7[%swap3A], %select_n3A {strides = array<i32>} : memref<160xi32, #tpu.memory_space<vmem>>, vector<16xi32>,
      tpu.vector_store_idx %arg11[%select_n3A], %broadcast_in_dim3A_4 {add = true} : memref<2560xf32, #tpu.memory_space<vmem>>[vector<16xi32>], vector<16xf32>,
    }
    %scan3A_28 = arith.constant 10 : i32
    %dma_wait3A = arith.constant 0 : i32
    %dma_wait3A_29 = arith.constant 0 : i32
    %dma_wait3A_30 = tpu.memref_slice %arg2[%dma_wait3A, %dma_wait3A_29] : memref<320000x128xf32, #tpu.memory_space<hbm>> -> memref<160x128xf32, #tpu.memory_space<hbm>>
    %dma_wait3A_31 = arith.constant 0 : i32
    %dma_wait3A_32 = arith.constant 0 : i32
    %dma_wait3A_33 = tpu.memref_slice %arg2[%dma_wait3A_31, %dma_wait3A_32] : memref<320000x128xf32, #tpu.memory_space<hbm>> -> memref<160x128xf32, #tpu.memory_space<hbm>>
    tpu.wait_dma2 semaphore(%arg15 : memref<!tpu.dma_semaphore, #tpu.memory_space<semaphore_mem>>) src(%dma_wait3A_33 : memref<160x128xf32, #tpu.memory_space<hbm>>) dst(%arg9 : memref<160x128xf32, #tpu.memory_space<vmem>>)
    "tpu.region"() ({
      %run_scoped3A = tpu.sem_alloc : memref<!tpu.dma_semaphore, #tpu.memory_space<semaphore_mem>>
      %dma_start3A_43 = arith.constant 0 : i32
      %dma_start3A_44 = arith.constant 0 : i32
      %dma_start3A_45 = tpu.memref_slice %arg13[%dma_start3A_43, %dma_start3A_44] : memref<2528x128xf32, #tpu.memory_space<vmem_shared>> -> memref<2528x128xf32, #tpu.memory_space<vmem_shared>>
      tpu.enqueue_indirect_dma source(%arg9 : memref<160x128xf32, #tpu.memory_space<vmem>>) target(%dma_start3A_45 : memref<2528x128xf32, #tpu.memory_space<vmem_shared>>) offsets(%arg7 : memref<160xi32, #tpu.memory_space<vmem>>) semaphore(%run_scoped3A : memref<!tpu.dma_semaphore, #tpu.memory_space<semaphore_mem>>) {add = true}
      %dma_wait3A_46 = arith.constant 0 : i32
      %dma_wait3A_47 = arith.constant 0 : i32
      %dma_wait3A_48 = tpu.memref_slice %arg13[%dma_wait3A_46, %dma_wait3A_47] : memref<2528x128xf32, #tpu.memory_space<vmem_shared>> -> memref<2528x128xf32, #tpu.memory_space<vmem_shared>>
      tpu.wait_indirect_dma semaphore(%run_scoped3A : memref<!tpu.dma_semaphore, #tpu.memory_space<semaphore_mem>>) src(%arg9 : memref<160x128xf32, #tpu.memory_space<vmem>>) dst(%dma_wait3A_48 : memref<2528x128xf32, #tpu.memory_space<vmem_shared>>)
      tpu.yield
    }) : () -> ()
    %barrier3A_34 = arith.constant 0 : index
    tpu.barrier barrier_id(%barrier3A_34)
    %scan3A_35 = arith.constant 0 : i32
    %scan3A_36 = arith.constant 4 : i32
    %scan3A_37 = arith.addi %scan3A_35, %scan3A_36 : i32
    %scan3A_38 = arith.constant 1 : i32
    scf.for %scan3A_43 = %scan3A_35 to %scan3A_37 step %scan3A_38  : i32 {
      %mul3A_44 = arith.constant 1 : i32
      %mul3A_45 = arith.muli %scan3A_43, %mul3A_44 : i32
      %add3A_46 = arith.constant 0 : i32
      %add3A_47 = arith.addi %add3A_46, %mul3A_45 : i32
      %mul3A_48 = arith.constant 16 : i32
      %mul3A_49 = arith.muli %add3A_47, %mul3A_48 : i32
      %add3A_50 = arith.addi %arg1, %mul3A_49 : i32
      %lt3A = arith.constant 63 : i32
      %lt3A_51 = arith.cmpi slt, %add3A_50, %lt3A : i32
      %convert_element_type3A_52 = arith.extui %lt3A_51 : i1 to i32
      %cond3A_53 = arith.constant 0 : i32
      %cond3A_54 = arith.cmpi ne, %convert_element_type3A_52, %cond3A_53 : i32
      scf.if %cond3A_54 {
        %mul3A_55 = arith.constant 40 : i32
        %mul3A_56 = arith.muli %add3A_50, %mul3A_55 : i32
        %mul3A_57 = arith.constant 2520 : i32
        %mul3A_58 = arith.muli %arg0, %mul3A_57 : i32
        %mul3A_59 = arith.constant 40 : i32
        %mul3A_60 = arith.muli %add3A_50, %mul3A_59 : i32
        %add3A_61 = arith.addi %mul3A_58, %mul3A_60 : i32
        "tpu.region"() ({
          %run_scoped3A = tpu.sem_alloc : memref<!tpu.dma_semaphore, #tpu.memory_space<semaphore_mem>>
          %dma_start3A_62 = arith.constant 0 : i32
          %dma_start3A_63 = tpu.memref_slice %arg5[%add3A_61, %dma_start3A_62] : memref<5040x128xf32, #tpu.memory_space<hbm>> -> memref<40x128xf32, #tpu.memory_space<hbm>>
          %dma_start3A_64 = arith.constant 0 : i32
          %dma_start3A_65 = tpu.memref_slice %arg13[%mul3A_56, %dma_start3A_64] : memref<2528x128xf32, #tpu.memory_space<vmem_shared>> -> memref<40x128xf32, #tpu.memory_space<vmem_shared>>
          tpu.enqueue_dma source(%dma_start3A_65 : memref<40x128xf32, #tpu.memory_space<vmem_shared>>) target(%dma_start3A_63 : memref<40x128xf32, #tpu.memory_space<hbm>>) target_semaphore(%run_scoped3A : memref<!tpu.dma_semaphore, #tpu.memory_space<semaphore_mem>>)
          %dma_wait3A_66 = arith.constant 0 : i32
          %dma_wait3A_67 = tpu.memref_slice %arg5[%add3A_61, %dma_wait3A_66] : memref<5040x128xf32, #tpu.memory_space<hbm>> -> memref<40x128xf32, #tpu.memory_space<hbm>>
          %dma_wait3A_68 = arith.constant 0 : i32
          %dma_wait3A_69 = tpu.memref_slice %arg13[%mul3A_56, %dma_wait3A_68] : memref<2528x128xf32, #tpu.memory_space<vmem_shared>> -> memref<40x128xf32, #tpu.memory_space<vmem_shared>>
          tpu.wait_dma2 semaphore(%run_scoped3A : memref<!tpu.dma_semaphore, #tpu.memory_space<semaphore_mem>>) src(%dma_wait3A_69 : memref<40x128xf32, #tpu.memory_space<vmem_shared>>) dst(%dma_wait3A_67 : memref<40x128xf32, #tpu.memory_space<hbm>>)
          tpu.yield
        }) : () -> ()
      } else {
      }
    }
    %scan3A_39 = arith.constant 4 : i32
    "tpu.region"() ({
      %run_scoped3A = tpu.sem_alloc : memref<!tpu.dma_semaphore, #tpu.memory_space<semaphore_mem>>
      %dma_start3A_43 = arith.constant 0 : i32
      %dma_start3A_44 = tpu.memref_slice %arg14[%arg1, %dma_start3A_43] : memref<16x2560xf32, #tpu.memory_space<vmem_shared>> -> memref<1x2560xf32, #tpu.memory_space<vmem_shared>>
      %dma_start3A_45 = tpu.memref_squeeze %dma_start3A_44 : memref<1x2560xf32, #tpu.memory_space<vmem_shared>> -> memref<2560xf32, #tpu.memory_space<vmem_shared>>
      %dma_start3A_46 = arith.constant 0 : i32
      %dma_start3A_47 = tpu.memref_slice %arg14[%arg1, %dma_start3A_46] : memref<16x2560xf32, #tpu.memory_space<vmem_shared>> -> memref<1x2560xf32, #tpu.memory_space<vmem_shared>>
      %dma_start3A_48 = tpu.memref_squeeze %dma_start3A_47 : memref<1x2560xf32, #tpu.memory_space<vmem_shared>> -> memref<2560xf32, #tpu.memory_space<vmem_shared>>
      tpu.enqueue_dma source(%arg11 : memref<2560xf32, #tpu.memory_space<vmem>>) target(%dma_start3A_48 : memref<2560xf32, #tpu.memory_space<vmem_shared>>) target_semaphore(%run_scoped3A : memref<!tpu.dma_semaphore, #tpu.memory_space<semaphore_mem>>)
      %dma_wait3A_49 = arith.constant 0 : i32
      %dma_wait3A_50 = tpu.memref_slice %arg14[%arg1, %dma_wait3A_49] : memref<16x2560xf32, #tpu.memory_space<vmem_shared>> -> memref<1x2560xf32, #tpu.memory_space<vmem_shared>>
      %dma_wait3A_51 = tpu.memref_squeeze %dma_wait3A_50 : memref<1x2560xf32, #tpu.memory_space<vmem_shared>> -> memref<2560xf32, #tpu.memory_space<vmem_shared>>
      %dma_wait3A_52 = arith.constant 0 : i32
      %dma_wait3A_53 = tpu.memref_slice %arg14[%arg1, %dma_wait3A_52] : memref<16x2560xf32, #tpu.memory_space<vmem_shared>> -> memref<1x2560xf32, #tpu.memory_space<vmem_shared>>
      %dma_wait3A_54 = tpu.memref_squeeze %dma_wait3A_53 : memref<1x2560xf32, #tpu.memory_space<vmem_shared>> -> memref<2560xf32, #tpu.memory_space<vmem_shared>>
      tpu.wait_dma2 semaphore(%run_scoped3A : memref<!tpu.dma_semaphore, #tpu.memory_space<semaphore_mem>>) src(%arg11 : memref<2560xf32, #tpu.memory_space<vmem>>) dst(%dma_wait3A_54 : memref<2560xf32, #tpu.memory_space<vmem_shared>>)
      tpu.yield
    }) : () -> ()
    %barrier3A_40 = arith.constant 0 : index
    tpu.barrier barrier_id(%barrier3A_40)
    %eq3A = arith.constant 0 : i32
    %eq3A_41 = arith.cmpi eq, %arg1, %eq3A : i32
    %convert_element_type3A = arith.extui %eq3A_41 : i1 to i32
    %cond3A = arith.constant 0 : i32
    %cond3A_42 = arith.cmpi ne, %convert_element_type3A, %cond3A : i32
    scf.if %cond3A_42 {
      %scan3A_43 = arith.constant 0 : i32
      %scan3A_44 = arith.constant 15 : i32
      %scan3A_45 = arith.addi %scan3A_43, %scan3A_44 : i32
      %scan3A_46 = arith.constant 1 : i32
      scf.for %scan3A_50 = %scan3A_43 to %scan3A_45 step %scan3A_46  : i32 {
        %mul3A_51 = arith.constant 1 : i32
        %mul3A_52 = arith.muli %scan3A_50, %mul3A_51 : i32
        %add3A_53 = arith.constant 1 : i32
        %add3A_54 = arith.addi %add3A_53, %mul3A_52 : i32
        "tpu.region"() ({
          %run_scoped3A = tpu.sem_alloc : memref<!tpu.dma_semaphore, #tpu.memory_space<semaphore_mem>>
          %dma_start3A_60 = arith.constant 0 : i32
          %dma_start3A_61 = tpu.memref_slice %arg14[%add3A_54, %dma_start3A_60] : memref<16x2560xf32, #tpu.memory_space<vmem_shared>> -> memref<1x2560xf32, #tpu.memory_space<vmem_shared>>
          %dma_start3A_62 = tpu.memref_squeeze %dma_start3A_61 : memref<1x2560xf32, #tpu.memory_space<vmem_shared>> -> memref<2560xf32, #tpu.memory_space<vmem_shared>>
          %dma_start3A_63 = arith.constant 0 : i32
          %dma_start3A_64 = tpu.memref_slice %arg14[%add3A_54, %dma_start3A_63] : memref<16x2560xf32, #tpu.memory_space<vmem_shared>> -> memref<1x2560xf32, #tpu.memory_space<vmem_shared>>
          %dma_start3A_65 = tpu.memref_squeeze %dma_start3A_64 : memref<1x2560xf32, #tpu.memory_space<vmem_shared>> -> memref<2560xf32, #tpu.memory_space<vmem_shared>>
          tpu.enqueue_dma source(%dma_start3A_65 : memref<2560xf32, #tpu.memory_space<vmem_shared>>) target(%arg12 : memref<2560xf32, #tpu.memory_space<vmem>>) target_semaphore(%run_scoped3A : memref<!tpu.dma_semaphore, #tpu.memory_space<semaphore_mem>>)
          %dma_wait3A_66 = arith.constant 0 : i32
          %dma_wait3A_67 = tpu.memref_slice %arg14[%add3A_54, %dma_wait3A_66] : memref<16x2560xf32, #tpu.memory_space<vmem_shared>> -> memref<1x2560xf32, #tpu.memory_space<vmem_shared>>
          %dma_wait3A_68 = tpu.memref_squeeze %dma_wait3A_67 : memref<1x2560xf32, #tpu.memory_space<vmem_shared>> -> memref<2560xf32, #tpu.memory_space<vmem_shared>>
          %dma_wait3A_69 = arith.constant 0 : i32
          %dma_wait3A_70 = tpu.memref_slice %arg14[%add3A_54, %dma_wait3A_69] : memref<16x2560xf32, #tpu.memory_space<vmem_shared>> -> memref<1x2560xf32, #tpu.memory_space<vmem_shared>>
          %dma_wait3A_71 = tpu.memref_squeeze %dma_wait3A_70 : memref<1x2560xf32, #tpu.memory_space<vmem_shared>> -> memref<2560xf32, #tpu.memory_space<vmem_shared>>
          tpu.wait_dma2 semaphore(%run_scoped3A : memref<!tpu.dma_semaphore, #tpu.memory_space<semaphore_mem>>) src(%dma_wait3A_71 : memref<2560xf32, #tpu.memory_space<vmem_shared>>) dst(%arg12 : memref<2560xf32, #tpu.memory_space<vmem>>)
          tpu.yield
        }) : () -> ()
        %scan3A_55 = arith.constant 0 : i32
        %scan3A_56 = arith.constant 160 : i32
        %scan3A_57 = arith.addi %scan3A_55, %scan3A_56 : i32
        %scan3A_58 = arith.constant 1 : i32
        scf.for %scan3A_60 = %scan3A_55 to %scan3A_57 step %scan3A_58  : i32 {
          %mul3A_61 = arith.constant 16 : i32
          %mul3A_62 = arith.muli %scan3A_60, %mul3A_61 : i32
          %add3A_63 = arith.constant 0 : i32
          %add3A_64 = arith.addi %add3A_63, %mul3A_62 : i32
          %get3A = arith.index_cast %add3A_64 : i32 to index
          %get3A_65 = tpu.vector_load %arg11[%get3A] {strides = array<i32>} : memref<2560xf32, #tpu.memory_space<vmem>>, vector<16xf32>,
          %get3A_66 = arith.index_cast %add3A_64 : i32 to index
          %get3A_67 = tpu.vector_load %arg12[%get3A_66] {strides = array<i32>} : memref<2560xf32, #tpu.memory_space<vmem>>, vector<16xf32>,
          %add3A_68 = arith.addf %get3A_65, %get3A_67 : vector<16xf32>
          %swap3A = arith.index_cast %add3A_64 : i32 to index
          %swap3A_69 = tpu.vector_load %arg11[%swap3A] {strides = array<i32>} : memref<2560xf32, #tpu.memory_space<vmem>>, vector<16xf32>,
          tpu.vector_store %arg11[%swap3A], %add3A_68 {strides = array<i32>} : memref<2560xf32, #tpu.memory_space<vmem>>, vector<16xf32>,
        }
        %scan3A_59 = arith.constant 160 : i32
      }
      %scan3A_47 = arith.constant 15 : i32
      %mul3A_48 = arith.constant 2520 : i32
      %mul3A_49 = arith.muli %arg0, %mul3A_48 : i32
      "tpu.region"() ({
        %run_scoped3A = tpu.sem_alloc : memref<!tpu.dma_semaphore, #tpu.memory_space<semaphore_mem>>
        %dma_start3A_50 = arith.constant 0 : i32
        %dma_start3A_51 = tpu.memref_slice %arg11[%dma_start3A_50] : memref<2560xf32, #tpu.memory_space<vmem>> -> memref<2520xf32, #tpu.memory_space<vmem>>
        %dma_start3A_52 = tpu.memref_slice %arg6[%mul3A_49] : memref<5040xf32, #tpu.memory_space<hbm>> -> memref<2520xf32, #tpu.memory_space<hbm>>
        %dma_start3A_53 = tpu.memref_slice %arg6[%mul3A_49] : memref<5040xf32, #tpu.memory_space<hbm>> -> memref<2520xf32, #tpu.memory_space<hbm>>
        %dma_start3A_54 = arith.constant 0 : i32
        %dma_start3A_55 = tpu.memref_slice %arg11[%dma_start3A_54] : memref<2560xf32, #tpu.memory_space<vmem>> -> memref<2520xf32, #tpu.memory_space<vmem>>
        tpu.enqueue_dma source(%dma_start3A_55 : memref<2520xf32, #tpu.memory_space<vmem>>) target(%dma_start3A_53 : memref<2520xf32, #tpu.memory_space<hbm>>) target_semaphore(%run_scoped3A : memref<!tpu.dma_semaphore, #tpu.memory_space<semaphore_mem>>)
        %dma_wait3A_56 = arith.constant 0 : i32
        %dma_wait3A_57 = tpu.memref_slice %arg11[%dma_wait3A_56] : memref<2560xf32, #tpu.memory_space<vmem>> -> memref<2520xf32, #tpu.memory_space<vmem>>
        %dma_wait3A_58 = tpu.memref_slice %arg6[%mul3A_49] : memref<5040xf32, #tpu.memory_space<hbm>> -> memref<2520xf32, #tpu.memory_space<hbm>>
        %dma_wait3A_59 = tpu.memref_slice %arg6[%mul3A_49] : memref<5040xf32, #tpu.memory_space<hbm>> -> memref<2520xf32, #tpu.memory_space<hbm>>
        %dma_wait3A_60 = arith.constant 0 : i32
        %dma_wait3A_61 = tpu.memref_slice %arg11[%dma_wait3A_60] : memref<2560xf32, #tpu.memory_space<vmem>> -> memref<2520xf32, #tpu.memory_space<vmem>>
        tpu.wait_dma2 semaphore(%run_scoped3A : memref<!tpu.dma_semaphore, #tpu.memory_space<semaphore_mem>>) src(%dma_wait3A_61 : memref<2520xf32, #tpu.memory_space<vmem>>) dst(%dma_wait3A_59 : memref<2520xf32, #tpu.memory_space<hbm>>)
        tpu.yield
      }) : () -> ()
    } else {
    }
    return
  }
}

#map = affine_map<(d0, d1) -> (0, 0)>
#map1 = affine_map<(d0, d1) -> (0)>
module attributes {stable_mosaic.version = 14 : i64} {
  func.func @k(%arg0: i32, %arg1: i32, %arg2: memref<10000x128xf32, #tpu.memory_space<hbm>>, %arg3: memref<320000xi32, #tpu.memory_space<hbm>>, %arg4: memref<320000x128xf32, #tpu.memory_space<hbm>>, %arg5: memref<200xi32, #tpu.memory_space<vmem>>, %arg6: memref<200xi32, #tpu.memory_space<vmem>>, %arg7: memref<200x128xf32, #tpu.memory_space<vmem>>, %arg8: memref<200x128xf32, #tpu.memory_space<vmem>>, %arg9: memref<!tpu.dma_semaphore, #tpu.memory_space<semaphore_mem>>, %arg10: memref<!tpu.dma_semaphore, #tpu.memory_space<semaphore_mem>>) attributes {dimension_semantics = [#tpu.dimension_semantics<core_parallel>, #tpu.dimension_semantics<subcore_parallel>], iteration_bounds = array<i64: 2, 16>, scalar_prefetch = 0 : i64, scratch_operands = 6 : i64, tpu.core_type = #tpu.core_type<sc_vector_subcore>, window_params = [{transform_indices = #map}, {transform_indices = #map1}, {transform_indices = #map}]} {
    %mul3A = arith.constant 16 : i32
    %mul3A_0 = arith.muli %arg0, %mul3A : i32
    %add3A = arith.addi %mul3A_0, %arg1 : i32
    %mul3A_1 = arith.constant 10000 : i32
    %mul3A_2 = arith.muli %add3A, %mul3A_1 : i32
    %add3A_3 = arith.constant 0 : i32
    %add3A_4 = arith.addi %mul3A_2, %add3A_3 : i32
    "tpu.region"() ({
      %run_scoped3A = tpu.sem_alloc : memref<!tpu.dma_semaphore, #tpu.memory_space<semaphore_mem>>
      %dma_start3A_11 = tpu.memref_slice %arg3[%add3A_4] : memref<320000xi32, #tpu.memory_space<hbm>> -> memref<200xi32, #tpu.memory_space<hbm>>
      %dma_start3A_12 = tpu.memref_slice %arg3[%add3A_4] : memref<320000xi32, #tpu.memory_space<hbm>> -> memref<200xi32, #tpu.memory_space<hbm>>
      tpu.enqueue_dma source(%dma_start3A_12 : memref<200xi32, #tpu.memory_space<hbm>>) target(%arg5 : memref<200xi32, #tpu.memory_space<vmem>>) target_semaphore(%run_scoped3A : memref<!tpu.dma_semaphore, #tpu.memory_space<semaphore_mem>>)
      %dma_wait3A = tpu.memref_slice %arg3[%add3A_4] : memref<320000xi32, #tpu.memory_space<hbm>> -> memref<200xi32, #tpu.memory_space<hbm>>
      %dma_wait3A_13 = tpu.memref_slice %arg3[%add3A_4] : memref<320000xi32, #tpu.memory_space<hbm>> -> memref<200xi32, #tpu.memory_space<hbm>>
      tpu.wait_dma2 semaphore(%run_scoped3A : memref<!tpu.dma_semaphore, #tpu.memory_space<semaphore_mem>>) src(%dma_wait3A_13 : memref<200xi32, #tpu.memory_space<hbm>>) dst(%arg5 : memref<200xi32, #tpu.memory_space<vmem>>)
      tpu.yield
    }) : () -> ()
    %dma_start3A = arith.constant 0 : i32
    %dma_start3A_5 = arith.constant 0 : i32
    %dma_start3A_6 = tpu.memref_slice %arg2[%dma_start3A, %dma_start3A_5] : memref<10000x128xf32, #tpu.memory_space<hbm>> -> memref<10000x128xf32, #tpu.memory_space<hbm>>
    tpu.enqueue_indirect_dma source(%dma_start3A_6 : memref<10000x128xf32, #tpu.memory_space<hbm>>) target(%arg7 : memref<200x128xf32, #tpu.memory_space<vmem>>) offsets(%arg5 : memref<200xi32, #tpu.memory_space<vmem>>) semaphore(%arg9 : memref<!tpu.dma_semaphore, #tpu.memory_space<semaphore_mem>>)
    %scan3A = arith.constant 0 : i32
    %scan3A_7 = arith.constant 25 : i32
    %scan3A_8 = arith.addi %scan3A, %scan3A_7 : i32
    %scan3A_9 = arith.constant 1 : i32
    scf.for %scan3A_11 = %scan3A to %scan3A_8 step %scan3A_9  : i32 {
      %mul3A_12 = arith.constant 2 : i32
      %mul3A_13 = arith.muli %scan3A_11, %mul3A_12 : i32
      %add3A_14 = arith.constant 0 : i32
      %add3A_15 = arith.addi %add3A_14, %mul3A_13 : i32
      %add3A_16 = arith.constant 0 : i32
      %add3A_17 = arith.addi %add3A_15, %add3A_16 : i32
      %add3A_18 = arith.constant 1 : i32
      %add3A_19 = arith.addi %add3A_17, %add3A_18 : i32
      %lt3A = arith.constant 50 : i32
      %lt3A_20 = arith.cmpi slt, %add3A_19, %lt3A : i32
      %convert_element_type3A = arith.extui %lt3A_20 : i1 to i32
      %cond3A = arith.constant 0 : i32
      %cond3A_21 = arith.cmpi ne, %convert_element_type3A, %cond3A : i32
      scf.if %cond3A_21 {
        %add3A_48 = arith.constant 1 : i32
        %add3A_49 = arith.addi %add3A_17, %add3A_48 : i32
        %mul3A_50 = arith.constant 200 : i32
        %mul3A_51 = arith.muli %add3A_49, %mul3A_50 : i32
        %add3A_52 = arith.addi %mul3A_2, %mul3A_51 : i32
        "tpu.region"() ({
          %run_scoped3A = tpu.sem_alloc : memref<!tpu.dma_semaphore, #tpu.memory_space<semaphore_mem>>
          %dma_start3A_56 = tpu.memref_slice %arg3[%add3A_52] : memref<320000xi32, #tpu.memory_space<hbm>> -> memref<200xi32, #tpu.memory_space<hbm>>
          %dma_start3A_57 = tpu.memref_slice %arg3[%add3A_52] : memref<320000xi32, #tpu.memory_space<hbm>> -> memref<200xi32, #tpu.memory_space<hbm>>
          tpu.enqueue_dma source(%dma_start3A_57 : memref<200xi32, #tpu.memory_space<hbm>>) target(%arg6 : memref<200xi32, #tpu.memory_space<vmem>>) target_semaphore(%run_scoped3A : memref<!tpu.dma_semaphore, #tpu.memory_space<semaphore_mem>>)
          %dma_wait3A_58 = tpu.memref_slice %arg3[%add3A_52] : memref<320000xi32, #tpu.memory_space<hbm>> -> memref<200xi32, #tpu.memory_space<hbm>>
          %dma_wait3A_59 = tpu.memref_slice %arg3[%add3A_52] : memref<320000xi32, #tpu.memory_space<hbm>> -> memref<200xi32, #tpu.memory_space<hbm>>
          tpu.wait_dma2 semaphore(%run_scoped3A : memref<!tpu.dma_semaphore, #tpu.memory_space<semaphore_mem>>) src(%dma_wait3A_59 : memref<200xi32, #tpu.memory_space<hbm>>) dst(%arg6 : memref<200xi32, #tpu.memory_space<vmem>>)
          tpu.yield
        }) : () -> ()
        %dma_start3A_53 = arith.constant 0 : i32
        %dma_start3A_54 = arith.constant 0 : i32
        %dma_start3A_55 = tpu.memref_slice %arg2[%dma_start3A_53, %dma_start3A_54] : memref<10000x128xf32, #tpu.memory_space<hbm>> -> memref<10000x128xf32, #tpu.memory_space<hbm>>
        tpu.enqueue_indirect_dma source(%dma_start3A_55 : memref<10000x128xf32, #tpu.memory_space<hbm>>) target(%arg8 : memref<200x128xf32, #tpu.memory_space<vmem>>) offsets(%arg6 : memref<200xi32, #tpu.memory_space<vmem>>) semaphore(%arg10 : memref<!tpu.dma_semaphore, #tpu.memory_space<semaphore_mem>>)
      } else {
      }
      %dma_wait3A = arith.constant 0 : i32
      %dma_wait3A_22 = arith.constant 0 : i32
      %dma_wait3A_23 = tpu.memref_slice %arg2[%dma_wait3A, %dma_wait3A_22] : memref<10000x128xf32, #tpu.memory_space<hbm>> -> memref<200x128xf32, #tpu.memory_space<hbm>>
      %dma_wait3A_24 = arith.constant 0 : i32
      %dma_wait3A_25 = arith.constant 0 : i32
      %dma_wait3A_26 = tpu.memref_slice %arg2[%dma_wait3A_24, %dma_wait3A_25] : memref<10000x128xf32, #tpu.memory_space<hbm>> -> memref<200x128xf32, #tpu.memory_space<hbm>>
      tpu.wait_dma2 semaphore(%arg9 : memref<!tpu.dma_semaphore, #tpu.memory_space<semaphore_mem>>) src(%dma_wait3A_26 : memref<200x128xf32, #tpu.memory_space<hbm>>) dst(%arg7 : memref<200x128xf32, #tpu.memory_space<vmem>>)
      %mul3A_27 = arith.constant 200 : i32
      %mul3A_28 = arith.muli %add3A_17, %mul3A_27 : i32
      %add3A_29 = arith.addi %mul3A_2, %mul3A_28 : i32
      "tpu.region"() ({
        %run_scoped3A = tpu.sem_alloc : memref<!tpu.dma_semaphore, #tpu.memory_space<semaphore_mem>>
        %dma_start3A_48 = arith.constant 0 : i32
        %dma_start3A_49 = tpu.memref_slice %arg4[%add3A_29, %dma_start3A_48] : memref<320000x128xf32, #tpu.memory_space<hbm>> -> memref<200x128xf32, #tpu.memory_space<hbm>>
        %dma_start3A_50 = arith.constant 0 : i32
        %dma_start3A_51 = tpu.memref_slice %arg4[%add3A_29, %dma_start3A_50] : memref<320000x128xf32, #tpu.memory_space<hbm>> -> memref<200x128xf32, #tpu.memory_space<hbm>>
        tpu.enqueue_dma source(%arg7 : memref<200x128xf32, #tpu.memory_space<vmem>>) target(%dma_start3A_51 : memref<200x128xf32, #tpu.memory_space<hbm>>) target_semaphore(%run_scoped3A : memref<!tpu.dma_semaphore, #tpu.memory_space<semaphore_mem>>)
        %dma_wait3A_52 = arith.constant 0 : i32
        %dma_wait3A_53 = tpu.memref_slice %arg4[%add3A_29, %dma_wait3A_52] : memref<320000x128xf32, #tpu.memory_space<hbm>> -> memref<200x128xf32, #tpu.memory_space<hbm>>
        %dma_wait3A_54 = arith.constant 0 : i32
        %dma_wait3A_55 = tpu.memref_slice %arg4[%add3A_29, %dma_wait3A_54] : memref<320000x128xf32, #tpu.memory_space<hbm>> -> memref<200x128xf32, #tpu.memory_space<hbm>>
        tpu.wait_dma2 semaphore(%run_scoped3A : memref<!tpu.dma_semaphore, #tpu.memory_space<semaphore_mem>>) src(%arg7 : memref<200x128xf32, #tpu.memory_space<vmem>>) dst(%dma_wait3A_55 : memref<200x128xf32, #tpu.memory_space<hbm>>)
        tpu.yield
      }) : () -> ()
      %add3A_30 = arith.constant 1 : i32
      %add3A_31 = arith.addi %add3A_15, %add3A_30 : i32
      %add3A_32 = arith.constant 1 : i32
      %add3A_33 = arith.addi %add3A_31, %add3A_32 : i32
      %lt3A_34 = arith.constant 50 : i32
      %lt3A_35 = arith.cmpi slt, %add3A_33, %lt3A_34 : i32
      %convert_element_type3A_36 = arith.extui %lt3A_35 : i1 to i32
      %cond3A_37 = arith.constant 0 : i32
      %cond3A_38 = arith.cmpi ne, %convert_element_type3A_36, %cond3A_37 : i32
      scf.if %cond3A_38 {
        %add3A_48 = arith.constant 1 : i32
        %add3A_49 = arith.addi %add3A_31, %add3A_48 : i32
        %mul3A_50 = arith.constant 200 : i32
        %mul3A_51 = arith.muli %add3A_49, %mul3A_50 : i32
        %add3A_52 = arith.addi %mul3A_2, %mul3A_51 : i32
        "tpu.region"() ({
          %run_scoped3A = tpu.sem_alloc : memref<!tpu.dma_semaphore, #tpu.memory_space<semaphore_mem>>
          %dma_start3A_56 = tpu.memref_slice %arg3[%add3A_52] : memref<320000xi32, #tpu.memory_space<hbm>> -> memref<200xi32, #tpu.memory_space<hbm>>
          %dma_start3A_57 = tpu.memref_slice %arg3[%add3A_52] : memref<320000xi32, #tpu.memory_space<hbm>> -> memref<200xi32, #tpu.memory_space<hbm>>
          tpu.enqueue_dma source(%dma_start3A_57 : memref<200xi32, #tpu.memory_space<hbm>>) target(%arg5 : memref<200xi32, #tpu.memory_space<vmem>>) target_semaphore(%run_scoped3A : memref<!tpu.dma_semaphore, #tpu.memory_space<semaphore_mem>>)
          %dma_wait3A_58 = tpu.memref_slice %arg3[%add3A_52] : memref<320000xi32, #tpu.memory_space<hbm>> -> memref<200xi32, #tpu.memory_space<hbm>>
          %dma_wait3A_59 = tpu.memref_slice %arg3[%add3A_52] : memref<320000xi32, #tpu.memory_space<hbm>> -> memref<200xi32, #tpu.memory_space<hbm>>
          tpu.wait_dma2 semaphore(%run_scoped3A : memref<!tpu.dma_semaphore, #tpu.memory_space<semaphore_mem>>) src(%dma_wait3A_59 : memref<200xi32, #tpu.memory_space<hbm>>) dst(%arg5 : memref<200xi32, #tpu.memory_space<vmem>>)
          tpu.yield
        }) : () -> ()
        %dma_start3A_53 = arith.constant 0 : i32
        %dma_start3A_54 = arith.constant 0 : i32
        %dma_start3A_55 = tpu.memref_slice %arg2[%dma_start3A_53, %dma_start3A_54] : memref<10000x128xf32, #tpu.memory_space<hbm>> -> memref<10000x128xf32, #tpu.memory_space<hbm>>
        tpu.enqueue_indirect_dma source(%dma_start3A_55 : memref<10000x128xf32, #tpu.memory_space<hbm>>) target(%arg7 : memref<200x128xf32, #tpu.memory_space<vmem>>) offsets(%arg5 : memref<200xi32, #tpu.memory_space<vmem>>) semaphore(%arg9 : memref<!tpu.dma_semaphore, #tpu.memory_space<semaphore_mem>>)
      } else {
      }
      %dma_wait3A_39 = arith.constant 0 : i32
      %dma_wait3A_40 = arith.constant 0 : i32
      %dma_wait3A_41 = tpu.memref_slice %arg2[%dma_wait3A_39, %dma_wait3A_40] : memref<10000x128xf32, #tpu.memory_space<hbm>> -> memref<200x128xf32, #tpu.memory_space<hbm>>
      %dma_wait3A_42 = arith.constant 0 : i32
      %dma_wait3A_43 = arith.constant 0 : i32
      %dma_wait3A_44 = tpu.memref_slice %arg2[%dma_wait3A_42, %dma_wait3A_43] : memref<10000x128xf32, #tpu.memory_space<hbm>> -> memref<200x128xf32, #tpu.memory_space<hbm>>
      tpu.wait_dma2 semaphore(%arg10 : memref<!tpu.dma_semaphore, #tpu.memory_space<semaphore_mem>>) src(%dma_wait3A_44 : memref<200x128xf32, #tpu.memory_space<hbm>>) dst(%arg8 : memref<200x128xf32, #tpu.memory_space<vmem>>)
      %mul3A_45 = arith.constant 200 : i32
      %mul3A_46 = arith.muli %add3A_31, %mul3A_45 : i32
      %add3A_47 = arith.addi %mul3A_2, %mul3A_46 : i32
      "tpu.region"() ({
        %run_scoped3A = tpu.sem_alloc : memref<!tpu.dma_semaphore, #tpu.memory_space<semaphore_mem>>
        %dma_start3A_48 = arith.constant 0 : i32
        %dma_start3A_49 = tpu.memref_slice %arg4[%add3A_47, %dma_start3A_48] : memref<320000x128xf32, #tpu.memory_space<hbm>> -> memref<200x128xf32, #tpu.memory_space<hbm>>
        %dma_start3A_50 = arith.constant 0 : i32
        %dma_start3A_51 = tpu.memref_slice %arg4[%add3A_47, %dma_start3A_50] : memref<320000x128xf32, #tpu.memory_space<hbm>> -> memref<200x128xf32, #tpu.memory_space<hbm>>
        tpu.enqueue_dma source(%arg8 : memref<200x128xf32, #tpu.memory_space<vmem>>) target(%dma_start3A_51 : memref<200x128xf32, #tpu.memory_space<hbm>>) target_semaphore(%run_scoped3A : memref<!tpu.dma_semaphore, #tpu.memory_space<semaphore_mem>>)
        %dma_wait3A_52 = arith.constant 0 : i32
        %dma_wait3A_53 = tpu.memref_slice %arg4[%add3A_47, %dma_wait3A_52] : memref<320000x128xf32, #tpu.memory_space<hbm>> -> memref<200x128xf32, #tpu.memory_space<hbm>>
        %dma_wait3A_54 = arith.constant 0 : i32
        %dma_wait3A_55 = tpu.memref_slice %arg4[%add3A_47, %dma_wait3A_54] : memref<320000x128xf32, #tpu.memory_space<hbm>> -> memref<200x128xf32, #tpu.memory_space<hbm>>
        tpu.wait_dma2 semaphore(%run_scoped3A : memref<!tpu.dma_semaphore, #tpu.memory_space<semaphore_mem>>) src(%arg8 : memref<200x128xf32, #tpu.memory_space<vmem>>) dst(%dma_wait3A_55 : memref<200x128xf32, #tpu.memory_space<hbm>>)
        tpu.yield
      }) : () -> ()
    }
    %scan3A_10 = arith.constant 25 : i32
    return
  }
}

module attributes {stable_mosaic.version = 14 : i64} {
  func.func @body(%arg0: i32, %arg1: memref<1000x128xf32, #tpu.memory_space<vmem>>, %arg2: memref<128x128xf32, #tpu.memory_space<vmem>>, %arg3: memref<1x128xf32, #tpu.memory_space<vmem>>, %arg4: memref<1000x128xf32, #tpu.memory_space<vmem>>) attributes {dimension_semantics = [#tpu.dimension_semantics<arbitrary>], iteration_bounds = array<i64: 10>, scalar_prefetch = 0 : i64, scratch_operands = 0 : i64, tpu.core_type = #tpu.core_type<tc>, window_params = [{transform_indices = @transform_0, window_bounds = array<i64: 1000, 128>}, {pipeline_mode = #tpu.pipeline_mode<synchronous>, transform_indices = @transform_1, window_bounds = array<i64: 128, 128>}, {pipeline_mode = #tpu.pipeline_mode<synchronous>, transform_indices = @transform_2, window_bounds = array<i64: 1, 128>}, {transform_indices = @transform_3, window_bounds = array<i64: 1000, 128>}]} {
    %get3A = arith.constant 0 : index
    %get3A_0 = arith.constant 0 : index
    %get3A_1 = vector.load %arg1[%get3A, %get3A_0] : memref<1000x128xf32, #tpu.memory_space<vmem>>, vector<1000x128xf32>
    %get3A_2 = arith.constant 0 : index
    %get3A_3 = arith.constant 0 : index
    %get3A_4 = vector.load %arg2[%get3A_2, %get3A_3] : memref<128x128xf32, #tpu.memory_space<vmem>>, vector<128x128xf32>
    %dot_general3A = arith.constant dense<0.000000e+00> : vector<1000x128xf32>
    %dot_general3A_5 = tpu.matmul %get3A_1, %get3A_4, %dot_general3A {dimension_numbers = #tpu.dot_dimension_numbers<[1], [0], [0], [1], [0, 0, 1, 1], [], []>, precision = #tpu.contract_precision<fp32>, transpose_lhs_hint = false} : vector<1000x128xf32>, vector<128x128xf32>, vector<1000x128xf32> -> vector<1000x128xf32>
    %get3A_6 = arith.constant 0 : index
    %get3A_7 = arith.constant 0 : index
    %get3A_8 = vector.load %arg3[%get3A_6, %get3A_7] : memref<1x128xf32, #tpu.memory_space<vmem>>, vector<1x128xf32>
    %add3A = vector.broadcast %get3A_8 : vector<1x128xf32> to vector<1000x128xf32>
    %add3A_9 = arith.addf %dot_general3A_5, %add3A : vector<1000x128xf32>
    %swap3A = arith.constant 0 : index
    %swap3A_10 = arith.constant 0 : index
    %swap3A_11 = vector.load %arg4[%swap3A, %swap3A_10] : memref<1000x128xf32, #tpu.memory_space<vmem>>, vector<1000x128xf32>
    tpu.vector_store %arg4[%swap3A, %swap3A_10], %add3A_9 {strides = array<i32>} : memref<1000x128xf32, #tpu.memory_space<vmem>>, vector<1000x128xf32>,
    return
  }
  func.func @transform_0(%arg0: i32) -> (i32, i32) {
    %c0_i32 = arith.constant 0 : i32
    %c0_i32_0 = arith.constant 0 : i32
    return %arg0, %c0_i32 : i32, i32
  }
  func.func @transform_1(%arg0: i32) -> (i32, i32) {
    %c0_i32 = arith.constant 0 : i32
    %c0_i32_0 = arith.constant 0 : i32
    %c0_i32_1 = arith.constant 0 : i32
    return %c0_i32, %c0_i32_0 : i32, i32
  }
  func.func @transform_2(%arg0: i32) -> (i32, i32) {
    %c0_i32 = arith.constant 0 : i32
    %c0_i32_0 = arith.constant 0 : i32
    %c0_i32_1 = arith.constant 0 : i32
    return %c0_i32, %c0_i32_0 : i32, i32
  }
  func.func @transform_3(%arg0: i32) -> (i32, i32) {
    %c0_i32 = arith.constant 0 : i32
    %c0_i32_0 = arith.constant 0 : i32
    return %arg0, %c0_i32 : i32, i32
  }
}

module attributes {stable_mosaic.version = 14 : i64} {
  func.func @body(%arg0: i32, %arg1: memref<4000x128xf32, #tpu.memory_space<vmem>>, %arg2: memref<4000x16xf32, #tpu.memory_space<vmem>>, %arg3: memref<16x128xf32, #tpu.memory_space<vmem>>, %arg4: memref<4000x128xf32, #tpu.memory_space<vmem>>) attributes {dimension_semantics = [#tpu.dimension_semantics<arbitrary>], iteration_bounds = array<i64: 80>, scalar_prefetch = 0 : i64, scratch_operands = 0 : i64, tpu.core_type = #tpu.core_type<tc>, window_params = [{transform_indices = @transform_0, window_bounds = array<i64: 4000, 128>}, {transform_indices = @transform_1, window_bounds = array<i64: 4000, 16>}, {pipeline_mode = #tpu.pipeline_mode<synchronous>, transform_indices = @transform_2, window_bounds = array<i64: 16, 128>}, {transform_indices = @transform_3, window_bounds = array<i64: 4000, 128>}]} {
    %get3A = arith.constant 0 : index
    %get3A_0 = arith.constant 0 : index
    %get3A_1 = vector.load %arg1[%get3A, %get3A_0] : memref<4000x128xf32, #tpu.memory_space<vmem>>, vector<4000x128xf32>
    %get3A_2 = arith.constant 0 : index
    %get3A_3 = arith.constant 0 : index
    %get3A_4 = vector.load %arg2[%get3A_2, %get3A_3] : memref<4000x16xf32, #tpu.memory_space<vmem>>, vector<4000x16xf32>
    %get3A_5 = arith.constant 0 : index
    %get3A_6 = arith.constant 0 : index
    %get3A_7 = vector.load %arg3[%get3A_5, %get3A_6] : memref<16x128xf32, #tpu.memory_space<vmem>>, vector<16x128xf32>
    %dot_general3A = arith.constant dense<0.000000e+00> : vector<4000x128xf32>
    %dot_general3A_8 = tpu.matmul %get3A_4, %get3A_7, %dot_general3A {dimension_numbers = #tpu.dot_dimension_numbers<[1], [0], [0], [1], [0, 0, 1, 1], [], []>, precision = #tpu.contract_precision<fp32>, transpose_lhs_hint = false} : vector<4000x16xf32>, vector<16x128xf32>, vector<4000x128xf32> -> vector<4000x128xf32>
    %add3A = arith.addf %get3A_1, %dot_general3A_8 : vector<4000x128xf32>
    %max3A = arith.constant 0.000000e+00 : f32
    %max3A_9 = vector.broadcast %max3A : f32 to vector<4000x128xf32>
    %max3A_10 = arith.maximumf %add3A, %max3A_9 : vector<4000x128xf32>
    %swap3A = arith.constant 0 : index
    %swap3A_11 = arith.constant 0 : index
    %swap3A_12 = vector.load %arg4[%swap3A, %swap3A_11] : memref<4000x128xf32, #tpu.memory_space<vmem>>, vector<4000x128xf32>
    tpu.vector_store %arg4[%swap3A, %swap3A_11], %max3A_10 {strides = array<i32>} : memref<4000x128xf32, #tpu.memory_space<vmem>>, vector<4000x128xf32>,
    return
  }
  func.func @transform_0(%arg0: i32) -> (i32, i32) {
    %c0_i32 = arith.constant 0 : i32
    %c0_i32_0 = arith.constant 0 : i32
    return %arg0, %c0_i32 : i32, i32
  }
  func.func @transform_1(%arg0: i32) -> (i32, i32) {
    %c0_i32 = arith.constant 0 : i32
    %c0_i32_0 = arith.constant 0 : i32
    return %arg0, %c0_i32 : i32, i32
  }
  func.func @transform_2(%arg0: i32) -> (i32, i32) {
    %c0_i32 = arith.constant 0 : i32
    %c0_i32_0 = arith.constant 0 : i32
    %c0_i32_1 = arith.constant 0 : i32
    return %c0_i32, %c0_i32_0 : i32, i32
  }
  func.func @transform_3(%arg0: i32) -> (i32, i32) {
    %c0_i32 = arith.constant 0 : i32
    %c0_i32_0 = arith.constant 0 : i32
    return %arg0, %c0_i32 : i32, i32
  }
}

module attributes {stable_mosaic.version = 14 : i64} {
  func.func @body(%arg0: i32, %arg1: memref<1000x128xf32, #tpu.memory_space<vmem>>, %arg2: memref<1000x128xf32, #tpu.memory_space<vmem>>, %arg3: memref<1000x1xf32, #tpu.memory_space<vmem>>, %arg4: memref<1000x1xi32, #tpu.memory_space<vmem>>, %arg5: memref<16x64xf32, #tpu.memory_space<vmem>>, %arg6: memref<128x128xf32, #tpu.memory_space<vmem>>, %arg7: memref<1x128xf32, #tpu.memory_space<vmem>>, %arg8: memref<128x128xf32, #tpu.memory_space<vmem>>, %arg9: memref<128x128xf32, #tpu.memory_space<vmem>>, %arg10: memref<64x128xf32, #tpu.memory_space<vmem>>, %arg11: memref<1x128xf32, #tpu.memory_space<vmem>>, %arg12: memref<128x128xf32, #tpu.memory_space<vmem>>, %arg13: memref<1x128xf32, #tpu.memory_space<vmem>>, %arg14: memref<1000x128xf32, #tpu.memory_space<vmem>>) attributes {dimension_semantics = [#tpu.dimension_semantics<arbitrary>], iteration_bounds = array<i64: 10>, scalar_prefetch = 0 : i64, scratch_operands = 0 : i64, tpu.core_type = #tpu.core_type<tc>, window_params = [{transform_indices = @transform_0, window_bounds = array<i64: 1000, 128>}, {transform_indices = @transform_1, window_bounds = array<i64: 1000, 128>}, {transform_indices = @transform_2, window_bounds = array<i64: 1000, 1>}, {transform_indices = @transform_3, window_bounds = array<i64: 1000, 1>}, {pipeline_mode = #tpu.pipeline_mode<synchronous>, transform_indices = @transform_4, window_bounds = array<i64: 16, 64>}, {pipeline_mode = #tpu.pipeline_mode<synchronous>, transform_indices = @transform_5, window_bounds = array<i64: 128, 128>}, {pipeline_mode = #tpu.pipeline_mode<synchronous>, transform_indices = @transform_6, window_bounds = array<i64: 1, 128>}, {pipeline_mode = #tpu.pipeline_mode<synchronous>, transform_indices = @transform_7, window_bounds = array<i64: 128, 128>}, {pipeline_mode = #tpu.pipeline_mode<synchronous>, transform_indices = @transform_8, window_bounds = array<i64: 128, 128>}, {pipeline_mode = #tpu.pipeline_mode<synchronous>, transform_indices = @transform_9, window_bounds = array<i64: 64, 128>}, {pipeline_mode = #tpu.pipeline_mode<synchronous>, transform_indices = @transform_10, window_bounds = array<i64: 1, 128>}, {pipeline_mode = #tpu.pipeline_mode<synchronous>, transform_indices = @transform_11, window_bounds = array<i64: 128, 128>}, {pipeline_mode = #tpu.pipeline_mode<synchronous>, transform_indices = @transform_12, window_bounds = array<i64: 1, 128>}, {transform_indices = @transform_13, window_bounds = array<i64: 1000, 128>}]} {
    %get3A = arith.constant 0 : index
    %get3A_0 = arith.constant 0 : index
    %get3A_1 = vector.load %arg2[%get3A, %get3A_0] : memref<1000x128xf32, #tpu.memory_space<vmem>>, vector<1000x128xf32>
    %get3A_2 = arith.constant 0 : index
    %get3A_3 = arith.constant 0 : index
    %get3A_4 = vector.load %arg3[%get3A_2, %get3A_3] : memref<1000x1xf32, #tpu.memory_space<vmem>>, vector<1000x1xf32>
    %get3A_5 = arith.constant 0 : index
    %get3A_6 = arith.constant 0 : index
    %get3A_7 = vector.load %arg6[%get3A_5, %get3A_6] : memref<128x128xf32, #tpu.memory_space<vmem>>, vector<128x128xf32>
    %dot_general3A = arith.constant dense<0.000000e+00> : vector<1000x128xf32>
    %dot_general3A_8 = tpu.matmul %get3A_1, %get3A_7, %dot_general3A {dimension_numbers = #tpu.dot_dimension_numbers<[1], [0], [0], [1], [0, 0, 1, 1], [], []>, precision = #tpu.contract_precision<fp32>, transpose_lhs_hint = false} : vector<1000x128xf32>, vector<128x128xf32>, vector<1000x128xf32> -> vector<1000x128xf32>
    %get3A_9 = arith.constant 0 : index
    %get3A_10 = arith.constant 0 : index
    %get3A_11 = vector.load %arg7[%get3A_9, %get3A_10] : memref<1x128xf32, #tpu.memory_space<vmem>>, vector<1x128xf32>
    %mul3A = vector.broadcast %get3A_4 : vector<1000x1xf32> to vector<1000x128xf32>
    %mul3A_12 = vector.broadcast %get3A_11 : vector<1x128xf32> to vector<1000x128xf32>
    %mul3A_13 = arith.mulf %mul3A, %mul3A_12 : vector<1000x128xf32>
    %add3A = arith.addf %dot_general3A_8, %mul3A_13 : vector<1000x128xf32>
    %max3A = arith.constant 1.000000e+00 : f32
    %max3A_14 = vector.broadcast %max3A : f32 to vector<1000x1xf32>
    %max3A_15 = arith.maximumf %get3A_4, %max3A_14 : vector<1000x1xf32>
    %div3A = vector.broadcast %max3A_15 : vector<1000x1xf32> to vector<1000x128xf32>
    %div3A_16 = arith.divf %add3A, %div3A : vector<1000x128xf32>
    %get3A_17 = arith.constant 0 : index
    %get3A_18 = arith.constant 0 : index
    %get3A_19 = vector.load %arg4[%get3A_17, %get3A_18] : memref<1000x1xi32, #tpu.memory_space<vmem>>, vector<1000x1xi32>
    %iota3A = tpu.iota {dimensions = array<i32: 1>} : vector<1x16xi32>
    %eq3A = vector.broadcast %get3A_19 : vector<1000x1xi32> to vector<1000x16xi32>
    %eq3A_20 = vector.broadcast %iota3A : vector<1x16xi32> to vector<1000x16xi32>
    %eq3A_21 = arith.cmpi eq, %eq3A, %eq3A_20 : vector<1000x16xi32>
    %convert_element_type3A = arith.extui %eq3A_21 : vector<1000x16xi1> to vector<1000x16xi32>
    %convert_element_type3A_22 = arith.sitofp %convert_element_type3A : vector<1000x16xi32> to vector<1000x16xf32>
    %get3A_23 = arith.constant 0 : index
    %get3A_24 = arith.constant 0 : index
    %get3A_25 = vector.load %arg5[%get3A_23, %get3A_24] : memref<16x64xf32, #tpu.memory_space<vmem>>, vector<16x64xf32>
    %get3A_26 = arith.constant 0 : index
    %get3A_27 = arith.constant 0 : index
    %get3A_28 = vector.load %arg10[%get3A_26, %get3A_27] : memref<64x128xf32, #tpu.memory_space<vmem>>, vector<64x128xf32>
    %dot_general3A_29 = arith.constant dense<0.000000e+00> : vector<16x128xf32>
    %dot_general3A_30 = tpu.matmul %get3A_25, %get3A_28, %dot_general3A_29 {dimension_numbers = #tpu.dot_dimension_numbers<[1], [0], [0], [1], [0, 0, 1, 1], [], []>, precision = #tpu.contract_precision<fp32>, transpose_lhs_hint = false} : vector<16x64xf32>, vector<64x128xf32>, vector<16x128xf32> -> vector<16x128xf32>
    %dot_general3A_31 = arith.constant dense<0.000000e+00> : vector<1000x128xf32>
    %dot_general3A_32 = tpu.matmul %convert_element_type3A_22, %dot_general3A_30, %dot_general3A_31 {dimension_numbers = #tpu.dot_dimension_numbers<[1], [0], [0], [1], [0, 0, 1, 1], [], []>, precision = #tpu.contract_precision<fp32>, transpose_lhs_hint = false} : vector<1000x16xf32>, vector<16x128xf32>, vector<1000x128xf32> -> vector<1000x128xf32>
    %get3A_33 = arith.constant 0 : index
    %get3A_34 = arith.constant 0 : index
    %get3A_35 = vector.load %arg1[%get3A_33, %get3A_34] : memref<1000x128xf32, #tpu.memory_space<vmem>>, vector<1000x128xf32>
    %get3A_36 = arith.constant 0 : index
    %get3A_37 = arith.constant 0 : index
    %get3A_38 = vector.load %arg8[%get3A_36, %get3A_37] : memref<128x128xf32, #tpu.memory_space<vmem>>, vector<128x128xf32>
    %dot_general3A_39 = arith.constant dense<0.000000e+00> : vector<1000x128xf32>
    %dot_general3A_40 = tpu.matmul %get3A_35, %get3A_38, %dot_general3A_39 {dimension_numbers = #tpu.dot_dimension_numbers<[1], [0], [0], [1], [0, 0, 1, 1], [], []>, precision = #tpu.contract_precision<fp32>, transpose_lhs_hint = false} : vector<1000x128xf32>, vector<128x128xf32>, vector<1000x128xf32> -> vector<1000x128xf32>
    %get3A_41 = arith.constant 0 : index
    %get3A_42 = arith.constant 0 : index
    %get3A_43 = vector.load %arg9[%get3A_41, %get3A_42] : memref<128x128xf32, #tpu.memory_space<vmem>>, vector<128x128xf32>
    %dot_general3A_44 = arith.constant dense<0.000000e+00> : vector<1000x128xf32>
    %dot_general3A_45 = tpu.matmul %div3A_16, %get3A_43, %dot_general3A_44 {dimension_numbers = #tpu.dot_dimension_numbers<[1], [0], [0], [1], [0, 0, 1, 1], [], []>, precision = #tpu.contract_precision<fp32>, transpose_lhs_hint = false} : vector<1000x128xf32>, vector<128x128xf32>, vector<1000x128xf32> -> vector<1000x128xf32>
    %add3A_46 = arith.addf %dot_general3A_40, %dot_general3A_45 : vector<1000x128xf32>
    %add3A_47 = arith.addf %add3A_46, %dot_general3A_32 : vector<1000x128xf32>
    %get3A_48 = arith.constant 0 : index
    %get3A_49 = arith.constant 0 : index
    %get3A_50 = vector.load %arg11[%get3A_48, %get3A_49] : memref<1x128xf32, #tpu.memory_space<vmem>>, vector<1x128xf32>
    %add3A_51 = vector.broadcast %get3A_50 : vector<1x128xf32> to vector<1000x128xf32>
    %add3A_52 = arith.addf %add3A_47, %add3A_51 : vector<1000x128xf32>
    %max3A_53 = arith.constant 0.000000e+00 : f32
    %max3A_54 = vector.broadcast %max3A_53 : f32 to vector<1000x128xf32>
    %max3A_55 = arith.maximumf %add3A_52, %max3A_54 : vector<1000x128xf32>
    %get3A_56 = arith.constant 0 : index
    %get3A_57 = arith.constant 0 : index
    %get3A_58 = vector.load %arg12[%get3A_56, %get3A_57] : memref<128x128xf32, #tpu.memory_space<vmem>>, vector<128x128xf32>
    %dot_general3A_59 = arith.constant dense<0.000000e+00> : vector<1000x128xf32>
    %dot_general3A_60 = tpu.matmul %max3A_55, %get3A_58, %dot_general3A_59 {dimension_numbers = #tpu.dot_dimension_numbers<[1], [0], [0], [1], [0, 0, 1, 1], [], []>, precision = #tpu.contract_precision<fp32>, transpose_lhs_hint = false} : vector<1000x128xf32>, vector<128x128xf32>, vector<1000x128xf32> -> vector<1000x128xf32>
    %get3A_61 = arith.constant 0 : index
    %get3A_62 = arith.constant 0 : index
    %get3A_63 = vector.load %arg13[%get3A_61, %get3A_62] : memref<1x128xf32, #tpu.memory_space<vmem>>, vector<1x128xf32>
    %add3A_64 = vector.broadcast %get3A_63 : vector<1x128xf32> to vector<1000x128xf32>
    %add3A_65 = arith.addf %dot_general3A_60, %add3A_64 : vector<1000x128xf32>
    %swap3A = arith.constant 0 : index
    %swap3A_66 = arith.constant 0 : index
    %swap3A_67 = vector.load %arg14[%swap3A, %swap3A_66] : memref<1000x128xf32, #tpu.memory_space<vmem>>, vector<1000x128xf32>
    tpu.vector_store %arg14[%swap3A, %swap3A_66], %add3A_65 {strides = array<i32>} : memref<1000x128xf32, #tpu.memory_space<vmem>>, vector<1000x128xf32>,
    return
  }
  func.func @transform_0(%arg0: i32) -> (i32, i32) {
    %c0_i32 = arith.constant 0 : i32
    %c0_i32_0 = arith.constant 0 : i32
    return %arg0, %c0_i32 : i32, i32
  }
  func.func @transform_1(%arg0: i32) -> (i32, i32) {
    %c0_i32 = arith.constant 0 : i32
    %c0_i32_0 = arith.constant 0 : i32
    return %arg0, %c0_i32 : i32, i32
  }
  func.func @transform_2(%arg0: i32) -> (i32, i32) {
    %c0_i32 = arith.constant 0 : i32
    %c0_i32_0 = arith.constant 0 : i32
    return %arg0, %c0_i32 : i32, i32
  }
  func.func @transform_3(%arg0: i32) -> (i32, i32) {
    %c0_i32 = arith.constant 0 : i32
    %c0_i32_0 = arith.constant 0 : i32
    return %arg0, %c0_i32 : i32, i32
  }
  func.func @transform_4(%arg0: i32) -> (i32, i32) {
    %c0_i32 = arith.constant 0 : i32
    %c0_i32_0 = arith.constant 0 : i32
    %c0_i32_1 = arith.constant 0 : i32
    return %c0_i32, %c0_i32_0 : i32, i32
  }
  func.func @transform_5(%arg0: i32) -> (i32, i32) {
    %c0_i32 = arith.constant 0 : i32
    %c0_i32_0 = arith.constant 0 : i32
    %c0_i32_1 = arith.constant 0 : i32
    return %c0_i32, %c0_i32_0 : i32, i32
  }
  func.func @transform_6(%arg0: i32) -> (i32, i32) {
    %c0_i32 = arith.constant 0 : i32
    %c0_i32_0 = arith.constant 0 : i32
    %c0_i32_1 = arith.constant 0 : i32
    return %c0_i32, %c0_i32_0 : i32, i32
  }
  func.func @transform_7(%arg0: i32) -> (i32, i32) {
    %c0_i32 = arith.constant 0 : i32
    %c0_i32_0 = arith.constant 0 : i32
    %c0_i32_1 = arith.constant 0 : i32
    return %c0_i32, %c0_i32_0 : i32, i32
  }
  func.func @transform_8(%arg0: i32) -> (i32, i32) {
    %c0_i32 = arith.constant 0 : i32
    %c0_i32_0 = arith.constant 0 : i32
    %c0_i32_1 = arith.constant 0 : i32
    return %c0_i32, %c0_i32_0 : i32, i32
  }
  func.func @transform_9(%arg0: i32) -> (i32, i32) {
    %c0_i32 = arith.constant 0 : i32
    %c0_i32_0 = arith.constant 0 : i32
    %c0_i32_1 = arith.constant 0 : i32
    return %c0_i32, %c0_i32_0 : i32, i32
  }
  func.func @transform_10(%arg0: i32) -> (i32, i32) {
    %c0_i32 = arith.constant 0 : i32
    %c0_i32_0 = arith.constant 0 : i32
    %c0_i32_1 = arith.constant 0 : i32
    return %c0_i32, %c0_i32_0 : i32, i32
  }
  func.func @transform_11(%arg0: i32) -> (i32, i32) {
    %c0_i32 = arith.constant 0 : i32
    %c0_i32_0 = arith.constant 0 : i32
    %c0_i32_1 = arith.constant 0 : i32
    return %c0_i32, %c0_i32_0 : i32, i32
  }
  func.func @transform_12(%arg0: i32) -> (i32, i32) {
    %c0_i32 = arith.constant 0 : i32
    %c0_i32_0 = arith.constant 0 : i32
    %c0_i32_1 = arith.constant 0 : i32
    return %c0_i32, %c0_i32_0 : i32, i32
  }
  func.func @transform_13(%arg0: i32) -> (i32, i32) {
    %c0_i32 = arith.constant 0 : i32
    %c0_i32_0 = arith.constant 0 : i32
    return %arg0, %c0_i32 : i32, i32
  }
}

</mosaic_0001>

<sc_bundles>
// kernel: kernel.11.cloned.1.call-start
scs
__scs_entry_jumppad:
0x0: {  	(pc) =	sbr.rel $0x88, $3  }
0x1: {  	(tag) =	ssettag $0x0;
	lr =	simm.s32 $0x1  }
0x2: {  	[smem:$0x3F94] =	sst lr;
	_ =	strace $0xD0000000  }
0x3: {  	_ = 	snop  }
0x4: {  	_ = 	snop  }
0x5: {  	_ = 	snop  }
0x6: {  	_ = 	snop  }
0x7: {  	_ = 	snop  }
__scs_overlays_trampoline_lowered:
0x8: {  	[smem:$0x3FA3] =	sst s0  }
0x9: {  	[smem:$0x3FA4] =	sst s1  }
0xa: {  	[smem:$0x3FA5] =	sst s2  }
0xb: {  	[smem:$0x3FA6] =	sst s3  }
0xc: {  	[smem:$0x3FA7] =	sst s4  }
0xd: {  	[smem:$0x3FA8] =	sst s5  }
0xe: {  	[smem:$0x3FA9] =	sst s6  }
0xf: {  	[smem:$0x3FAA] =	sst s7  }
0x10: {  	[smem:$0x3FAB] =	sst s8  }
0x11: {  	[smem:$0x3FAC] =	sst s9;
	s0 =	simm.s32 @!p0 $0x0  }
0x12: {  	s1 =	sld [smem:$0x3F92];
	s0 =	simm.s32 @p0 $0x1  }
0x13: {  	[smem:$0x3FAD] =	sst s0;
	s0 =	simm.s32 @!p1 $0x0  }
0x14: {  	s2 =	sld [smem:$0x3F91];
	s0 =	simm.s32 @p1 $0x1  }
0x15: {  	[smem:$0x3FAE] =	sst s0;
	s0 =	simm.s32 @!p2 $0x0  }
0x16: {  	s3 =	sld [smem:$0x3FDB];
	s0 =	simm.s32 @p2 $0x1  }
0x17: {  	s4 =	simm.s32 $0x1BF5;
	[smem:$0x3FB0] =	sst s0  }
0x18: {  	s0 =	sld [smem:$0x3F93];
	_ =	swait.ge [sflag:s4], $0x0  }
0x19: {  	s7 =	sld [smem:$0x3F94]  }
0x1a: {  	s8 =	sadd.s32 $0xFFFFE003, lr  }
0x1b: {  	s9 =	sadd.s32 $0xFFFFFEF7, lr;
	s5 =	simm.s32 $0xFFFFFFFF;
	p2 =	slt.u32 s8, $0xFFFFF086  }
0x1c: {  	p1 =	slt.u32 s9, $0xF7A;
	s5 =	simm.s32 @!p2 $0x0  }
0x1d: {  	s5 =	simm.s32 @p1 $0x1;
	p0 =	seq.s32 s7, s2  }
0x1e: {  	s7 =	smul.u32 @!p0 $0xF7A, s2;
	p2 =	seq.s32 @!p0 s5, $0x0  }
0x1f: {  	s9 =	smul.u32 $0xF7A, s1;
	s8 =	simm.s32 @!p0 $0x1BF5;
	p2 =	por !p2, p0  }
0x20: {  	[sflag:s8] =	ssyncset.s32 @!p0 $0xFFFFF086;
	s6 =	sadd.s32 @!p0 s3, s7;
	s7 =	simm.s32 @!p0 $0x108  }
0x21: {  	s3 =	sadd.s32 s3, s9;
	s6 =	sadd.s32 @!p0 $0x88, s6;
	s7 =	simm.s32 @p2 $0x1082  }
0x22: {  	[simem:s7], [sflag:s8] =	dma.local @!p0 [hbm:s6], $0xF7A  }
0x23: {  	s9 =	sor.u32 $0xD0000000, s2;
	s6 =	simm.s32 $0x108;
	_ =	swait.ge @!p0 [sflag:s8], $0x0  }
0x24: {  	s3 =	sadd.s32 $0x88, s3;
	s6 =	simm.s32 @!p1 $0x1082;
	[sflag:s4] =	ssyncset.s32 $0xFFFFF086  }
0x25: {  	[simem:s6], [sflag:s4] =	dma.local [hbm:s3], $0xF7A  }
0x26: {  	[smem:$0x3F94] =	sst s1;
	(tag) =	ssettag s2;
	_ =	strace s9  }
0x27: {  	s1 =	sld [smem:$0x3FA4]  }
0x28: {  	s2 =	sld [smem:$0x3FA5]  }
0x29: {  	s4 =	sld [smem:$0x3FA7]  }
0x2a: {  	p0 =	seq.s32 s5, $0x0;
	s5 =	sld [smem:$0x3FA8]  }
0x2b: {  	s6 =	sld [smem:$0x3FA9]  }
0x2c: {  	s7 =	sld [smem:$0x3FAA]  }
0x2d: {  	s3 =	simm.s32 $0x108;
	s8 =	sld [smem:$0x3FAB]  }
0x2e: {  	s3 =	simm.s32 @!p0 $0x1082;
	s9 =	sld [smem:$0x3FAC]  }
0x2f: {  	lr =	sadd.s32 s0, s3;
	s0 =	sld [smem:$0x3FA3]  }
0x30: {  	s3 =	sld [smem:$0x3FA6]  }
0x31: {  	[smem:$0x3FAF] =	sst s10  }
0x32: {  	s10 =	sld [smem:$0x3FAD];
	_ =	sdelay $0x3  }
0x33: {  	p0 =	seq.s32 s10, $0x1;
	s10 =	sld [smem:$0x3FAF];
	_ =	sdelay $0x3  }
0x34: {  	[smem:$0x3FAF] =	sst s10  }
0x35: {  	s10 =	sld [smem:$0x3FAE];
	_ =	sdelay $0x3  }
0x36: {  	p1 =	seq.s32 s10, $0x1;
	s10 =	sld [smem:$0x3FAF];
	_ =	sdelay $0x3  }
0x37: {  	[smem:$0x3FAF] =	sst s10  }
0x38: {  	s10 =	sld [smem:$0x3FB0]  }
0x39: {  	_ = 	snop;
	(pc) =	sbr.ind lr, $3  }
0x3a: {  	_ = 	snop  }
0x3b: {  	_ = 	snop  }
0x3c: {  	p2 =	seq.s32 s10, $0x1;
	s10 =	sld [smem:$0x3FAF]  }
0x3d: {  	_ =	shalt  }
0x3e: {  	_ =	shalt  }
0x3f: {  	_ =	shalt  }
0x40: {  	_ =	shalt  }
0x41: {  	_ =	shalt  }
0x42: {  	_ =	shalt  }
0x43: {  	_ =	shalt  }
0x44: {  	_ =	shalt  }
0x45: {  	_ =	shalt  }
0x46: {  	_ =	shalt  }
0x47: {  	_ =	shalt  }
0x48: {  	_ =	shalt  }
0x49: {  	_ =	shalt  }
0x4a: {  	_ =	shalt  }
0x4b: {  	_ =	shalt  }
0x4c: {  	_ =	shalt  }
0x4d: {  	_ =	shalt  }
0x4e: {  	_ =	shalt  }
0x4f: {  	_ =	shalt  }
0x50: {  	_ =	shalt  }
0x51: {  	_ =	shalt  }
0x52: {  	_ =	shalt  }
0x53: {  	_ =	shalt  }
0x54: {  	_ =	shalt  }
0x55: {  	_ =	shalt  }
0x56: {  	_ =	shalt  }
0x57: {  	_ =	shalt  }
0x58: {  	_ =	shalt  }
0x59: {  	_ =	shalt  }
0x5a: {  	_ =	shalt  }
0x5b: {  	_ =	shalt  }
0x5c: {  	_ =	shalt  }
0x5d: {  	_ =	shalt  }
0x5e: {  	_ =	shalt  }
0x5f: {  	_ =	shalt  }
0x60: {  	_ =	shalt  }
0x61: {  	_ =	shalt  }
0x62: {  	_ =	shalt  }
0x63: {  	_ =	shalt  }
0x64: {  	_ =	shalt  }
0x65: {  	_ =	shalt  }
0x66: {  	_ =	shalt  }
0x67: {  	_ =	shalt  }
0x68: {  	_ =	shalt  }
0x69: {  	_ =	shalt  }
0x6a: {  	_ =	shalt  }
0x6b: {  	_ =	shalt  }
0x6c: {  	_ =	shalt  }
0x6d: {  	_ =	shalt  }
0x6e: {  	_ =	shalt  }
0x6f: {  	_ =	shalt  }
0x70: {  	_ =	shalt  }
0x71: {  	_ =	shalt  }
0x72: {  	_ =	shalt  }
0x73: {  	_ =	shalt  }
0x74: {  	_ =	shalt  }
0x75: {  	_ =	shalt  }
0x76: {  	_ =	shalt  }
0x77: {  	_ =	shalt  }
0x78: {  	_ =	shalt  }
0x79: {  	_ =	shalt  }
0x7a: {  	_ =	shalt  }
0x7b: {  	_ =	shalt  }
0x7c: {  	_ =	shalt  }
0x7d: {  	_ =	shalt  }
0x7e: {  	_ =	shalt  }
0x7f: {  	_ =	shalt  }
0x80: {  	_ =	shalt  }
0x81: {  	_ =	shalt  }
0x82: {  	_ =	shalt  }
0x83: {  	_ =	shalt  }
0x84: {  	_ =	shalt  }
0x85: {  	_ =	shalt  }
0x86: {  	_ =	shalt  }
0x87: {  	_ =	shalt  }
.Lfunc_end0:
.L_simem_size_0:
called_computation.1_lowered:
.L_overlay_start_0:
0x88: {  	s2 =	sld [smem:$0x3FD9]  }
0x89: {  	s3 =	sld [smem:$0x3FFE];
	_ =	sdelay $0x1  }
0x8a: {  	s1 =	srdreg.scid  }
0x8b: {  	s0 =	sand.u32 $0x1, s1  }
0x8c: {  	s16 =	sshll.u32 s0, $0xA;
	s2 =	sadd.s32 s3, s2  }
0x8d: {  	s2 =	sadd.s32 s2, s16  }
0x8e: {  	[smem:$0x3FBB] =	sst s2  }
0x8f: {  	_ = 	snop  }
0x90: {  	(tm) =	ssettm $0x1  }
0x91: {  	s17 =	sld [smem:$0x3FFB];
	_ =	sdelay $0x3  }
0x92: {  	_ =	strace s17  }
0x93: {  	s2 =	sld [smem:$0x3FFC];
	_ =	sdelay $0x3  }
0x94: {  	_ =	strace s2  }
0x95: {  	s2 =	sld [smem:$0x3FFD];
	_ =	sdelay $0x3  }
0x96: {  	_ =	strace s2  }
0x97: {  	_ =	strace $0x8FFFFFFF  }
0x98: {  	s18 =	sld [smem:$0x3FDB];
	_ =	sdelay $0x1  }
0x99: {  	s19 =	simm.s32 $_scs_section_size  }
0x9a: {  	s4 =	simm.s32 $_size__tile_overlayer_lowered;
	s5 =	simm.s32 $_tile_overlayer_lowered  }
0x9b: {  	s22 =	simm.s32 $0x1BFF;
	s21 =	sshll.u32 s5, $0x1;
	s2 =	sadd.s32 s19, s18  }
0x9c: {  	s6 =	simm.s32 $0x0;
	s20 =	sshll.u32 s4, $0x1;
	s4 =	sadd.s32 s21, s2  }
0x9d: {  	[timem:s6], [sflag:s22] =	dma.local [hbm:s4], s20  }
0x9e: {  	_ =	swait.ge [sflag:s22], s20  }
0x9f: {  	s3 =	ssub.s32 $0x0, s20;
	[sflag:s22] =	ssyncset.done $0x0  }
0xa0: {  	[sflag:s22] =	ssyncadd.s32 s3;
	_ =	sdelay $0x1  }
0xa1: {  	s23 =	simm.s32 $0x1B8B  }
0xa2: {  	_ =	swait.ge [sflag:s23], $0x1  }
0xa3: {  	[sflag:s23] =	ssyncset.done $0x0  }
0xa4: {  	s25 =	simm.s32 $0x1B8E;
	s24 =	sld [smem:$0x3FFE];
	[sflag:s23] =	ssyncadd.s32 $0xFFFFFFFF  }
0xa5: {  	s26 =	simm.s32 $execute0_lowered;
	[smem:$0x3FD2] =	sst s25  }
0xa6: {  	s4 =	sshll.u32 s26, $0x1;
	_ =	strace $0x80000049;
	[dreg:$0x1] =	wrdreg $0xFFFFFFFF  }
0xa7: {  	s28 =	simm.s32 $_size_execute0_lowered;
	s2 =	sadd.s32 s2, s4;
	[dreg:$0x0] =	wrdreg $0x0  }
0xa8: {  	s4 =	sshll.u32 s28, $0x1;
	[dreg:$0x2] =	wrdreg s2  }
0xa9: {  	[dreg:$0x3] =	wrdreg s4  }
0xaa: {  	[dreg:$0x4] =	wrdreg $0xC0  }
0xab: {  	_ =	task [dreg:s6], $0x5FFFF  }
0xac: {  	[dreg:$0x1] =	wrdreg $0xFFFFFFFF  }
0xad: {  	[dreg:$0x0] =	wrdreg $0x60  }
0xae: {  	[dreg:$0x2] =	wrdreg s24  }
0xaf: {  	[dreg:$0x3] =	wrdreg $0xB6000  }
0xb0: {  	[dreg:$0x4] =	wrdreg $0x105000  }
0xb1: {  	[dreg:$0x5] =	wrdreg $0x9  }
0xb2: {  	_ =	task.clear_ibuf [dreg:s6], $0x6FFFF;
	_ =	strace $0x90000049  }
0xb3: {  	s29 =	simm.s32 $0x9;
	_ =	strace $0x8000004B  }
0xb4: {  	_ =	swait.ge [sflag:s29], $0x1  }
0xb5: {  	[sflag:s29] =	ssyncadd.s32 $0xFFFFFFFF  }
0xb6: {  	_ =	strace $0x9000004B  }
0xb7: {  	_ =	sfence  }
0xb8: {  	s30 =	sld [smem:$0x0];
	_ =	sdelay $0x2  }
0xb9: {  	s31 =	sshll.u32 s1, $0xD;
	s1 =	sshrl.u32 s1, $0x2  }
0xba: {  	s3 =	sand.u32 $0x4000, s31;
	s1 =	sadd.s32 s1, s30  }
0xbb: {  	s0 =	sor.u32 s3, s0;
	s1 =	sshll.u32 s1, $0x11  }
0xbc: {  	s0 =	sor.u32 s1, s0  }
0xbd: {  	s0 =	sadd.s32 $0x8F2B, s0  }
0xbe: {  	[sflag:s0] =	ssyncadd.remote.s32 $0x1  }
0xbf: {  	_ =	sfence.sel $0xFFFF  }
0xc0: {  	[dreg:$0x0] =	wrdreg $0xFFFFFFFF;
	(pc) =	sbr.abs _section_cstart, $3  }
0xc1: {  	[dreg:$0x1] =	wrdreg $0xFFFFFFFF  }
0xc2: {  	_ =	task.clear_ibuf [dreg:s6], $0x2FFFF;
	_ =	strace $0x9FFFFFFF  }
0xc3: {  	(tm) =	ssettm $0x7FFFFFFF  }
tec
execute0_lowered:
.L_overlay_start_1:
0x0: {  	(tag) =	ssettag $0x1  }
0x1: {  	s0 =	rddreg [dreg:$0x0]  }
0x2: {  	s1 =	rddreg [dreg:$0x1];
	s21 =	stileid.u32  }
0x3: {  	s3 =	rddreg [dreg:$0x2];
	s4 =	simm.s32 $0x0;
	s5 =	smul.u32 $0x4E200, s21  }
0x4: {  	s2 =	srdreg.scid;
	s28 =	simm.s32 $0x1;
	s11 =	smul.u32 $0x4E20, s21  }
0x5: {  	s29 =	simm.s32 $0xA0;
	s30 =	simm.s32 $0x2;
	s12 =	smul.u32 $0x5000, s21  }
0x6: {  	s31 =	simm.s32 $0x80;
	s2 =	sand.u32 $0x1, s2;
	s18 =	smul.u32 $0x280, s21  }
0x7: {  	[smem:$0x7FF] =	sst s4;
	s8 =	sadd.s32 $0xD000, s0;
	s6 =	smul.u32 $0x9D80, s2  }
0x8: {  	s25 =	sshrl.u32 s21, $0x3;
	s26 =	sshll.u32 s21, $0x7;
	s9 =	smul.u32 $0x13B, s2  }
0x9: {  	s13 =	sor.u32 $0x10, s21;
	s10 =	ssub.s32 $0x2, s2;
	s2 =	smul.u32 $0x13B0, s2  }
0xa: {  	s15 =	sor.u32 $0x20, s21;
	s17 =	sor.u32 $0x30, s21;
	s14 =	smul.u32 $0x5000, s13  }
0xb: {  	s19 =	sshll.u32 s21, $0x6;
	p0 =	seq.s32 s21, $0xF;
	s16 =	smul.u32 $0x5000, s15  }
0xc: {  	p1 =	seq.s32 s21, $0x0;
	_ =	strace $0x8000004A;
	s20 =	smul.u32 $0x280, s13  }
0xd: {  	s7 =	sadd.s32 s5, s0;
	s5 =	sadd.s32 $0x3200, s0;
	s22 =	sshrl.u32 s10, $0x1  }
0xe: {  	s23 =	sshrl.u32 s11, $0x3;
	s11 =	sand.u32 $0x380, s26;
	s12 =	sshrl.u32 s12, $0x2  }
0xf: {  	s26 =	smul.u32 $0x9C4, s21;
	s6 =	sadd.s32 s6, s0;
	s0 =	sadd.s32 s9, s0  }
0x10: {  	s9 =	ssub.s32 s10, s22;
	s10 =	sadd.s32 s8, s23;
	s24 =	sadd.s32 $0x9DAE00, s7  }
0x11: {  	s22 =	sshrl.u32 s14, $0x2;
	s23 =	smul.u32 $0x280, s15;
	[dreg:$0x4] =	wrdreg s10  }
0x12: {  	s13 =	sadd.s32 $0x9DB800, s7;
	v0 =	vmov s2;
	s2 =	simm.s32 $0xAC00;
	[dreg:$0x5] =	wrdreg s24  }
0x13: {  	s6 =	sadd.s32 $0x16E00, s6;
	s10 =	smul.u32 $0x14000, s25;
	s0 =	sadd.s32 $0x3600, s0  }
0x14: {  	s9 =	smax.u32 s9, $0x1;
	s24 =	sshrl.u32 s16, $0x2;
	[dreg:$0x7] =	wrdreg s0  }
0x15: {  	s25 =	smul.u32 $0x280, s17;
	[dreg:$0x8] =	wrdreg s9;
	s9 =	sadd.s32 s12, s1  }
0x16: {  	s12 =	sor.u32 $0x1C03, s19;
	s16 =	sadd.s32 s6, s18;
	s18 =	sadd.s32 s6, s23  }
0x17: {  	s23 =	simm.s32 $0x200;
	s10 =	sshrl.u32 s10, $0x2;
	[dreg:$0x9] =	wrdreg s9  }
0x18: {  	s9 =	sadd.s32 s22, s1;
	s19 =	sadd.s32 s6, s25;
	s10 =	sadd.s32 s10, s3  }
0x19: {  	s22 =	simm.s32 $0x3;
	s10 =	sadd.s32 s11, s10;
	s11 =	smul.u32 $0x5000, s17  }
.Ltmp0:
0x1a: {  	[dreg:$0xa] =	wrdreg s9;
	s9 =	sadd.s32 s24, s1;
	(pc) =	sbr.rel .LBB2_1-.Ltmp0, $4  }
0x1b: {  	s25 =	simm.s32 $0x100;
	s24 =	simm.s32 $0xA200;
	[dreg:$0xb] =	wrdreg s9  }
0x1c: {  	s17 =	sadd.s32 s6, s20;
	s20 =	sadd.s32 s26, s8;
	s0 =	sshrl.u32 s11, $0x2  }
0x1d: {  	s26 =	simm.s32 $0x5200;
	[dreg:$0x6] =	wrdreg s10;
	s0 =	sadd.s32 s0, s1  }
0x1e: {  	v1 =	vimm.f32 $0.0e+00;
	v2 =	vimm.f32 $1.000000000e+00;
	s9 =	simm.s32 $0x0;
	[dreg:$0xc] =	wrdreg s0;
	s0 =	simm.s32 $0x400  }
.LBB2_11:
0x1f: {  	s9 =	sadd.s32 $0x1, s9;
	s6 =	rddreg [dreg:$0x8]  }
0x20: {  	p2 =	sne.s32 s9, s6  }
.Ltmp1:
0x21: {  	_ = 	snop;
	(pc) =	sbr.rel @!p2 .LBB2_12-.Ltmp1, $1  }
0x22: {  	_ =	sdelay $0x3  }
.LBB2_1:
0x23: {  	s6 =	rddreg [dreg:$0x9]  }
0x24: {  	s6 =	sshrl.u32 s6, $0x3  }
0x25: {  	[spmem:s6], [sflag:s12] =	dma.local [hbm:s5], $0x280  }
0x26: {  	_ =	swait.ge [sflag:s22], $0x280  }
0x27: {  	[sflag:s22] =	ssyncset.done $0x0;
	s7 =	rddreg [dreg:$0xa]  }
0x28: {  	[sflag:s22] =	ssyncadd.s32 $0xFFFFFD80;
	s7 =	sshrl.u32 s7, $0x3  }
0x29: {  	[spmem:s7], [sflag:s12] =	dma.local [hbm:s5], $0x280  }
0x2a: {  	_ =	swait.ge [sflag:s22], $0x280  }
0x2b: {  	[sflag:s22] =	ssyncset.done $0x0;
	s8 =	rddreg [dreg:$0xb]  }
0x2c: {  	[sflag:s22] =	ssyncadd.s32 $0xFFFFFD80;
	s8 =	sshrl.u32 s8, $0x3  }
0x2d: {  	[spmem:s8], [sflag:s12] =	dma.local [hbm:s5], $0x280  }
0x2e: {  	_ =	swait.ge [sflag:s22], $0x280  }
0x2f: {  	[sflag:s22] =	ssyncset.done $0x0;
	s10 =	rddreg [dreg:$0xc]  }
0x30: {  	s11 =	simm.s32 @!p0 $0x3;
	[sflag:s22] =	ssyncadd.s32 $0xFFFFFD80;
	s10 =	sshrl.u32 @!p0 s10, $0x3  }
0x31: {  	[spmem:s10], [sflag:s12] =	dma.local @!p0 [hbm:s5], $0x280  }
0x32: {  	_ =	swait.ge @!p0 [sflag:s11], $0x280  }
0x33: {  	[sflag:s11] =	ssyncset.done @!p0 $0x0  }
0x34: {  	s14 =	simm.s32 $0x0;
	[sflag:s11] =	ssyncadd.s32 @!p0 $0xFFFFFD80;
	s11 =	simm.s32 $0x40  }
.LBB2_2:
0x35: {  	p2 =	sne.s32 s11, $0x27C0;
	[tilespmem:s14+$0xA200] =	vst v1;
	s14 =	smov.u32 s11;
	s11 =	sadd.s32 $0x40, s11  }
.Ltmp2:
0x36: {  	(pc) =	sbr.rel @p2 .LBB2_2-.Ltmp2, $2  }
0x37: {  	_ =	sdelay $0x2  }
0x38: {  	s14 =	sshra.s32 s14, $0x2  }
0x39: {  	[tilespmem:s14+$0xA200] =	vst v1  }
0x3a: {  	[bflag:$0x0] =	sbarrier.arrive $0xFFFF  }
0x3b: {  	s11 =	simm.s32 $0x0;
	s15 =	rddreg [dreg:$0x4]  }
0x3c: {  	[tilespmem:s11], [sflag:$0x3] =	stream.linear.gather [hbm4b:s15+s11], $0xA0, $0x38;
	[tilespmem:$0x10F00] =	vst v63  }
0x3d: {  	_ =	swait.ge [sflag:s22], $0xA0  }
0x3e: {  	[sflag:s22] =	ssyncset.done $0x0  }
0x3f: {  	s21 =	rddreg [dreg:$0x5];
	[sflag:s22] =	ssyncadd.s32 $0xFFFFFF60  }
0x40: {  	[tilespmem:s23], [sflag:$0x1] =	stream.linear.gather [hbm4b:s21+s11], $0x5000, $0x38;
	[tilespmem:$0x10F00] =	vst v63  }
0x41: {  	s21 =	smov.u32 s13  }
.LBB2_4:
0x42: {  	v3 =	vld [tilespmem:$0x0];
	_ =	sdelay $0x4  }
0x43: {  	v3 =	vsub.s32 v3, v0  }
0x44: {  	v3 =	vmin.u32 v3, $0x9D8;
	_ =	sdelay $0x3  }
0x45: {  	[tilespmem:$0x0] =	vst v3  }
0x46: {  	[tilespmem:v3+s24+$0x0] =	vst.idx.add.f32.msk $0xffff, v2  }
0x47: {  	v3 =	vld [tilespmem:$0x10];
	_ =	sdelay $0x4  }
0x48: {  	v3 =	vsub.s32 v3, v0  }
0x49: {  	v3 =	vmin.u32 v3, $0x9D8;
	_ =	sdelay $0x3  }
0x4a: {  	[tilespmem:$0x10] =	vst v3  }
0x4b: {  	[tilespmem:v3+s24+$0x0] =	vst.idx.add.f32.msk $0xffff, v2  }
0x4c: {  	v3 =	vld [tilespmem:$0x20];
	_ =	sdelay $0x4  }
0x4d: {  	v3 =	vsub.s32 v3, v0  }
0x4e: {  	v3 =	vmin.u32 v3, $0x9D8;
	_ =	sdelay $0x3  }
0x4f: {  	[tilespmem:$0x20] =	vst v3  }
0x50: {  	[tilespmem:v3+s24+$0x0] =	vst.idx.add.f32.msk $0xffff, v2  }
0x51: {  	v3 =	vld [tilespmem:$0x30];
	_ =	sdelay $0x4  }
0x52: {  	v3 =	vsub.s32 v3, v0  }
0x53: {  	v3 =	vmin.u32 v3, $0x9D8;
	_ =	sdelay $0x3  }
0x54: {  	[tilespmem:$0x30] =	vst v3  }
0x55: {  	[tilespmem:v3+s24+$0x0] =	vst.idx.add.f32.msk $0xffff, v2  }
0x56: {  	v3 =	vld [tilespmem:$0x40];
	_ =	sdelay $0x4  }
0x57: {  	v3 =	vsub.s32 v3, v0  }
0x58: {  	v3 =	vmin.u32 v3, $0x9D8;
	_ =	sdelay $0x3  }
0x59: {  	[tilespmem:$0x40] =	vst v3  }
0x5a: {  	[tilespmem:v3+s24+$0x0] =	vst.idx.add.f32.msk $0xffff, v2  }
0x5b: {  	v3 =	vld [tilespmem:$0x50];
	_ =	sdelay $0x4  }
0x5c: {  	v3 =	vsub.s32 v3, v0  }
0x5d: {  	v3 =	vmin.u32 v3, $0x9D8;
	_ =	sdelay $0x3  }
0x5e: {  	[tilespmem:$0x50] =	vst v3  }
0x5f: {  	[tilespmem:v3+s24+$0x0] =	vst.idx.add.f32.msk $0xffff, v2  }
0x60: {  	v3 =	vld [tilespmem:$0x60];
	_ =	sdelay $0x4  }
0x61: {  	v3 =	vsub.s32 v3, v0  }
0x62: {  	v3 =	vmin.u32 v3, $0x9D8;
	_ =	sdelay $0x3  }
0x63: {  	[tilespmem:$0x60] =	vst v3  }
0x64: {  	[tilespmem:v3+s24+$0x0] =	vst.idx.add.f32.msk $0xffff, v2  }
0x65: {  	v3 =	vld [tilespmem:$0x70];
	_ =	sdelay $0x4  }
0x66: {  	v3 =	vsub.s32 v3, v0  }
0x67: {  	v3 =	vmin.u32 v3, $0x9D8;
	_ =	sdelay $0x3  }
0x68: {  	[tilespmem:$0x70] =	vst v3  }
0x69: {  	[tilespmem:v3+s24+$0x0] =	vst.idx.add.f32.msk $0xffff, v2  }
0x6a: {  	v3 =	vld [tilespmem:$0x80];
	_ =	sdelay $0x4  }
0x6b: {  	v3 =	vsub.s32 v3, v0  }
0x6c: {  	v3 =	vmin.u32 v3, $0x9D8;
	_ =	sdelay $0x3  }
0x6d: {  	[tilespmem:$0x80] =	vst v3  }
0x6e: {  	[tilespmem:v3+s24+$0x0] =	vst.idx.add.f32.msk $0xffff, v2  }
0x6f: {  	v3 =	vld [tilespmem:$0x90];
	_ =	sdelay $0x4  }
0x70: {  	v3 =	vsub.s32 v3, v0  }
0x71: {  	v3 =	vmin.u32 v3, $0x9D8;
	_ =	sdelay $0x3  }
0x72: {  	s14 =	sadd.s32 s11, s20;
	[tilespmem:$0x90] =	vst v3  }
0x73: {  	s15 =	sadd.s32 $0x14, s14;
	[tilespmem:v3+s24+$0x0] =	vst.idx.add.f32.msk $0xffff, v2  }
0x74: {  	[tilespmem:s25], [sflag:$0x3] =	stream.linear.gather [hbm4b:s15+s4], $0xA0, $0x38;
	[tilespmem:$0x10F00] =	vst v63  }
0x75: {  	_ =	swait.ge [sflag:s22], $0xA0  }
0x76: {  	[sflag:s22] =	ssyncset.done $0x0  }
0x77: {  	[sflag:s22] =	ssyncadd.s32 $0xFFFFFF60  }
0x78: {  	[tilespmem:s26], [sflag:$0x2] =	stream.linear.gather [hbm4b:s21+s4], $0x5000, $0x38;
	[tilespmem:$0x10F00] =	vst v63  }
0x79: {  	_ =	swait.ge [sflag:s28], $0x5000  }
0x7a: {  	[sflag:s28] =	ssyncset.done $0x0  }
0x7b: {  	[sflag:s28] =	ssyncadd.s32 $0xFFFFB000  }
0x7c: {  	[spmem:s1] =	stream.indirect.scatter.add.f32 [tilespmem:s23], [sflag:$0x3], $0x80, s4, s29, $0xb8;
	[tilespmem:$0x10F00] =	vst v63  }
0x7d: {  	_ =	swait.ge [sflag:s22], $0x5000  }
0x7e: {  	[sflag:s22] =	ssyncset.done $0x0  }
0x7f: {  	[sflag:s22] =	ssyncadd.s32 $0xFFFFB000  }
0x80: {  	v3 =	vld [tilespmem:$0x100];
	_ =	sdelay $0x4  }
0x81: {  	v3 =	vsub.s32 v3, v0  }
0x82: {  	v3 =	vmin.u32 v3, $0x9D8;
	_ =	sdelay $0x3  }
0x83: {  	[tilespmem:$0x100] =	vst v3  }
0x84: {  	[tilespmem:v3+s24+$0x0] =	vst.idx.add.f32.msk $0xffff, v2  }
0x85: {  	v3 =	vld [tilespmem:$0x110];
	_ =	sdelay $0x4  }
0x86: {  	v3 =	vsub.s32 v3, v0  }
0x87: {  	v3 =	vmin.u32 v3, $0x9D8;
	_ =	sdelay $0x3  }
0x88: {  	[tilespmem:$0x110] =	vst v3  }
0x89: {  	[tilespmem:v3+s24+$0x0] =	vst.idx.add.f32.msk $0xffff, v2  }
0x8a: {  	v3 =	vld [tilespmem:$0x120];
	_ =	sdelay $0x4  }
0x8b: {  	v3 =	vsub.s32 v3, v0  }
0x8c: {  	v3 =	vmin.u32 v3, $0x9D8;
	_ =	sdelay $0x3  }
0x8d: {  	[tilespmem:$0x120] =	vst v3  }
0x8e: {  	[tilespmem:v3+s24+$0x0] =	vst.idx.add.f32.msk $0xffff, v2  }
0x8f: {  	v3 =	vld [tilespmem:$0x130];
	_ =	sdelay $0x4  }
0x90: {  	v3 =	vsub.s32 v3, v0  }
0x91: {  	v3 =	vmin.u32 v3, $0x9D8;
	_ =	sdelay $0x3  }
0x92: {  	[tilespmem:$0x130] =	vst v3  }
0x93: {  	[tilespmem:v3+s24+$0x0] =	vst.idx.add.f32.msk $0xffff, v2  }
0x94: {  	v3 =	vld [tilespmem:$0x140];
	_ =	sdelay $0x4  }
0x95: {  	v3 =	vsub.s32 v3, v0  }
0x96: {  	v3 =	vmin.u32 v3, $0x9D8;
	_ =	sdelay $0x3  }
0x97: {  	[tilespmem:$0x140] =	vst v3  }
0x98: {  	[tilespmem:v3+s24+$0x0] =	vst.idx.add.f32.msk $0xffff, v2  }
0x99: {  	v3 =	vld [tilespmem:$0x150];
	_ =	sdelay $0x4  }
0x9a: {  	v3 =	vsub.s32 v3, v0  }
0x9b: {  	v3 =	vmin.u32 v3, $0x9D8;
	_ =	sdelay $0x3  }
0x9c: {  	[tilespmem:$0x150] =	vst v3  }
0x9d: {  	[tilespmem:v3+s24+$0x0] =	vst.idx.add.f32.msk $0xffff, v2  }
0x9e: {  	v3 =	vld [tilespmem:$0x160];
	_ =	sdelay $0x4  }
0x9f: {  	v3 =	vsub.s32 v3, v0  }
0xa0: {  	v3 =	vmin.u32 v3, $0x9D8;
	_ =	sdelay $0x3  }
0xa1: {  	[tilespmem:$0x160] =	vst v3  }
0xa2: {  	[tilespmem:v3+s24+$0x0] =	vst.idx.add.f32.msk $0xffff, v2  }
0xa3: {  	v3 =	vld [tilespmem:$0x170];
	_ =	sdelay $0x4  }
0xa4: {  	v3 =	vsub.s32 v3, v0  }
0xa5: {  	v3 =	vmin.u32 v3, $0x9D8;
	_ =	sdelay $0x3  }
0xa6: {  	[tilespmem:$0x170] =	vst v3  }
0xa7: {  	[tilespmem:v3+s24+$0x0] =	vst.idx.add.f32.msk $0xffff, v2  }
0xa8: {  	v3 =	vld [tilespmem:$0x180];
	_ =	sdelay $0x4  }
0xa9: {  	v3 =	vsub.s32 v3, v0  }
0xaa: {  	v3 =	vmin.u32 v3, $0x9D8;
	_ =	sdelay $0x3  }
0xab: {  	[tilespmem:$0x180] =	vst v3  }
0xac: {  	[tilespmem:v3+s24+$0x0] =	vst.idx.add.f32.msk $0xffff, v2  }
0xad: {  	v3 =	vld [tilespmem:$0x190];
	_ =	sdelay $0x4  }
0xae: {  	v3 =	vsub.s32 v3, v0  }
0xaf: {  	v3 =	vmin.u32 v3, $0x9D8;
	_ =	sdelay $0x3  }
0xb0: {  	[tilespmem:$0x190] =	vst v3  }
0xb1: {  	s14 =	sadd.s32 $0x28, s14;
	[tilespmem:v3+s24+$0x0] =	vst.idx.add.f32.msk $0xffff, v2  }
0xb2: {  	[tilespmem:s4], [sflag:$0x3] =	stream.linear.gather [hbm4b:s14+s4], $0xA0, $0x38;
	[tilespmem:$0x10F00] =	vst v63  }
0xb3: {  	_ =	swait.ge [sflag:s22], $0xA0  }
0xb4: {  	[sflag:s22] =	ssyncset.done $0x0  }
0xb5: {  	s15 =	sadd.s32 $0xA00, s21;
	[sflag:s22] =	ssyncadd.s32 $0xFFFFFF60  }
0xb6: {  	[tilespmem:s23], [sflag:$0x1] =	stream.linear.gather [hbm4b:s15+s4], $0x5000, $0x38;
	[tilespmem:$0x10F00] =	vst v63  }
0xb7: {  	_ =	swait.ge [sflag:s30], $0x5000  }
0xb8: {  	p2 =	sne.s32 s11, $0x988;
	[sflag:s30] =	ssyncset.done $0x0  }
.Ltmp3:
0xb9: {  	[sflag:s30] =	ssyncadd.s32 $0xFFFFB000;
	(pc) =	sbr.rel @p2 .LBB2_4-.Ltmp3, $4  }
0xba: {  	[spmem:s1] =	stream.indirect.scatter.add.f32 [tilespmem:s26], [sflag:$0x3], $0x80, s25, s29, $0xb8;
	[tilespmem:$0x10F00] =	vst v63  }
0xbb: {  	_ =	swait.ge [sflag:s22], $0x5000  }
0xbc: {  	[sflag:s22] =	ssyncset.done $0x0  }
0xbd: {  	s11 =	sadd.s32 $0x28, s11;
	s21 =	sadd.s32 $0x1400, s21;
	[sflag:s22] =	ssyncadd.s32 $0xFFFFB000  }
0xbe: {  	v3 =	vld [tilespmem:$0x0];
	_ =	sdelay $0x4  }
0xbf: {  	v3 =	vsub.s32 v3, v0  }
0xc0: {  	v3 =	vmin.u32 v3, $0x9D8;
	_ =	sdelay $0x3  }
0xc1: {  	[tilespmem:$0x0] =	vst v3  }
0xc2: {  	[tilespmem:v3+s24+$0x0] =	vst.idx.add.f32.msk $0xffff, v2  }
0xc3: {  	v3 =	vld [tilespmem:$0x10];
	_ =	sdelay $0x4  }
0xc4: {  	v3 =	vsub.s32 v3, v0  }
0xc5: {  	v3 =	vmin.u32 v3, $0x9D8;
	_ =	sdelay $0x3  }
0xc6: {  	[tilespmem:$0x10] =	vst v3  }
0xc7: {  	[tilespmem:v3+s24+$0x0] =	vst.idx.add.f32.msk $0xffff, v2  }
0xc8: {  	v3 =	vld [tilespmem:$0x20];
	_ =	sdelay $0x4  }
0xc9: {  	v3 =	vsub.s32 v3, v0  }
0xca: {  	v3 =	vmin.u32 v3, $0x9D8;
	_ =	sdelay $0x3  }
0xcb: {  	[tilespmem:$0x20] =	vst v3  }
0xcc: {  	[tilespmem:v3+s24+$0x0] =	vst.idx.add.f32.msk $0xffff, v2  }
0xcd: {  	v3 =	vld [tilespmem:$0x30];
	_ =	sdelay $0x4  }
0xce: {  	v3 =	vsub.s32 v3, v0  }
0xcf: {  	v3 =	vmin.u32 v3, $0x9D8;
	_ =	sdelay $0x3  }
0xd0: {  	[tilespmem:$0x30] =	vst v3  }
0xd1: {  	[tilespmem:v3+s24+$0x0] =	vst.idx.add.f32.msk $0xffff, v2  }
0xd2: {  	v3 =	vld [tilespmem:$0x40];
	_ =	sdelay $0x4  }
0xd3: {  	v3 =	vsub.s32 v3, v0  }
0xd4: {  	v3 =	vmin.u32 v3, $0x9D8;
	_ =	sdelay $0x3  }
0xd5: {  	[tilespmem:$0x40] =	vst v3  }
0xd6: {  	[tilespmem:v3+s24+$0x0] =	vst.idx.add.f32.msk $0xffff, v2  }
0xd7: {  	v3 =	vld [tilespmem:$0x50];
	_ =	sdelay $0x4  }
0xd8: {  	v3 =	vsub.s32 v3, v0  }
0xd9: {  	v3 =	vmin.u32 v3, $0x9D8;
	_ =	sdelay $0x3  }
0xda: {  	[tilespmem:$0x50] =	vst v3  }
0xdb: {  	[tilespmem:v3+s24+$0x0] =	vst.idx.add.f32.msk $0xffff, v2  }
0xdc: {  	v3 =	vld [tilespmem:$0x60];
	_ =	sdelay $0x4  }
0xdd: {  	v3 =	vsub.s32 v3, v0  }
0xde: {  	v3 =	vmin.u32 v3, $0x9D8;
	_ =	sdelay $0x3  }
0xdf: {  	[tilespmem:$0x60] =	vst v3  }
0xe0: {  	[tilespmem:v3+s24+$0x0] =	vst.idx.add.f32.msk $0xffff, v2  }
0xe1: {  	v3 =	vld [tilespmem:$0x70];
	_ =	sdelay $0x4  }
0xe2: {  	v3 =	vsub.s32 v3, v0  }
0xe3: {  	v3 =	vmin.u32 v3, $0x9D8;
	_ =	sdelay $0x3  }
0xe4: {  	[tilespmem:$0x70] =	vst v3  }
0xe5: {  	[tilespmem:v3+s24+$0x0] =	vst.idx.add.f32.msk $0xffff, v2  }
0xe6: {  	v3 =	vld [tilespmem:$0x80];
	_ =	sdelay $0x4  }
0xe7: {  	v3 =	vsub.s32 v3, v0  }
0xe8: {  	v3 =	vmin.u32 v3, $0x9D8;
	_ =	sdelay $0x3  }
0xe9: {  	[tilespmem:$0x80] =	vst v3  }
0xea: {  	[tilespmem:v3+s24+$0x0] =	vst.idx.add.f32.msk $0xffff, v2  }
0xeb: {  	v3 =	vld [tilespmem:$0x90];
	_ =	sdelay $0x4  }
0xec: {  	v3 =	vsub.s32 v3, v0  }
0xed: {  	v3 =	vmin.u32 v3, $0x9D8;
	_ =	sdelay $0x3  }
0xee: {  	[tilespmem:$0x90] =	vst v3  }
0xef: {  	[tilespmem:v3+s24+$0x0] =	vst.idx.add.f32.msk $0xffff, v2  }
0xf0: {  	_ =	swait.ge [sflag:s28], $0x5000  }
0xf1: {  	[sflag:s28] =	ssyncset.done $0x0  }
0xf2: {  	[sflag:s28] =	ssyncadd.s32 $0xFFFFB000  }
0xf3: {  	[spmem:s1] =	stream.indirect.scatter.add.f32 [tilespmem:s23], [sflag:$0x3], $0x80, s4, s29, $0xb8;
	[tilespmem:$0x10F00] =	vst v63  }
0xf4: {  	_ =	swait.ge [sflag:s22], $0x5000  }
0xf5: {  	[sflag:s22] =	ssyncset.done $0x0  }
0xf6: {  	[sflag:s22] =	ssyncadd.s32 $0xFFFFB000  }
0xf7: {  	[bflag:$0x0] =	sbarrier.arrive $0xFFFF  }
0xf8: {  	[hbm:s16], [sflag:s12] =	dma.local [spmem:s6], $0x280  }
0xf9: {  	_ =	swait.ge [sflag:s22], $0x280  }
0xfa: {  	[sflag:s22] =	ssyncset.done $0x0  }
0xfb: {  	[sflag:s22] =	ssyncadd.s32 $0xFFFFFD80  }
0xfc: {  	[hbm:s17], [sflag:s12] =	dma.local [spmem:s7], $0x280  }
0xfd: {  	_ =	swait.ge [sflag:s22], $0x280  }
0xfe: {  	[sflag:s22] =	ssyncset.done $0x0  }
0xff: {  	[sflag:s22] =	ssyncadd.s32 $0xFFFFFD80  }
0x100: {  	[hbm:s18], [sflag:s12] =	dma.local [spmem:s8], $0x280  }
0x101: {  	_ =	swait.ge [sflag:s22], $0x280  }
0x102: {  	[sflag:s22] =	ssyncset.done $0x0  }
0x103: {  	s6 =	simm.s32 @!p0 $0x3;
	[sflag:s22] =	ssyncadd.s32 $0xFFFFFD80  }
0x104: {  	[hbm:s19], [sflag:s12] =	dma.local @!p0 [spmem:s10], $0x280  }
0x105: {  	_ =	swait.ge @!p0 [sflag:s6], $0x280  }
0x106: {  	[sflag:s6] =	ssyncset.done @!p0 $0x0  }
0x107: {  	s21 =	rddreg [dreg:$0x6];
	[sflag:s6] =	ssyncadd.s32 @!p0 $0xFFFFFD80  }
0x108: {  	[spmem:s21] =	stream.strided.scatter [tilespmem:s24], [sflag:$0x3], $0xA00, s0, s31, $0x38;
	[tilespmem:$0x10F00] =	vst v63  }
.Ltmp4:
0x109: {  	_ =	swait.ge [sflag:s22], $0xA00;
	(pc) =	sbr.rel @!p1 .LBB2_11-.Ltmp4, $4  }
0x10a: {  	[sflag:s22] =	ssyncset.done $0x0  }
0x10b: {  	[sflag:s22] =	ssyncadd.s32 $0xFFFFF600  }
0x10c: {  	[bflag:$0x0] =	sbarrier.arrive $0xFFFF  }
0x10d: {  	s6 =	simm.s32 $0x0  }
.LBB2_7:
0x10e: {  	s6 =	sadd.s32 $0x1, s6  }
0x10f: {  	s7 =	sshrl.u32 s6, $0x3  }
0x110: {  	s7 =	smul.u32 $0x14000, s7;
	_ =	sdelay $0x1  }
0x111: {  	s8 =	sshll.u32 s6, $0x7;
	s7 =	sshra.s32 s7, $0x2  }
0x112: {  	s8 =	sand.u32 $0x380, s8;
	s7 =	sadd.s32 s7, s3  }
0x113: {  	s7 =	sadd.s32 s8, s7  }
0x114: {  	[tilespmem:s2], [sflag:$0x3] =	stream.strided.gather [spmem:s7], $0xA00, s0, s31, $0x38;
	[tilespmem:$0x10F00] =	vst v63  }
0x115: {  	_ =	swait.ge [sflag:s22], $0xA00  }
0x116: {  	[sflag:s22] =	ssyncset.done $0x0  }
0x117: {  	s7 =	simm.s32 $0x0;
	[sflag:s22] =	ssyncadd.s32 $0xFFFFF600  }
0x118: {  	s8 =	simm.s32 $0x40;
	v3 =	vld [tilespmem:s7+$0xAC00]  }
.LBB2_8:
0x119: {  	p2 =	seq.s32 s8, $0x27C0;
	v4 =	vld [tilespmem:s7+$0xA200];
	_ =	sdelay $0x2  }
.Ltmp5:
0x11a: {  	(pc) =	sbr.rel @!p2 .LBB2_8-.Ltmp5, $4  }
0x11b: {  	_ = 	snop  }
0x11c: {  	v4 =	vadd.f32 v3, v4  }
0x11d: {  	s10 =	sshra.s32 s8, $0x2  }
0x11e: {  	s8 =	sadd.s32 $0x40, s8;
	v3 =	vld [tilespmem:s10+$0xAC00];
	[tilespmem:s7+$0xA200] =	vst v4;
	s7 =	smov.u32 s10  }
0x11f: {  	v4 =	vld [tilespmem:s7+$0xA200];
	_ =	sdelay $0x4  }
0x120: {  	v3 =	vadd.f32 v3, v4;
	_ =	sdelay $0x1  }
0x121: {  	[tilespmem:s7+$0xA200] =	vst v3  }
0x122: {  	p2 =	seq.s32 s6, $0xF  }
.Ltmp6:
0x123: {  	_ = 	snop;
	(pc) =	sbr.rel @!p2 .LBB2_7-.Ltmp6, $1  }
0x124: {  	_ =	sdelay $0x3  }
.Ltmp7:
0x125: {  	s6 =	rddreg [dreg:$0x7];
	(pc) =	sbr.rel .LBB2_11-.Ltmp7, $4  }
0x126: {  	[hbm4b:s6+s4] =	stream.linear.scatter [tilespmem:s24], [sflag:$0x3], $0x9D8, $0x38;
	[tilespmem:$0x10F00] =	vst v63  }
0x127: {  	_ =	swait.ge [sflag:s22], $0x9D8  }
0x128: {  	[sflag:s22] =	ssyncset.done $0x0  }
0x129: {  	[sflag:s22] =	ssyncadd.s32 $0xFFFFF628  }
.LBB2_12:
0x12a: {  	_ =	sfence.sel $0x180000  }
0x12b: {  	[bflag:$0x0] =	sbarrier.arrive $0xFFFF  }
0x12c: {  	_ =	strace $0x9000004A  }
0x12d: {  	s0 =	stileid.u32;
	[bflag:$0x2] =	sbarrier.arrive $0xFFFF  }
0x12e: {  	p0 =	sne.s32 s0, $0x0;
	s0 =	rddreg [dreg:$0x3]  }
0x12f: {  	s0 =	sadd.s32 @!p0 $0x100000, s0  }
0x130: {  	[sflag:s0] =	ssyncadd.tile.s32 @!p0 $0x1;
	_ =	shalt  }
.Lfunc_end2:
_tile_overlayer_lowered:
.L_overlay_start_2:
0x131: {  	(tag) =	ssettag $0x2  }
0x132: {  	s0 =	rddreg [dreg:$0x0];
	s2 =	stileid.u32  }
0x133: {  	s1 =	rddreg [dreg:$0x1];
	p0 =	sne.s32 s2, $0x0  }
0x134: {  	s3 =	rddreg [dreg:$0x2];
	[bflag:$0x3] =	sbarrier.arrive $0xFFFF;
	s2 =	simm.s32 @!p0 $0x1C03  }
0x135: {  	[timem:s3], [sflag:s2] =	dma.local @!p0 [hbm:s0], s1  }
0x136: {  	s0 =	simm.s32 @!p0 $0x3  }
0x137: {  	_ =	swait.ge @!p0 [sflag:s0], s1  }
0x138: {  	s1 =	ssub.s32 @!p0 $0x0, s1;
	[sflag:s0] =	ssyncset.done @!p0 $0x0  }
0x139: {  	[sflag:s0] =	ssyncadd.s32 @!p0 s1  }
0x13a: {  	[bflag:$0x3] =	sbarrier.arrive $0xFFFF  }
0x13b: {  	_ =	shalt  }

// kernel: kernel.14.cloned.1.call-start
scs
__scs_entry_jumppad:
0x0: {  	(pc) =	sbr.rel $0x88, $3  }
0x1: {  	(tag) =	ssettag $0x0;
	lr =	simm.s32 $0x1  }
0x2: {  	[smem:$0x3F94] =	sst lr;
	_ =	strace $0xD0000000  }
0x3: {  	_ = 	snop  }
0x4: {  	_ = 	snop  }
0x5: {  	_ = 	snop  }
0x6: {  	_ = 	snop  }
0x7: {  	_ = 	snop  }
__scs_overlays_trampoline_lowered:
0x8: {  	[smem:$0x3FA3] =	sst s0  }
0x9: {  	[smem:$0x3FA4] =	sst s1  }
0xa: {  	[smem:$0x3FA5] =	sst s2  }
0xb: {  	[smem:$0x3FA6] =	sst s3  }
0xc: {  	[smem:$0x3FA7] =	sst s4  }
0xd: {  	[smem:$0x3FA8] =	sst s5  }
0xe: {  	[smem:$0x3FA9] =	sst s6  }
0xf: {  	[smem:$0x3FAA] =	sst s7  }
0x10: {  	[smem:$0x3FAB] =	sst s8  }
0x11: {  	[smem:$0x3FAC] =	sst s9;
	s0 =	simm.s32 @!p0 $0x0  }
0x12: {  	s1 =	sld [smem:$0x3F92];
	s0 =	simm.s32 @p0 $0x1  }
0x13: {  	[smem:$0x3FAD] =	sst s0;
	s0 =	simm.s32 @!p1 $0x0  }
0x14: {  	s2 =	sld [smem:$0x3F91];
	s0 =	simm.s32 @p1 $0x1  }
0x15: {  	[smem:$0x3FAE] =	sst s0;
	s0 =	simm.s32 @!p2 $0x0  }
0x16: {  	s3 =	sld [smem:$0x3FDB];
	s0 =	simm.s32 @p2 $0x1  }
0x17: {  	s4 =	simm.s32 $0x1BF5;
	[smem:$0x3FB0] =	sst s0  }
0x18: {  	s0 =	sld [smem:$0x3F93];
	_ =	swait.ge [sflag:s4], $0x0  }
0x19: {  	s7 =	sld [smem:$0x3F94]  }
0x1a: {  	s8 =	sadd.s32 $0xFFFFE003, lr  }
0x1b: {  	s9 =	sadd.s32 $0xFFFFFEF7, lr;
	s5 =	simm.s32 $0xFFFFFFFF;
	p2 =	slt.u32 s8, $0xFFFFF086  }
0x1c: {  	p1 =	slt.u32 s9, $0xF7A;
	s5 =	simm.s32 @!p2 $0x0  }
0x1d: {  	s5 =	simm.s32 @p1 $0x1;
	p0 =	seq.s32 s7, s2  }
0x1e: {  	s7 =	smul.u32 @!p0 $0xF7A, s2;
	p2 =	seq.s32 @!p0 s5, $0x0  }
0x1f: {  	s9 =	smul.u32 $0xF7A, s1;
	s8 =	simm.s32 @!p0 $0x1BF5;
	p2 =	por !p2, p0  }
0x20: {  	[sflag:s8] =	ssyncset.s32 @!p0 $0xFFFFF086;
	s6 =	sadd.s32 @!p0 s3, s7;
	s7 =	simm.s32 @!p0 $0x108  }
0x21: {  	s3 =	sadd.s32 s3, s9;
	s6 =	sadd.s32 @!p0 $0x88, s6;
	s7 =	simm.s32 @p2 $0x1082  }
0x22: {  	[simem:s7], [sflag:s8] =	dma.local @!p0 [hbm:s6], $0xF7A  }
0x23: {  	s9 =	sor.u32 $0xD0000000, s2;
	s6 =	simm.s32 $0x108;
	_ =	swait.ge @!p0 [sflag:s8], $0x0  }
0x24: {  	s3 =	sadd.s32 $0x88, s3;
	s6 =	simm.s32 @!p1 $0x1082;
	[sflag:s4] =	ssyncset.s32 $0xFFFFF086  }
0x25: {  	[simem:s6], [sflag:s4] =	dma.local [hbm:s3], $0xF7A  }
0x26: {  	[smem:$0x3F94] =	sst s1;
	(tag) =	ssettag s2;
	_ =	strace s9  }
0x27: {  	s1 =	sld [smem:$0x3FA4]  }
0x28: {  	s2 =	sld [smem:$0x3FA5]  }
0x29: {  	s4 =	sld [smem:$0x3FA7]  }
0x2a: {  	p0 =	seq.s32 s5, $0x0;
	s5 =	sld [smem:$0x3FA8]  }
0x2b: {  	s6 =	sld [smem:$0x3FA9]  }
0x2c: {  	s7 =	sld [smem:$0x3FAA]  }
0x2d: {  	s3 =	simm.s32 $0x108;
	s8 =	sld [smem:$0x3FAB]  }
0x2e: {  	s3 =	simm.s32 @!p0 $0x1082;
	s9 =	sld [smem:$0x3FAC]  }
0x2f: {  	lr =	sadd.s32 s0, s3;
	s0 =	sld [smem:$0x3FA3]  }
0x30: {  	s3 =	sld [smem:$0x3FA6]  }
0x31: {  	[smem:$0x3FAF] =	sst s10  }
0x32: {  	s10 =	sld [smem:$0x3FAD];
	_ =	sdelay $0x3  }
0x33: {  	p0 =	seq.s32 s10, $0x1;
	s10 =	sld [smem:$0x3FAF];
	_ =	sdelay $0x3  }
0x34: {  	[smem:$0x3FAF] =	sst s10  }
0x35: {  	s10 =	sld [smem:$0x3FAE];
	_ =	sdelay $0x3  }
0x36: {  	p1 =	seq.s32 s10, $0x1;
	s10 =	sld [smem:$0x3FAF];
	_ =	sdelay $0x3  }
0x37: {  	[smem:$0x3FAF] =	sst s10  }
0x38: {  	s10 =	sld [smem:$0x3FB0]  }
0x39: {  	_ = 	snop;
	(pc) =	sbr.ind lr, $3  }
0x3a: {  	_ = 	snop  }
0x3b: {  	_ = 	snop  }
0x3c: {  	p2 =	seq.s32 s10, $0x1;
	s10 =	sld [smem:$0x3FAF]  }
0x3d: {  	_ =	shalt  }
0x3e: {  	_ =	shalt  }
0x3f: {  	_ =	shalt  }
0x40: {  	_ =	shalt  }
0x41: {  	_ =	shalt  }
0x42: {  	_ =	shalt  }
0x43: {  	_ =	shalt  }
0x44: {  	_ =	shalt  }
0x45: {  	_ =	shalt  }
0x46: {  	_ =	shalt  }
0x47: {  	_ =	shalt  }
0x48: {  	_ =	shalt  }
0x49: {  	_ =	shalt  }
0x4a: {  	_ =	shalt  }
0x4b: {  	_ =	shalt  }
0x4c: {  	_ =	shalt  }
0x4d: {  	_ =	shalt  }
0x4e: {  	_ =	shalt  }
0x4f: {  	_ =	shalt  }
0x50: {  	_ =	shalt  }
0x51: {  	_ =	shalt  }
0x52: {  	_ =	shalt  }
0x53: {  	_ =	shalt  }
0x54: {  	_ =	shalt  }
0x55: {  	_ =	shalt  }
0x56: {  	_ =	shalt  }
0x57: {  	_ =	shalt  }
0x58: {  	_ =	shalt  }
0x59: {  	_ =	shalt  }
0x5a: {  	_ =	shalt  }
0x5b: {  	_ =	shalt  }
0x5c: {  	_ =	shalt  }
0x5d: {  	_ =	shalt  }
0x5e: {  	_ =	shalt  }
0x5f: {  	_ =	shalt  }
0x60: {  	_ =	shalt  }
0x61: {  	_ =	shalt  }
0x62: {  	_ =	shalt  }
0x63: {  	_ =	shalt  }
0x64: {  	_ =	shalt  }
0x65: {  	_ =	shalt  }
0x66: {  	_ =	shalt  }
0x67: {  	_ =	shalt  }
0x68: {  	_ =	shalt  }
0x69: {  	_ =	shalt  }
0x6a: {  	_ =	shalt  }
0x6b: {  	_ =	shalt  }
0x6c: {  	_ =	shalt  }
0x6d: {  	_ =	shalt  }
0x6e: {  	_ =	shalt  }
0x6f: {  	_ =	shalt  }
0x70: {  	_ =	shalt  }
0x71: {  	_ =	shalt  }
0x72: {  	_ =	shalt  }
0x73: {  	_ =	shalt  }
0x74: {  	_ =	shalt  }
0x75: {  	_ =	shalt  }
0x76: {  	_ =	shalt  }
0x77: {  	_ =	shalt  }
0x78: {  	_ =	shalt  }
0x79: {  	_ =	shalt  }
0x7a: {  	_ =	shalt  }
0x7b: {  	_ =	shalt  }
0x7c: {  	_ =	shalt  }
0x7d: {  	_ =	shalt  }
0x7e: {  	_ =	shalt  }
0x7f: {  	_ =	shalt  }
0x80: {  	_ =	shalt  }
0x81: {  	_ =	shalt  }
0x82: {  	_ =	shalt  }
0x83: {  	_ =	shalt  }
0x84: {  	_ =	shalt  }
0x85: {  	_ =	shalt  }
0x86: {  	_ =	shalt  }
0x87: {  	_ =	shalt  }
.Lfunc_end0:
.L_simem_size_0:
called_computation.2_lowered:
.L_overlay_start_0:
0x88: {  	s2 =	sld [smem:$0x3FD9]  }
0x89: {  	s3 =	sld [smem:$0x3FFE];
	_ =	sdelay $0x1  }
0x8a: {  	s1 =	srdreg.scid  }
0x8b: {  	s0 =	sand.u32 $0x1, s1  }
0x8c: {  	s17 =	sshll.u32 s0, $0xA;
	s2 =	sadd.s32 s3, s2  }
0x8d: {  	s2 =	sadd.s32 s2, s17  }
0x8e: {  	[smem:$0x3FBB] =	sst s2  }
0x8f: {  	_ = 	snop  }
0x90: {  	s18 =	sld [smem:$0x3FD0];
	(tm) =	ssettm $0x1  }
0x91: {  	s19 =	sld [smem:$0x3FFB];
	_ =	sdelay $0x3  }
0x92: {  	_ =	strace s19  }
0x93: {  	s2 =	sld [smem:$0x3FFC];
	_ =	sdelay $0x3  }
0x94: {  	_ =	strace s2  }
0x95: {  	s2 =	sld [smem:$0x3FFD];
	_ =	sdelay $0x3  }
0x96: {  	_ =	strace s2  }
0x97: {  	_ =	strace $0x8FFFFFFF  }
0x98: {  	s20 =	sld [smem:$0x3FDB];
	_ =	sdelay $0x1  }
0x99: {  	s4 =	simm.s32 $_scs_section_size  }
0x9a: {  	s5 =	simm.s32 $_size__tile_overlayer_lowered;
	s6 =	simm.s32 $_tile_overlayer_lowered  }
0x9b: {  	s7 =	simm.s32 $0x1BFF;
	s21 =	sshll.u32 s6, $0x1;
	s4 =	sadd.s32 s4, s20  }
0x9c: {  	s22 =	simm.s32 $0x0;
	s5 =	sshll.u32 s5, $0x1;
	s6 =	sadd.s32 s21, s4  }
0x9d: {  	[timem:s22], [sflag:s7] =	dma.local [hbm:s6], s5  }
0x9e: {  	_ =	swait.ge [sflag:s7], s5  }
0x9f: {  	s5 =	ssub.s32 $0x0, s5;
	[sflag:s7] =	ssyncset.done $0x0  }
0xa0: {  	[sflag:s7] =	ssyncadd.s32 s5;
	_ =	sdelay $0x1  }
0xa1: {  	s23 =	simm.s32 $0x1B8B  }
0xa2: {  	_ =	swait.ge [sflag:s23], $0x1  }
0xa3: {  	[sflag:s23] =	ssyncset.done $0x0  }
0xa4: {  	[sflag:s23] =	ssyncadd.s32 $0xFFFFFFFF  }
0xa5: {  	s5 =	sld [smem:$0x0]  }
0xa6: {  	s6 =	sand.u32 $0xFFFFFFFE, s1  }
0xa7: {  	p0 =	sne.s32 s1, s6  }
0xa8: {  	s6 =	sshll.u32 @p0 s6, $0xE  }
0xa9: {  	s6 =	sadd.s32 @p0 $0x11B8D, s6;
	s7 =	sshll.u32 @p0 s5, $0x11  }
0xaa: {  	s6 =	sor.u32 @p0 s7, s6  }
0xab: {  	[sflag:s6] =	ssyncadd.remote.s32 @p0 $0x1;
	_ =	sdelay $0x1  }
0xac: {  	s6 =	simm.s32 @p0 $0x1B8D  }
0xad: {  	_ =	swait.eq @p0 [sflag:s6], $0x1  }
0xae: {  	[sflag:s6] =	ssyncadd.s32 @p0 $0xFFFFFFFF  }
0xaf: {  	s7 =	sshll.u32 @!p0 s1, $0xE  }
0xb0: {  	s7 =	sor.u32 @!p0 $0x4000, s7;
	s6 =	simm.s32 @!p0 $0x1B8D  }
0xb1: {  	s5 =	sshll.u32 @!p0 s5, $0x11;
	s7 =	sadd.s32 @!p0 $0x11B8D, s7;
	_ =	swait.eq @!p0 [sflag:s6], $0x1  }
0xb2: {  	s5 =	sor.u32 @!p0 s5, s7;
	[sflag:s6] =	ssyncadd.s32 @!p0 $0xFFFFFFFF  }
0xb3: {  	s25 =	simm.s32 $0x1B8E;
	s24 =	sld [smem:$0x3FFE];
	[sflag:s5] =	ssyncadd.remote.s32 @!p0 $0x1  }
0xb4: {  	s26 =	simm.s32 $execute0_lowered;
	[smem:$0x3FD2] =	sst s25  }
0xb5: {  	s6 =	sshll.u32 s26, $0x1;
	_ =	strace $0x8000004C;
	[dreg:$0x1] =	wrdreg $0xFFFFFFFF  }
0xb6: {  	s28 =	simm.s32 $_size_execute0_lowered;
	s4 =	sadd.s32 s4, s6;
	[dreg:$0x0] =	wrdreg $0x0  }
0xb7: {  	s6 =	sshll.u32 s28, $0x1;
	[dreg:$0x2] =	wrdreg s4  }
0xb8: {  	[dreg:$0x3] =	wrdreg s6  }
0xb9: {  	[dreg:$0x4] =	wrdreg $0xC0  }
0xba: {  	_ =	task [dreg:s22], $0x5FFFF  }
0xbb: {  	[dreg:$0x1] =	wrdreg $0xFFFFFFFF  }
0xbc: {  	[dreg:$0x0] =	wrdreg $0x60  }
0xbd: {  	[dreg:$0x2] =	wrdreg s24  }
0xbe: {  	[dreg:$0x3] =	wrdreg s18  }
0xbf: {  	[dreg:$0x4] =	wrdreg $0xB6000  }
0xc0: {  	[dreg:$0x5] =	wrdreg $0x105000  }
0xc1: {  	[dreg:$0x6] =	wrdreg $0xA  }
0xc2: {  	_ =	task.clear_ibuf [dreg:s22], $0x7FFFF;
	_ =	strace $0x9000004C  }
0xc3: {  	s29 =	simm.s32 $0xA;
	_ =	strace $0x8000004E  }
0xc4: {  	_ =	swait.ge [sflag:s29], $0x1  }
0xc5: {  	[sflag:s29] =	ssyncadd.s32 $0xFFFFFFFF  }
0xc6: {  	_ =	strace $0x9000004E  }
0xc7: {  	_ =	sfence  }
0xc8: {  	s30 =	sld [smem:$0x0];
	_ =	sdelay $0x2  }
0xc9: {  	s31 =	sshll.u32 s1, $0xD;
	s1 =	sshrl.u32 s1, $0x2  }
0xca: {  	s4 =	sand.u32 $0x4000, s31;
	s1 =	sadd.s32 s1, s30  }
0xcb: {  	s0 =	sor.u32 s4, s0;
	s1 =	sshll.u32 s1, $0x11  }
0xcc: {  	s0 =	sor.u32 s1, s0  }
0xcd: {  	s0 =	sadd.s32 $0x8F2B, s0  }
0xce: {  	[sflag:s0] =	ssyncadd.remote.s32 $0x1  }
0xcf: {  	_ =	sfence.sel $0xFFFF  }
0xd0: {  	[dreg:$0x0] =	wrdreg $0xFFFFFFFF;
	(pc) =	sbr.abs _section_cstart, $3  }
0xd1: {  	[dreg:$0x1] =	wrdreg $0xFFFFFFFF  }
0xd2: {  	_ =	task.clear_ibuf [dreg:s22], $0x2FFFF;
	_ =	strace $0x9FFFFFFF  }
0xd3: {  	(tm) =	ssettm $0x7FFFFFFF  }
tec
execute0_lowered:
.L_overlay_start_1:
0x0: {  	(tag) =	ssettag $0x1  }
0x1: {  	s0 =	rddreg [dreg:$0x0]  }
0x2: {  	s2 =	rddreg [dreg:$0x1]  }
0x3: {  	s1 =	rddreg [dreg:$0x2]  }
0x4: {  	s3 =	rddreg [dreg:$0x3]  }
0x5: {  	s4 =	simm.s32 $0x0;
	s21 =	stileid.u32;
	s5 =	srdreg.scid  }
0x6: {  	s28 =	simm.s32 $0x1;
	s29 =	simm.s32 $0xA0;
	s6 =	smul.u32 $0x4E200, s21  }
0x7: {  	s30 =	simm.s32 $0x2;
	s31 =	simm.s32 $0x80;
	s13 =	smul.u32 $0x4E20, s21  }
0x8: {  	[smem:$0x7FF] =	sst s4;
	s7 =	sand.u32 $0x1, s5;
	s24 =	smul.u32 $0x5000, s21  }
0x9: {  	s11 =	sadd.s32 $0xD000, s0;
	s5 =	sadd.s32 $0x3200, s0;
	s8 =	smul.u32 $0x13B, s7  }
0xa: {  	s22 =	sshrl.u32 s21, $0x3;
	s23 =	sshll.u32 s21, $0x7;
	s10 =	smul.u32 $0x13B0, s7  }
0xb: {  	s25 =	sor.u32 $0x10, s21;
	s9 =	ssub.s32 $0x2, s7;
	s7 =	smul.u32 $0x9D80, s7  }
0xc: {  	s15 =	sor.u32 $0x20, s21;
	s17 =	sor.u32 $0x30, s21;
	s14 =	smul.u32 $0x5000, s25  }
0xd: {  	p0 =	seq.s32 s21, $0xF;
	p1 =	seq.s32 s21, $0x0;
	s16 =	smul.u32 $0x5000, s15  }
0xe: {  	_ =	strace $0x8000004D;
	s26 =	smul.u32 $0x5000, s17;
	s6 =	sadd.s32 s6, s0  }
0xf: {  	s12 =	sshrl.u32 s9, $0x1;
	s19 =	sshrl.u32 s13, $0x3;
	s0 =	sadd.s32 s8, s0  }
0x10: {  	s18 =	ssub.s32 s9, s12;
	s9 =	sadd.s32 $0x9D8, s10;
	s10 =	sadd.s32 s11, s19  }
0x11: {  	s20 =	sadd.s32 $0x9DAE00, s6;
	s2 =	sadd.s32 s2, s7;
	s7 =	sand.u32 $0x380, s23  }
0x12: {  	s12 =	sshrl.u32 s24, $0x2;
	s19 =	sshll.u32 s21, $0x6;
	s23 =	smul.u32 $0x280, s15  }
0x13: {  	s24 =	sshrl.u32 s16, $0x2;
	[dreg:$0x5] =	wrdreg s10;
	s10 =	smul.u32 $0x14000, s22  }
0x14: {  	s13 =	sadd.s32 $0x9DB800, s6;
	[dreg:$0x6] =	wrdreg s20;
	s20 =	smul.u32 $0x280, s25  }
0x15: {  	s0 =	sadd.s32 $0x3A00, s0;
	s22 =	sshrl.u32 s14, $0x2;
	s25 =	smul.u32 $0x280, s17  }
0x16: {  	v0 =	vmov s9;
	s9 =	simm.s32 $0x0;
	[dreg:$0x8] =	wrdreg s0;
	s0 =	sshrl.u32 s26, $0x2  }
0x17: {  	s26 =	smul.u32 $0x9C4, s21;
	s10 =	sshrl.u32 s10, $0x2;
	s0 =	sadd.s32 s0, s1  }
0x18: {  	s17 =	sadd.s32 s2, s20;
	s10 =	sadd.s32 s10, s3;
	[dreg:$0xd] =	wrdreg s0  }
0x19: {  	s20 =	sadd.s32 s26, s11;
	s26 =	simm.s32 $0x5200;
	s7 =	sadd.s32 s7, s10  }
0x1a: {  	s0 =	simm.s32 $0x400;
	s10 =	smax.u32 s18, $0x1;
	[dreg:$0x7] =	wrdreg s7  }
0x1b: {  	s18 =	smul.u32 $0x280, s21;
	[dreg:$0x9] =	wrdreg s10;
	s7 =	sadd.s32 s12, s1  }
.Ltmp0:
0x1c: {  	s12 =	sor.u32 $0x1C03, s19;
	s19 =	sadd.s32 s2, s25;
	(pc) =	sbr.rel .LBB2_1-.Ltmp0, $4  }
0x1d: {  	s25 =	simm.s32 $0x100;
	[dreg:$0xa] =	wrdreg s7;
	s7 =	sadd.s32 s22, s1  }
0x1e: {  	s16 =	sadd.s32 s2, s18;
	s18 =	sadd.s32 s2, s23;
	s22 =	simm.s32 $0x3  }
0x1f: {  	s23 =	simm.s32 $0x200;
	[dreg:$0xb] =	wrdreg s7;
	s7 =	sadd.s32 s24, s1  }
0x20: {  	v1 =	vimm.f32 $0.0e+00;
	v2 =	vimm.f32 $1.000000000e+00;
	s2 =	simm.s32 $0xAC00;
	s24 =	simm.s32 $0xA200;
	[dreg:$0xc] =	wrdreg s7  }
.LBB2_11:
0x21: {  	s9 =	sadd.s32 $0x1, s9;
	s6 =	rddreg [dreg:$0x9]  }
0x22: {  	p2 =	sne.s32 s9, s6  }
.Ltmp1:
0x23: {  	_ = 	snop;
	(pc) =	sbr.rel @!p2 .LBB2_12-.Ltmp1, $1  }
0x24: {  	_ =	sdelay $0x3  }
.LBB2_1:
0x25: {  	s6 =	rddreg [dreg:$0xa]  }
0x26: {  	s6 =	sshrl.u32 s6, $0x3  }
0x27: {  	[spmem:s6], [sflag:s12] =	dma.local [hbm:s5], $0x280  }
0x28: {  	_ =	swait.ge [sflag:s22], $0x280  }
0x29: {  	[sflag:s22] =	ssyncset.done $0x0;
	s7 =	rddreg [dreg:$0xb]  }
0x2a: {  	[sflag:s22] =	ssyncadd.s32 $0xFFFFFD80;
	s7 =	sshrl.u32 s7, $0x3  }
0x2b: {  	[spmem:s7], [sflag:s12] =	dma.local [hbm:s5], $0x280  }
0x2c: {  	_ =	swait.ge [sflag:s22], $0x280  }
0x2d: {  	[sflag:s22] =	ssyncset.done $0x0;
	s8 =	rddreg [dreg:$0xc]  }
0x2e: {  	[sflag:s22] =	ssyncadd.s32 $0xFFFFFD80;
	s8 =	sshrl.u32 s8, $0x3  }
0x2f: {  	[spmem:s8], [sflag:s12] =	dma.local [hbm:s5], $0x280  }
0x30: {  	_ =	swait.ge [sflag:s22], $0x280  }
0x31: {  	[sflag:s22] =	ssyncset.done $0x0;
	s10 =	rddreg [dreg:$0xd]  }
0x32: {  	s11 =	simm.s32 @!p0 $0x3;
	[sflag:s22] =	ssyncadd.s32 $0xFFFFFD80;
	s10 =	sshrl.u32 @!p0 s10, $0x3  }
0x33: {  	[spmem:s10], [sflag:s12] =	dma.local @!p0 [hbm:s5], $0x280  }
0x34: {  	_ =	swait.ge @!p0 [sflag:s11], $0x280  }
0x35: {  	[sflag:s11] =	ssyncset.done @!p0 $0x0  }
0x36: {  	s14 =	simm.s32 $0x0;
	[sflag:s11] =	ssyncadd.s32 @!p0 $0xFFFFFD80;
	s11 =	simm.s32 $0x40  }
.LBB2_2:
0x37: {  	p2 =	sne.s32 s11, $0x27C0;
	[tilespmem:s14+$0xA200] =	vst v1;
	s14 =	smov.u32 s11;
	s11 =	sadd.s32 $0x40, s11  }
.Ltmp2:
0x38: {  	(pc) =	sbr.rel @p2 .LBB2_2-.Ltmp2, $2  }
0x39: {  	_ =	sdelay $0x2  }
0x3a: {  	s14 =	sshra.s32 s14, $0x2  }
0x3b: {  	[tilespmem:s14+$0xA200] =	vst v1  }
0x3c: {  	[bflag:$0x0] =	sbarrier.arrive $0xFFFF  }
0x3d: {  	s11 =	simm.s32 $0x0;
	s15 =	rddreg [dreg:$0x5]  }
0x3e: {  	[tilespmem:s11], [sflag:$0x3] =	stream.linear.gather [hbm4b:s15+s11], $0xA0, $0x38;
	[tilespmem:$0x10F00] =	vst v63  }
0x3f: {  	_ =	swait.ge [sflag:s22], $0xA0  }
0x40: {  	[sflag:s22] =	ssyncset.done $0x0  }
0x41: {  	s21 =	rddreg [dreg:$0x6];
	[sflag:s22] =	ssyncadd.s32 $0xFFFFFF60  }
0x42: {  	[tilespmem:s23], [sflag:$0x1] =	stream.linear.gather [hbm4b:s21+s11], $0x5000, $0x38;
	[tilespmem:$0x10F00] =	vst v63  }
0x43: {  	s21 =	smov.u32 s13  }
.LBB2_4:
0x44: {  	v3 =	vld [tilespmem:$0x0];
	_ =	sdelay $0x4  }
0x45: {  	v3 =	vsub.s32 v3, v0  }
0x46: {  	v3 =	vmin.u32 v3, $0x9D8;
	_ =	sdelay $0x3  }
0x47: {  	[tilespmem:$0x0] =	vst v3  }
0x48: {  	[tilespmem:v3+s24+$0x0] =	vst.idx.add.f32.msk $0xffff, v2  }
0x49: {  	v3 =	vld [tilespmem:$0x10];
	_ =	sdelay $0x4  }
0x4a: {  	v3 =	vsub.s32 v3, v0  }
0x4b: {  	v3 =	vmin.u32 v3, $0x9D8;
	_ =	sdelay $0x3  }
0x4c: {  	[tilespmem:$0x10] =	vst v3  }
0x4d: {  	[tilespmem:v3+s24+$0x0] =	vst.idx.add.f32.msk $0xffff, v2  }
0x4e: {  	v3 =	vld [tilespmem:$0x20];
	_ =	sdelay $0x4  }
0x4f: {  	v3 =	vsub.s32 v3, v0  }
0x50: {  	v3 =	vmin.u32 v3, $0x9D8;
	_ =	sdelay $0x3  }
0x51: {  	[tilespmem:$0x20] =	vst v3  }
0x52: {  	[tilespmem:v3+s24+$0x0] =	vst.idx.add.f32.msk $0xffff, v2  }
0x53: {  	v3 =	vld [tilespmem:$0x30];
	_ =	sdelay $0x4  }
0x54: {  	v3 =	vsub.s32 v3, v0  }
0x55: {  	v3 =	vmin.u32 v3, $0x9D8;
	_ =	sdelay $0x3  }
0x56: {  	[tilespmem:$0x30] =	vst v3  }
0x57: {  	[tilespmem:v3+s24+$0x0] =	vst.idx.add.f32.msk $0xffff, v2  }
0x58: {  	v3 =	vld [tilespmem:$0x40];
	_ =	sdelay $0x4  }
0x59: {  	v3 =	vsub.s32 v3, v0  }
0x5a: {  	v3 =	vmin.u32 v3, $0x9D8;
	_ =	sdelay $0x3  }
0x5b: {  	[tilespmem:$0x40] =	vst v3  }
0x5c: {  	[tilespmem:v3+s24+$0x0] =	vst.idx.add.f32.msk $0xffff, v2  }
0x5d: {  	v3 =	vld [tilespmem:$0x50];
	_ =	sdelay $0x4  }
0x5e: {  	v3 =	vsub.s32 v3, v0  }
0x5f: {  	v3 =	vmin.u32 v3, $0x9D8;
	_ =	sdelay $0x3  }
0x60: {  	[tilespmem:$0x50] =	vst v3  }
0x61: {  	[tilespmem:v3+s24+$0x0] =	vst.idx.add.f32.msk $0xffff, v2  }
0x62: {  	v3 =	vld [tilespmem:$0x60];
	_ =	sdelay $0x4  }
0x63: {  	v3 =	vsub.s32 v3, v0  }
0x64: {  	v3 =	vmin.u32 v3, $0x9D8;
	_ =	sdelay $0x3  }
0x65: {  	[tilespmem:$0x60] =	vst v3  }
0x66: {  	[tilespmem:v3+s24+$0x0] =	vst.idx.add.f32.msk $0xffff, v2  }
0x67: {  	v3 =	vld [tilespmem:$0x70];
	_ =	sdelay $0x4  }
0x68: {  	v3 =	vsub.s32 v3, v0  }
0x69: {  	v3 =	vmin.u32 v3, $0x9D8;
	_ =	sdelay $0x3  }
0x6a: {  	[tilespmem:$0x70] =	vst v3  }
0x6b: {  	[tilespmem:v3+s24+$0x0] =	vst.idx.add.f32.msk $0xffff, v2  }
0x6c: {  	v3 =	vld [tilespmem:$0x80];
	_ =	sdelay $0x4  }
0x6d: {  	v3 =	vsub.s32 v3, v0  }
0x6e: {  	v3 =	vmin.u32 v3, $0x9D8;
	_ =	sdelay $0x3  }
0x6f: {  	[tilespmem:$0x80] =	vst v3  }
0x70: {  	[tilespmem:v3+s24+$0x0] =	vst.idx.add.f32.msk $0xffff, v2  }
0x71: {  	v3 =	vld [tilespmem:$0x90];
	_ =	sdelay $0x4  }
0x72: {  	v3 =	vsub.s32 v3, v0  }
0x73: {  	v3 =	vmin.u32 v3, $0x9D8;
	_ =	sdelay $0x3  }
0x74: {  	s14 =	sadd.s32 s11, s20;
	[tilespmem:$0x90] =	vst v3  }
0x75: {  	s15 =	sadd.s32 $0x14, s14;
	[tilespmem:v3+s24+$0x0] =	vst.idx.add.f32.msk $0xffff, v2  }
0x76: {  	[tilespmem:s25], [sflag:$0x3] =	stream.linear.gather [hbm4b:s15+s4], $0xA0, $0x38;
	[tilespmem:$0x10F00] =	vst v63  }
0x77: {  	_ =	swait.ge [sflag:s22], $0xA0  }
0x78: {  	[sflag:s22] =	ssyncset.done $0x0  }
0x79: {  	[sflag:s22] =	ssyncadd.s32 $0xFFFFFF60  }
0x7a: {  	[tilespmem:s26], [sflag:$0x2] =	stream.linear.gather [hbm4b:s21+s4], $0x5000, $0x38;
	[tilespmem:$0x10F00] =	vst v63  }
0x7b: {  	_ =	swait.ge [sflag:s28], $0x5000  }
0x7c: {  	[sflag:s28] =	ssyncset.done $0x0  }
0x7d: {  	[sflag:s28] =	ssyncadd.s32 $0xFFFFB000  }
0x7e: {  	[spmem:s1] =	stream.indirect.scatter.add.f32 [tilespmem:s23], [sflag:$0x3], $0x80, s4, s29, $0xb8;
	[tilespmem:$0x10F00] =	vst v63  }
0x7f: {  	_ =	swait.ge [sflag:s22], $0x5000  }
0x80: {  	[sflag:s22] =	ssyncset.done $0x0  }
0x81: {  	[sflag:s22] =	ssyncadd.s32 $0xFFFFB000  }
0x82: {  	v3 =	vld [tilespmem:$0x100];
	_ =	sdelay $0x4  }
0x83: {  	v3 =	vsub.s32 v3, v0  }
0x84: {  	v3 =	vmin.u32 v3, $0x9D8;
	_ =	sdelay $0x3  }
0x85: {  	[tilespmem:$0x100] =	vst v3  }
0x86: {  	[tilespmem:v3+s24+$0x0] =	vst.idx.add.f32.msk $0xffff, v2  }
0x87: {  	v3 =	vld [tilespmem:$0x110];
	_ =	sdelay $0x4  }
0x88: {  	v3 =	vsub.s32 v3, v0  }
0x89: {  	v3 =	vmin.u32 v3, $0x9D8;
	_ =	sdelay $0x3  }
0x8a: {  	[tilespmem:$0x110] =	vst v3  }
0x8b: {  	[tilespmem:v3+s24+$0x0] =	vst.idx.add.f32.msk $0xffff, v2  }
0x8c: {  	v3 =	vld [tilespmem:$0x120];
	_ =	sdelay $0x4  }
0x8d: {  	v3 =	vsub.s32 v3, v0  }
0x8e: {  	v3 =	vmin.u32 v3, $0x9D8;
	_ =	sdelay $0x3  }
0x8f: {  	[tilespmem:$0x120] =	vst v3  }
0x90: {  	[tilespmem:v3+s24+$0x0] =	vst.idx.add.f32.msk $0xffff, v2  }
0x91: {  	v3 =	vld [tilespmem:$0x130];
	_ =	sdelay $0x4  }
0x92: {  	v3 =	vsub.s32 v3, v0  }
0x93: {  	v3 =	vmin.u32 v3, $0x9D8;
	_ =	sdelay $0x3  }
0x94: {  	[tilespmem:$0x130] =	vst v3  }
0x95: {  	[tilespmem:v3+s24+$0x0] =	vst.idx.add.f32.msk $0xffff, v2  }
0x96: {  	v3 =	vld [tilespmem:$0x140];
	_ =	sdelay $0x4  }
0x97: {  	v3 =	vsub.s32 v3, v0  }
0x98: {  	v3 =	vmin.u32 v3, $0x9D8;
	_ =	sdelay $0x3  }
0x99: {  	[tilespmem:$0x140] =	vst v3  }
0x9a: {  	[tilespmem:v3+s24+$0x0] =	vst.idx.add.f32.msk $0xffff, v2  }
0x9b: {  	v3 =	vld [tilespmem:$0x150];
	_ =	sdelay $0x4  }
0x9c: {  	v3 =	vsub.s32 v3, v0  }
0x9d: {  	v3 =	vmin.u32 v3, $0x9D8;
	_ =	sdelay $0x3  }
0x9e: {  	[tilespmem:$0x150] =	vst v3  }
0x9f: {  	[tilespmem:v3+s24+$0x0] =	vst.idx.add.f32.msk $0xffff, v2  }
0xa0: {  	v3 =	vld [tilespmem:$0x160];
	_ =	sdelay $0x4  }
0xa1: {  	v3 =	vsub.s32 v3, v0  }
0xa2: {  	v3 =	vmin.u32 v3, $0x9D8;
	_ =	sdelay $0x3  }
0xa3: {  	[tilespmem:$0x160] =	vst v3  }
0xa4: {  	[tilespmem:v3+s24+$0x0] =	vst.idx.add.f32.msk $0xffff, v2  }
0xa5: {  	v3 =	vld [tilespmem:$0x170];
	_ =	sdelay $0x4  }
0xa6: {  	v3 =	vsub.s32 v3, v0  }
0xa7: {  	v3 =	vmin.u32 v3, $0x9D8;
	_ =	sdelay $0x3  }
0xa8: {  	[tilespmem:$0x170] =	vst v3  }
0xa9: {  	[tilespmem:v3+s24+$0x0] =	vst.idx.add.f32.msk $0xffff, v2  }
0xaa: {  	v3 =	vld [tilespmem:$0x180];
	_ =	sdelay $0x4  }
0xab: {  	v3 =	vsub.s32 v3, v0  }
0xac: {  	v3 =	vmin.u32 v3, $0x9D8;
	_ =	sdelay $0x3  }
0xad: {  	[tilespmem:$0x180] =	vst v3  }
0xae: {  	[tilespmem:v3+s24+$0x0] =	vst.idx.add.f32.msk $0xffff, v2  }
0xaf: {  	v3 =	vld [tilespmem:$0x190];
	_ =	sdelay $0x4  }
0xb0: {  	v3 =	vsub.s32 v3, v0  }
0xb1: {  	v3 =	vmin.u32 v3, $0x9D8;
	_ =	sdelay $0x3  }
0xb2: {  	[tilespmem:$0x190] =	vst v3  }
0xb3: {  	s14 =	sadd.s32 $0x28, s14;
	[tilespmem:v3+s24+$0x0] =	vst.idx.add.f32.msk $0xffff, v2  }
0xb4: {  	[tilespmem:s4], [sflag:$0x3] =	stream.linear.gather [hbm4b:s14+s4], $0xA0, $0x38;
	[tilespmem:$0x10F00] =	vst v63  }
0xb5: {  	_ =	swait.ge [sflag:s22], $0xA0  }
0xb6: {  	[sflag:s22] =	ssyncset.done $0x0  }
0xb7: {  	s15 =	sadd.s32 $0xA00, s21;
	[sflag:s22] =	ssyncadd.s32 $0xFFFFFF60  }
0xb8: {  	[tilespmem:s23], [sflag:$0x1] =	stream.linear.gather [hbm4b:s15+s4], $0x5000, $0x38;
	[tilespmem:$0x10F00] =	vst v63  }
0xb9: {  	_ =	swait.ge [sflag:s30], $0x5000  }
0xba: {  	p2 =	sne.s32 s11, $0x988;
	[sflag:s30] =	ssyncset.done $0x0  }
.Ltmp3:
0xbb: {  	[sflag:s30] =	ssyncadd.s32 $0xFFFFB000;
	(pc) =	sbr.rel @p2 .LBB2_4-.Ltmp3, $4  }
0xbc: {  	[spmem:s1] =	stream.indirect.scatter.add.f32 [tilespmem:s26], [sflag:$0x3], $0x80, s25, s29, $0xb8;
	[tilespmem:$0x10F00] =	vst v63  }
0xbd: {  	_ =	swait.ge [sflag:s22], $0x5000  }
0xbe: {  	[sflag:s22] =	ssyncset.done $0x0  }
0xbf: {  	s11 =	sadd.s32 $0x28, s11;
	s21 =	sadd.s32 $0x1400, s21;
	[sflag:s22] =	ssyncadd.s32 $0xFFFFB000  }
0xc0: {  	v3 =	vld [tilespmem:$0x0];
	_ =	sdelay $0x4  }
0xc1: {  	v3 =	vsub.s32 v3, v0  }
0xc2: {  	v3 =	vmin.u32 v3, $0x9D8;
	_ =	sdelay $0x3  }
0xc3: {  	[tilespmem:$0x0] =	vst v3  }
0xc4: {  	[tilespmem:v3+s24+$0x0] =	vst.idx.add.f32.msk $0xffff, v2  }
0xc5: {  	v3 =	vld [tilespmem:$0x10];
	_ =	sdelay $0x4  }
0xc6: {  	v3 =	vsub.s32 v3, v0  }
0xc7: {  	v3 =	vmin.u32 v3, $0x9D8;
	_ =	sdelay $0x3  }
0xc8: {  	[tilespmem:$0x10] =	vst v3  }
0xc9: {  	[tilespmem:v3+s24+$0x0] =	vst.idx.add.f32.msk $0xffff, v2  }
0xca: {  	v3 =	vld [tilespmem:$0x20];
	_ =	sdelay $0x4  }
0xcb: {  	v3 =	vsub.s32 v3, v0  }
0xcc: {  	v3 =	vmin.u32 v3, $0x9D8;
	_ =	sdelay $0x3  }
0xcd: {  	[tilespmem:$0x20] =	vst v3  }
0xce: {  	[tilespmem:v3+s24+$0x0] =	vst.idx.add.f32.msk $0xffff, v2  }
0xcf: {  	v3 =	vld [tilespmem:$0x30];
	_ =	sdelay $0x4  }
0xd0: {  	v3 =	vsub.s32 v3, v0  }
0xd1: {  	v3 =	vmin.u32 v3, $0x9D8;
	_ =	sdelay $0x3  }
0xd2: {  	[tilespmem:$0x30] =	vst v3  }
0xd3: {  	[tilespmem:v3+s24+$0x0] =	vst.idx.add.f32.msk $0xffff, v2  }
0xd4: {  	v3 =	vld [tilespmem:$0x40];
	_ =	sdelay $0x4  }
0xd5: {  	v3 =	vsub.s32 v3, v0  }
0xd6: {  	v3 =	vmin.u32 v3, $0x9D8;
	_ =	sdelay $0x3  }
0xd7: {  	[tilespmem:$0x40] =	vst v3  }
0xd8: {  	[tilespmem:v3+s24+$0x0] =	vst.idx.add.f32.msk $0xffff, v2  }
0xd9: {  	v3 =	vld [tilespmem:$0x50];
	_ =	sdelay $0x4  }
0xda: {  	v3 =	vsub.s32 v3, v0  }
0xdb: {  	v3 =	vmin.u32 v3, $0x9D8;
	_ =	sdelay $0x3  }
0xdc: {  	[tilespmem:$0x50] =	vst v3  }
0xdd: {  	[tilespmem:v3+s24+$0x0] =	vst.idx.add.f32.msk $0xffff, v2  }
0xde: {  	v3 =	vld [tilespmem:$0x60];
	_ =	sdelay $0x4  }
0xdf: {  	v3 =	vsub.s32 v3, v0  }
0xe0: {  	v3 =	vmin.u32 v3, $0x9D8;
	_ =	sdelay $0x3  }
0xe1: {  	[tilespmem:$0x60] =	vst v3  }
0xe2: {  	[tilespmem:v3+s24+$0x0] =	vst.idx.add.f32.msk $0xffff, v2  }
0xe3: {  	v3 =	vld [tilespmem:$0x70];
	_ =	sdelay $0x4  }
0xe4: {  	v3 =	vsub.s32 v3, v0  }
0xe5: {  	v3 =	vmin.u32 v3, $0x9D8;
	_ =	sdelay $0x3  }
0xe6: {  	[tilespmem:$0x70] =	vst v3  }
0xe7: {  	[tilespmem:v3+s24+$0x0] =	vst.idx.add.f32.msk $0xffff, v2  }
0xe8: {  	v3 =	vld [tilespmem:$0x80];
	_ =	sdelay $0x4  }
0xe9: {  	v3 =	vsub.s32 v3, v0  }
0xea: {  	v3 =	vmin.u32 v3, $0x9D8;
	_ =	sdelay $0x3  }
0xeb: {  	[tilespmem:$0x80] =	vst v3  }
0xec: {  	[tilespmem:v3+s24+$0x0] =	vst.idx.add.f32.msk $0xffff, v2  }
0xed: {  	v3 =	vld [tilespmem:$0x90];
	_ =	sdelay $0x4  }
0xee: {  	v3 =	vsub.s32 v3, v0  }
0xef: {  	v3 =	vmin.u32 v3, $0x9D8;
	_ =	sdelay $0x3  }
0xf0: {  	[tilespmem:$0x90] =	vst v3  }
0xf1: {  	[tilespmem:v3+s24+$0x0] =	vst.idx.add.f32.msk $0xffff, v2  }
0xf2: {  	_ =	swait.ge [sflag:s28], $0x5000  }
0xf3: {  	[sflag:s28] =	ssyncset.done $0x0  }
0xf4: {  	[sflag:s28] =	ssyncadd.s32 $0xFFFFB000  }
0xf5: {  	[spmem:s1] =	stream.indirect.scatter.add.f32 [tilespmem:s23], [sflag:$0x3], $0x80, s4, s29, $0xb8;
	[tilespmem:$0x10F00] =	vst v63  }
0xf6: {  	_ =	swait.ge [sflag:s22], $0x5000  }
0xf7: {  	[sflag:s22] =	ssyncset.done $0x0  }
0xf8: {  	[sflag:s22] =	ssyncadd.s32 $0xFFFFB000  }
0xf9: {  	[bflag:$0x0] =	sbarrier.arrive $0xFFFF  }
0xfa: {  	[hbm:s16], [sflag:s12] =	dma.local [spmem:s6], $0x280  }
0xfb: {  	_ =	swait.ge [sflag:s22], $0x280  }
0xfc: {  	[sflag:s22] =	ssyncset.done $0x0  }
0xfd: {  	[sflag:s22] =	ssyncadd.s32 $0xFFFFFD80  }
0xfe: {  	[hbm:s17], [sflag:s12] =	dma.local [spmem:s7], $0x280  }
0xff: {  	_ =	swait.ge [sflag:s22], $0x280  }
0x100: {  	[sflag:s22] =	ssyncset.done $0x0  }
0x101: {  	[sflag:s22] =	ssyncadd.s32 $0xFFFFFD80  }
0x102: {  	[hbm:s18], [sflag:s12] =	dma.local [spmem:s8], $0x280  }
0x103: {  	_ =	swait.ge [sflag:s22], $0x280  }
0x104: {  	[sflag:s22] =	ssyncset.done $0x0  }
0x105: {  	s6 =	simm.s32 @!p0 $0x3;
	[sflag:s22] =	ssyncadd.s32 $0xFFFFFD80  }
0x106: {  	[hbm:s19], [sflag:s12] =	dma.local @!p0 [spmem:s10], $0x280  }
0x107: {  	_ =	swait.ge @!p0 [sflag:s6], $0x280  }
0x108: {  	[sflag:s6] =	ssyncset.done @!p0 $0x0  }
0x109: {  	s21 =	rddreg [dreg:$0x7];
	[sflag:s6] =	ssyncadd.s32 @!p0 $0xFFFFFD80  }
0x10a: {  	[spmem:s21] =	stream.strided.scatter [tilespmem:s24], [sflag:$0x3], $0xA00, s0, s31, $0x38;
	[tilespmem:$0x10F00] =	vst v63  }
.Ltmp4:
0x10b: {  	_ =	swait.ge [sflag:s22], $0xA00;
	(pc) =	sbr.rel @!p1 .LBB2_11-.Ltmp4, $4  }
0x10c: {  	[sflag:s22] =	ssyncset.done $0x0  }
0x10d: {  	[sflag:s22] =	ssyncadd.s32 $0xFFFFF600  }
0x10e: {  	[bflag:$0x0] =	sbarrier.arrive $0xFFFF  }
0x10f: {  	s6 =	simm.s32 $0x0  }
.LBB2_7:
0x110: {  	s6 =	sadd.s32 $0x1, s6  }
0x111: {  	s7 =	sshrl.u32 s6, $0x3  }
0x112: {  	s7 =	smul.u32 $0x14000, s7;
	_ =	sdelay $0x1  }
0x113: {  	s8 =	sshll.u32 s6, $0x7;
	s7 =	sshra.s32 s7, $0x2  }
0x114: {  	s8 =	sand.u32 $0x380, s8;
	s7 =	sadd.s32 s7, s3  }
0x115: {  	s7 =	sadd.s32 s8, s7  }
0x116: {  	[tilespmem:s2], [sflag:$0x3] =	stream.strided.gather [spmem:s7], $0xA00, s0, s31, $0x38;
	[tilespmem:$0x10F00] =	vst v63  }
0x117: {  	_ =	swait.ge [sflag:s22], $0xA00  }
0x118: {  	[sflag:s22] =	ssyncset.done $0x0  }
0x119: {  	s7 =	simm.s32 $0x0;
	[sflag:s22] =	ssyncadd.s32 $0xFFFFF600  }
0x11a: {  	s8 =	simm.s32 $0x40;
	v3 =	vld [tilespmem:s7+$0xAC00]  }
.LBB2_8:
0x11b: {  	p2 =	seq.s32 s8, $0x27C0;
	v4 =	vld [tilespmem:s7+$0xA200];
	_ =	sdelay $0x2  }
.Ltmp5:
0x11c: {  	(pc) =	sbr.rel @!p2 .LBB2_8-.Ltmp5, $4  }
0x11d: {  	_ = 	snop  }
0x11e: {  	v4 =	vadd.f32 v3, v4  }
0x11f: {  	s10 =	sshra.s32 s8, $0x2  }
0x120: {  	s8 =	sadd.s32 $0x40, s8;
	v3 =	vld [tilespmem:s10+$0xAC00];
	[tilespmem:s7+$0xA200] =	vst v4;
	s7 =	smov.u32 s10  }
0x121: {  	v4 =	vld [tilespmem:s7+$0xA200];
	_ =	sdelay $0x4  }
0x122: {  	v3 =	vadd.f32 v3, v4;
	_ =	sdelay $0x1  }
0x123: {  	[tilespmem:s7+$0xA200] =	vst v3  }
0x124: {  	p2 =	seq.s32 s6, $0xF  }
.Ltmp6:
0x125: {  	_ = 	snop;
	(pc) =	sbr.rel @!p2 .LBB2_7-.Ltmp6, $1  }
0x126: {  	_ =	sdelay $0x3  }
.Ltmp7:
0x127: {  	s6 =	rddreg [dreg:$0x8];
	(pc) =	sbr.rel .LBB2_11-.Ltmp7, $4  }
0x128: {  	[hbm4b:s6+s4] =	stream.linear.scatter [tilespmem:s24], [sflag:$0x3], $0x9D8, $0x38;
	[tilespmem:$0x10F00] =	vst v63  }
0x129: {  	_ =	swait.ge [sflag:s22], $0x9D8  }
0x12a: {  	[sflag:s22] =	ssyncset.done $0x0  }
0x12b: {  	[sflag:s22] =	ssyncadd.s32 $0xFFFFF628  }
.LBB2_12:
0x12c: {  	_ =	sfence.sel $0x180000  }
0x12d: {  	[bflag:$0x0] =	sbarrier.arrive $0xFFFF  }
0x12e: {  	_ =	strace $0x9000004D  }
0x12f: {  	s0 =	stileid.u32;
	[bflag:$0x2] =	sbarrier.arrive $0xFFFF  }
0x130: {  	p0 =	sne.s32 s0, $0x0;
	s0 =	rddreg [dreg:$0x4]  }
0x131: {  	s0 =	sadd.s32 @!p0 $0x100000, s0  }
0x132: {  	[sflag:s0] =	ssyncadd.tile.s32 @!p0 $0x1;
	_ =	shalt  }
.Lfunc_end2:
_tile_overlayer_lowered:
.L_overlay_start_2:
0x133: {  	(tag) =	ssettag $0x2  }
0x134: {  	s0 =	rddreg [dreg:$0x0];
	s2 =	stileid.u32  }
0x135: {  	s1 =	rddreg [dreg:$0x1];
	p0 =	sne.s32 s2, $0x0  }
0x136: {  	s3 =	rddreg [dreg:$0x2];
	[bflag:$0x3] =	sbarrier.arrive $0xFFFF;
	s2 =	simm.s32 @!p0 $0x1C03  }
0x137: {  	[timem:s3], [sflag:s2] =	dma.local @!p0 [hbm:s0], s1  }
0x138: {  	s0 =	simm.s32 @!p0 $0x3  }
0x139: {  	_ =	swait.ge @!p0 [sflag:s0], s1  }
0x13a: {  	s1 =	ssub.s32 @!p0 $0x0, s1;
	[sflag:s0] =	ssyncset.done @!p0 $0x0  }
0x13b: {  	[sflag:s0] =	ssyncadd.s32 @!p0 s1  }
0x13c: {  	[bflag:$0x3] =	sbarrier.arrive $0xFFFF  }
0x13d: {  	_ =	shalt  }

// kernel: kernel.8.cloned.1.call-start
scs
__scs_entry_jumppad:
0x0: {  	(pc) =	sbr.rel $0x88, $3  }
0x1: {  	(tag) =	ssettag $0x0;
	lr =	simm.s32 $0x1  }
0x2: {  	[smem:$0x3F94] =	sst lr;
	_ =	strace $0xD0000000  }
0x3: {  	_ = 	snop  }
0x4: {  	_ = 	snop  }
0x5: {  	_ = 	snop  }
0x6: {  	_ = 	snop  }
0x7: {  	_ = 	snop  }
__scs_overlays_trampoline_lowered:
0x8: {  	[smem:$0x3FA3] =	sst s0  }
0x9: {  	[smem:$0x3FA4] =	sst s1  }
0xa: {  	[smem:$0x3FA5] =	sst s2  }
0xb: {  	[smem:$0x3FA6] =	sst s3  }
0xc: {  	[smem:$0x3FA7] =	sst s4  }
0xd: {  	[smem:$0x3FA8] =	sst s5  }
0xe: {  	[smem:$0x3FA9] =	sst s6  }
0xf: {  	[smem:$0x3FAA] =	sst s7  }
0x10: {  	[smem:$0x3FAB] =	sst s8  }
0x11: {  	[smem:$0x3FAC] =	sst s9;
	s0 =	simm.s32 @!p0 $0x0  }
0x12: {  	s1 =	sld [smem:$0x3F92];
	s0 =	simm.s32 @p0 $0x1  }
0x13: {  	[smem:$0x3FAD] =	sst s0;
	s0 =	simm.s32 @!p1 $0x0  }
0x14: {  	s2 =	sld [smem:$0x3F91];
	s0 =	simm.s32 @p1 $0x1  }
0x15: {  	[smem:$0x3FAE] =	sst s0;
	s0 =	simm.s32 @!p2 $0x0  }
0x16: {  	s3 =	sld [smem:$0x3FDB];
	s0 =	simm.s32 @p2 $0x1  }
0x17: {  	s4 =	simm.s32 $0x1BF5;
	[smem:$0x3FB0] =	sst s0  }
0x18: {  	s0 =	sld [smem:$0x3F93];
	_ =	swait.ge [sflag:s4], $0x0  }
0x19: {  	s7 =	sld [smem:$0x3F94]  }
0x1a: {  	s8 =	sadd.s32 $0xFFFFE003, lr  }
0x1b: {  	s9 =	sadd.s32 $0xFFFFFEF7, lr;
	s5 =	simm.s32 $0xFFFFFFFF;
	p2 =	slt.u32 s8, $0xFFFFF086  }
0x1c: {  	p1 =	slt.u32 s9, $0xF7A;
	s5 =	simm.s32 @!p2 $0x0  }
0x1d: {  	s5 =	simm.s32 @p1 $0x1;
	p0 =	seq.s32 s7, s2  }
0x1e: {  	s7 =	smul.u32 @!p0 $0xF7A, s2;
	p2 =	seq.s32 @!p0 s5, $0x0  }
0x1f: {  	s9 =	smul.u32 $0xF7A, s1;
	s8 =	simm.s32 @!p0 $0x1BF5;
	p2 =	por !p2, p0  }
0x20: {  	[sflag:s8] =	ssyncset.s32 @!p0 $0xFFFFF086;
	s6 =	sadd.s32 @!p0 s3, s7;
	s7 =	simm.s32 @!p0 $0x108  }
0x21: {  	s3 =	sadd.s32 s3, s9;
	s6 =	sadd.s32 @!p0 $0x88, s6;
	s7 =	simm.s32 @p2 $0x1082  }
0x22: {  	[simem:s7], [sflag:s8] =	dma.local @!p0 [hbm:s6], $0xF7A  }
0x23: {  	s9 =	sor.u32 $0xD0000000, s2;
	s6 =	simm.s32 $0x108;
	_ =	swait.ge @!p0 [sflag:s8], $0x0  }
0x24: {  	s3 =	sadd.s32 $0x88, s3;
	s6 =	simm.s32 @!p1 $0x1082;
	[sflag:s4] =	ssyncset.s32 $0xFFFFF086  }
0x25: {  	[simem:s6], [sflag:s4] =	dma.local [hbm:s3], $0xF7A  }
0x26: {  	[smem:$0x3F94] =	sst s1;
	(tag) =	ssettag s2;
	_ =	strace s9  }
0x27: {  	s1 =	sld [smem:$0x3FA4]  }
0x28: {  	s2 =	sld [smem:$0x3FA5]  }
0x29: {  	s4 =	sld [smem:$0x3FA7]  }
0x2a: {  	p0 =	seq.s32 s5, $0x0;
	s5 =	sld [smem:$0x3FA8]  }
0x2b: {  	s6 =	sld [smem:$0x3FA9]  }
0x2c: {  	s7 =	sld [smem:$0x3FAA]  }
0x2d: {  	s3 =	simm.s32 $0x108;
	s8 =	sld [smem:$0x3FAB]  }
0x2e: {  	s3 =	simm.s32 @!p0 $0x1082;
	s9 =	sld [smem:$0x3FAC]  }
0x2f: {  	lr =	sadd.s32 s0, s3;
	s0 =	sld [smem:$0x3FA3]  }
0x30: {  	s3 =	sld [smem:$0x3FA6]  }
0x31: {  	[smem:$0x3FAF] =	sst s10  }
0x32: {  	s10 =	sld [smem:$0x3FAD];
	_ =	sdelay $0x3  }
0x33: {  	p0 =	seq.s32 s10, $0x1;
	s10 =	sld [smem:$0x3FAF];
	_ =	sdelay $0x3  }
0x34: {  	[smem:$0x3FAF] =	sst s10  }
0x35: {  	s10 =	sld [smem:$0x3FAE];
	_ =	sdelay $0x3  }
0x36: {  	p1 =	seq.s32 s10, $0x1;
	s10 =	sld [smem:$0x3FAF];
	_ =	sdelay $0x3  }
0x37: {  	[smem:$0x3FAF] =	sst s10  }
0x38: {  	s10 =	sld [smem:$0x3FB0]  }
0x39: {  	_ = 	snop;
	(pc) =	sbr.ind lr, $3  }
0x3a: {  	_ = 	snop  }
0x3b: {  	_ = 	snop  }
0x3c: {  	p2 =	seq.s32 s10, $0x1;
	s10 =	sld [smem:$0x3FAF]  }
0x3d: {  	_ =	shalt  }
0x3e: {  	_ =	shalt  }
0x3f: {  	_ =	shalt  }
0x40: {  	_ =	shalt  }
0x41: {  	_ =	shalt  }
0x42: {  	_ =	shalt  }
0x43: {  	_ =	shalt  }
0x44: {  	_ =	shalt  }
0x45: {  	_ =	shalt  }
0x46: {  	_ =	shalt  }
0x47: {  	_ =	shalt  }
0x48: {  	_ =	shalt  }
0x49: {  	_ =	shalt  }
0x4a: {  	_ =	shalt  }
0x4b: {  	_ =	shalt  }
0x4c: {  	_ =	shalt  }
0x4d: {  	_ =	shalt  }
0x4e: {  	_ =	shalt  }
0x4f: {  	_ =	shalt  }
0x50: {  	_ =	shalt  }
0x51: {  	_ =	shalt  }
0x52: {  	_ =	shalt  }
0x53: {  	_ =	shalt  }
0x54: {  	_ =	shalt  }
0x55: {  	_ =	shalt  }
0x56: {  	_ =	shalt  }
0x57: {  	_ =	shalt  }
0x58: {  	_ =	shalt  }
0x59: {  	_ =	shalt  }
0x5a: {  	_ =	shalt  }
0x5b: {  	_ =	shalt  }
0x5c: {  	_ =	shalt  }
0x5d: {  	_ =	shalt  }
0x5e: {  	_ =	shalt  }
0x5f: {  	_ =	shalt  }
0x60: {  	_ =	shalt  }
0x61: {  	_ =	shalt  }
0x62: {  	_ =	shalt  }
0x63: {  	_ =	shalt  }
0x64: {  	_ =	shalt  }
0x65: {  	_ =	shalt  }
0x66: {  	_ =	shalt  }
0x67: {  	_ =	shalt  }
0x68: {  	_ =	shalt  }
0x69: {  	_ =	shalt  }
0x6a: {  	_ =	shalt  }
0x6b: {  	_ =	shalt  }
0x6c: {  	_ =	shalt  }
0x6d: {  	_ =	shalt  }
0x6e: {  	_ =	shalt  }
0x6f: {  	_ =	shalt  }
0x70: {  	_ =	shalt  }
0x71: {  	_ =	shalt  }
0x72: {  	_ =	shalt  }
0x73: {  	_ =	shalt  }
0x74: {  	_ =	shalt  }
0x75: {  	_ =	shalt  }
0x76: {  	_ =	shalt  }
0x77: {  	_ =	shalt  }
0x78: {  	_ =	shalt  }
0x79: {  	_ =	shalt  }
0x7a: {  	_ =	shalt  }
0x7b: {  	_ =	shalt  }
0x7c: {  	_ =	shalt  }
0x7d: {  	_ =	shalt  }
0x7e: {  	_ =	shalt  }
0x7f: {  	_ =	shalt  }
0x80: {  	_ =	shalt  }
0x81: {  	_ =	shalt  }
0x82: {  	_ =	shalt  }
0x83: {  	_ =	shalt  }
0x84: {  	_ =	shalt  }
0x85: {  	_ =	shalt  }
0x86: {  	_ =	shalt  }
0x87: {  	_ =	shalt  }
.Lfunc_end0:
.L_simem_size_0:
called_computation_lowered:
.L_overlay_start_0:
0x88: {  	s2 =	sld [smem:$0x3FD9]  }
0x89: {  	s3 =	sld [smem:$0x3FFE];
	_ =	sdelay $0x1  }
0x8a: {  	s1 =	srdreg.scid  }
0x8b: {  	s0 =	sand.u32 $0x1, s1  }
0x8c: {  	s17 =	sshll.u32 s0, $0xA;
	s2 =	sadd.s32 s3, s2  }
0x8d: {  	s2 =	sadd.s32 s2, s17  }
0x8e: {  	[smem:$0x3FBB] =	sst s2  }
0x8f: {  	_ = 	snop  }
0x90: {  	s2 =	sld [smem:$0x3FD0];
	(tm) =	ssettm $0x1  }
0x91: {  	s18 =	sld [smem:$0x3FFB];
	_ =	sdelay $0x3  }
0x92: {  	_ =	strace s18  }
0x93: {  	s3 =	sld [smem:$0x3FFC];
	_ =	sdelay $0x3  }
0x94: {  	_ =	strace s3  }
0x95: {  	s3 =	sld [smem:$0x3FFD];
	_ =	sdelay $0x3  }
0x96: {  	_ =	strace s3  }
0x97: {  	_ =	strace $0x8FFFFFFF  }
0x98: {  	s19 =	sld [smem:$0x3FDB];
	_ =	sdelay $0x1  }
0x99: {  	s4 =	simm.s32 $_scs_section_size  }
0x9a: {  	s5 =	simm.s32 $_size__tile_overlayer_lowered;
	s6 =	simm.s32 $_tile_overlayer_lowered  }
0x9b: {  	s22 =	simm.s32 $0x1BFF;
	s21 =	sshll.u32 s6, $0x1;
	s3 =	sadd.s32 s4, s19  }
0x9c: {  	s7 =	simm.s32 $0x0;
	s20 =	sshll.u32 s5, $0x1;
	s5 =	sadd.s32 s21, s3  }
0x9d: {  	[timem:s7], [sflag:s22] =	dma.local [hbm:s5], s20  }
0x9e: {  	_ =	swait.ge [sflag:s22], s20  }
0x9f: {  	s4 =	ssub.s32 $0x0, s20;
	[sflag:s22] =	ssyncset.done $0x0  }
0xa0: {  	[sflag:s22] =	ssyncadd.s32 s4;
	_ =	sdelay $0x1  }
0xa1: {  	s23 =	simm.s32 $0x1B8B  }
0xa2: {  	_ =	swait.ge [sflag:s23], $0x1  }
0xa3: {  	[sflag:s23] =	ssyncset.done $0x0  }
0xa4: {  	s25 =	simm.s32 $0x1B8E;
	s24 =	sld [smem:$0x3FFE];
	[sflag:s23] =	ssyncadd.s32 $0xFFFFFFFF  }
0xa5: {  	s26 =	simm.s32 $execute0_lowered;
	[smem:$0x3FD2] =	sst s25  }
0xa6: {  	s5 =	sshll.u32 s26, $0x1;
	_ =	strace $0x80000046;
	[dreg:$0x1] =	wrdreg $0xFFFFFFFF  }
0xa7: {  	s28 =	simm.s32 $_size_execute0_lowered;
	s3 =	sadd.s32 s3, s5;
	[dreg:$0x0] =	wrdreg $0x0  }
0xa8: {  	s5 =	sshll.u32 s28, $0x1;
	[dreg:$0x2] =	wrdreg s3  }
0xa9: {  	[dreg:$0x3] =	wrdreg s5  }
0xaa: {  	[dreg:$0x4] =	wrdreg $0xC0  }
0xab: {  	_ =	task [dreg:s7], $0x5FFFF  }
0xac: {  	[dreg:$0x1] =	wrdreg $0xFFFFFFFF  }
0xad: {  	[dreg:$0x0] =	wrdreg $0x60  }
0xae: {  	[dreg:$0x2] =	wrdreg s2  }
0xaf: {  	[dreg:$0x3] =	wrdreg s24  }
0xb0: {  	[dreg:$0x4] =	wrdreg $0x9  }
0xb1: {  	_ =	task.clear_ibuf [dreg:s7], $0x5FFFF;
	_ =	strace $0x90000046  }
0xb2: {  	s29 =	simm.s32 $0x9;
	_ =	strace $0x80000048  }
0xb3: {  	_ =	swait.ge [sflag:s29], $0x1  }
0xb4: {  	[sflag:s29] =	ssyncadd.s32 $0xFFFFFFFF  }
0xb5: {  	_ =	strace $0x90000048  }
0xb6: {  	_ =	sfence  }
0xb7: {  	s30 =	sld [smem:$0x0];
	_ =	sdelay $0x2  }
0xb8: {  	s31 =	sshll.u32 s1, $0xD;
	s1 =	sshrl.u32 s1, $0x2  }
0xb9: {  	s3 =	sand.u32 $0x4000, s31;
	s1 =	sadd.s32 s1, s30  }
0xba: {  	s0 =	sor.u32 s3, s0;
	s1 =	sshll.u32 s1, $0x11  }
0xbb: {  	s0 =	sor.u32 s1, s0  }
0xbc: {  	s0 =	sadd.s32 $0x8F2B, s0  }
0xbd: {  	[sflag:s0] =	ssyncadd.remote.s32 $0x1  }
0xbe: {  	_ =	sfence.sel $0xFFFF  }
0xbf: {  	[dreg:$0x0] =	wrdreg $0xFFFFFFFF;
	(pc) =	sbr.abs _section_cstart, $3  }
0xc0: {  	[dreg:$0x1] =	wrdreg $0xFFFFFFFF  }
0xc1: {  	_ =	task.clear_ibuf [dreg:s7], $0x2FFFF;
	_ =	strace $0x9FFFFFFF  }
0xc2: {  	(tm) =	ssettm $0x7FFFFFFF  }
0xc3: {  	_ =	shalt  }
tec
execute0_lowered:
.L_overlay_start_1:
0x0: {  	(tag) =	ssettag $0x1  }
0x1: {  	s0 =	srdreg.scid;
	s2 =	rddreg [dreg:$0x0]  }
0x2: {  	s5 =	rddreg [dreg:$0x1];
	s1 =	stileid.u32;
	s3 =	simm.s32 $0x0  }
0x3: {  	s15 =	simm.s32 $0x200;
	s16 =	simm.s32 $0x100;
	s17 =	simm.s32 $0x6600  }
0x4: {  	s18 =	simm.s32 $0x1;
	s19 =	simm.s32 $0x2;
	s20 =	simm.s32 $0x0  }
0x5: {  	s9 =	sand.u32 $0x1, s0;
	s0 =	rddreg [dreg:$0x2];
	s28 =	smul.u32 $0x2710, s1  }
0x6: {  	[smem:$0x7FF] =	sst s3;
	s30 =	smul.u32 $0x27100, s1;
	s4 =	sshll.u32 s9, $0x4  }
0x7: {  	s8 =	ssub.s32 $0x2, s9;
	s13 =	smul.u32 $0x27100, s9;
	s6 =	sor.u32 s1, s4  }
0x8: {  	s10 =	sadd.s32 $0x16E00, s5;
	s24 =	sshrl.u32 s8, $0x1;
	s7 =	smul.u32 $0x2710, s6  }
0x9: {  	_ =	strace $0x80000047;
	s8 =	ssub.s32 s8, s24;
	s25 =	smul.u32 $0x27100, s6  }
0xa: {  	s14 =	smul.u32 $0x271000, s9;
	s4 =	sadd.s32 $0x3200, s5;
	s6 =	smax.u32 s8, $0x1  }
0xb: {  	s11 =	sshrl.u32 s7, $0x3;
	s12 =	sadd.s32 $0x2648, s7;
	s26 =	sadd.s32 s10, s25  }
0xc: {  	s5 =	sadd.s32 s4, s11;
	s7 =	sshrl.u32 s12, $0x3;
	s8 =	sadd.s32 $0x25800, s26  }
0xd: {  	s29 =	sshll.u32 s12, $0x4;
	s11 =	sadd.s32 s28, s13;
	s7 =	sadd.s32 s4, s7  }
0xe: {  	s9 =	sadd.s32 s10, s29;
	s10 =	sadd.s32 s14, s10;
	s13 =	sadd.s32 $0xC8, s11  }
0xf: {  	s11 =	sadd.s32 $0x190, s11;
	s14 =	simm.s32 $0xC8;
	s31 =	sshrl.u32 s13, $0x3  }
0x10: {  	s10 =	sadd.s32 s30, s10;
	s13 =	simm.s32 $0x3;
	s12 =	sadd.s32 s31, s4  }
.LBB2_1:
0x11: {  	[tilespmem:s3], [sflag:$0x3] =	stream.linear.gather [hbm4b:s5+s3], $0xC8, $0x38;
	[tilespmem:$0xCA00] =	vst v63  }
0x12: {  	_ =	swait.ge [sflag:s13], $0xC8  }
0x13: {  	[sflag:s13] =	ssyncset.done $0x0  }
0x14: {  	[sflag:s13] =	ssyncadd.s32 $0xFFFFFF38  }
0x15: {  	[tilespmem:s15], [sflag:$0x1] =	stream.indirect.gather [hbm4b:s2+s14], $0x80, s3, s14, $0xb8;
	[tilespmem:$0xCA00] =	vst v63  }
0x16: {  	s21 =	sadd.s32 $0x0, s12  }
0x17: {  	[tilespmem:s16], [sflag:$0x3] =	stream.linear.gather [hbm4b:s21+s3], $0xC8, $0x38;
	[tilespmem:$0xCA00] =	vst v63  }
0x18: {  	_ =	swait.ge [sflag:s13], $0xC8  }
0x19: {  	[sflag:s13] =	ssyncset.done $0x0  }
0x1a: {  	[sflag:s13] =	ssyncadd.s32 $0xFFFFFF38  }
0x1b: {  	[tilespmem:s17], [sflag:$0x2] =	stream.indirect.gather [hbm4b:s2+s14], $0x80, s16, s14, $0xb8;
	[tilespmem:$0xCA00] =	vst v63  }
0x1c: {  	_ =	swait.ge [sflag:s18], $0x6400  }
0x1d: {  	[sflag:s18] =	ssyncset.done $0x0  }
0x1e: {  	[sflag:s18] =	ssyncadd.s32 $0xFFFF9C00  }
0x1f: {  	[hbm4b:s10+s3] =	stream.linear.scatter [tilespmem:s15], [sflag:$0x3], $0x6400, $0x38;
	[tilespmem:$0xCA00] =	vst v63  }
0x20: {  	_ =	swait.ge [sflag:s13], $0x6400  }
0x21: {  	s30 =	sshrl.u32 s11, $0x3;
	[sflag:s13] =	ssyncset.done $0x0  }
0x22: {  	s21 =	sadd.s32 s4, s30;
	[sflag:s13] =	ssyncadd.s32 $0xFFFF9C00  }
0x23: {  	[tilespmem:s3], [sflag:$0x3] =	stream.linear.gather [hbm4b:s21+s3], $0xC8, $0x38;
	[tilespmem:$0xCA00] =	vst v63  }
0x24: {  	_ =	swait.ge [sflag:s13], $0xC8  }
0x25: {  	[sflag:s13] =	ssyncset.done $0x0  }
0x26: {  	[sflag:s13] =	ssyncadd.s32 $0xFFFFFF38  }
0x27: {  	[tilespmem:s15], [sflag:$0x1] =	stream.indirect.gather [hbm4b:s2+s14], $0x80, s3, s14, $0xb8;
	[tilespmem:$0xCA00] =	vst v63  }
0x28: {  	_ =	swait.ge [sflag:s19], $0x6400  }
0x29: {  	[sflag:s19] =	ssyncset.done $0x0  }
0x2a: {  	s31 =	sadd.s32 $0xC80, s10;
	[sflag:s19] =	ssyncadd.s32 $0xFFFF9C00  }
0x2b: {  	[hbm4b:s31+s3] =	stream.linear.scatter [tilespmem:s17], [sflag:$0x3], $0x6400, $0x38;
	[tilespmem:$0xCA00] =	vst v63  }
0x2c: {  	s23 =	simm.s32 $0x32;
	s24 =	simm.s32 $0x64;
	_ =	swait.ge [sflag:s13], $0x6400  }
0x2d: {  	s22 =	sadd.s32 $0x190, s11;
	s21 =	sadd.s32 $0x1900, s10;
	[sflag:s13] =	ssyncset.done $0x0  }
.LBB2_2:
0x2e: {  	s25 =	sadd.s32 s23, s12  }
0x2f: {  	[sflag:s13] =	ssyncadd.s32 $0xFFFF9C00;
	s23 =	smov.u32 s24;
	s26 =	sadd.s32 $0x32, s24  }
0x30: {  	[tilespmem:s16], [sflag:$0x3] =	stream.linear.gather [hbm4b:s25+s3], $0xC8, $0x38;
	[tilespmem:$0xCA00] =	vst v63  }
0x31: {  	p0 =	sne.s32 s24, $0x47E;
	_ =	swait.ge [sflag:s13], $0xC8  }
0x32: {  	[sflag:s13] =	ssyncset.done $0x0  }
0x33: {  	[sflag:s13] =	ssyncadd.s32 $0xFFFFFF38  }
0x34: {  	[tilespmem:s17], [sflag:$0x2] =	stream.indirect.gather [hbm4b:s2+s14], $0x80, s16, s14, $0xb8;
	[tilespmem:$0xCA00] =	vst v63  }
0x35: {  	_ =	swait.ge [sflag:s18], $0x6400  }
0x36: {  	[sflag:s18] =	ssyncset.done $0x0  }
0x37: {  	[sflag:s18] =	ssyncadd.s32 $0xFFFF9C00  }
0x38: {  	[hbm4b:s21+s3] =	stream.linear.scatter [tilespmem:s15], [sflag:$0x3], $0x6400, $0x38;
	[tilespmem:$0xCA00] =	vst v63  }
0x39: {  	_ =	swait.ge [sflag:s13], $0x6400  }
0x3a: {  	s24 =	sshrl.u32 s22, $0x3;
	[sflag:s13] =	ssyncset.done $0x0  }
0x3b: {  	s24 =	sadd.s32 s4, s24;
	[sflag:s13] =	ssyncadd.s32 $0xFFFF9C00  }
0x3c: {  	[tilespmem:s3], [sflag:$0x3] =	stream.linear.gather [hbm4b:s24+s3], $0xC8, $0x38;
	[tilespmem:$0xCA00] =	vst v63  }
0x3d: {  	_ =	swait.ge [sflag:s13], $0xC8  }
0x3e: {  	[sflag:s13] =	ssyncset.done $0x0  }
0x3f: {  	[sflag:s13] =	ssyncadd.s32 $0xFFFFFF38  }
0x40: {  	[tilespmem:s15], [sflag:$0x1] =	stream.indirect.gather [hbm4b:s2+s14], $0x80, s3, s14, $0xb8;
	[tilespmem:$0xCA00] =	vst v63  }
0x41: {  	_ =	swait.ge [sflag:s19], $0x6400  }
.Ltmp0:
0x42: {  	[sflag:s19] =	ssyncset.done $0x0;
	(pc) =	sbr.rel @p0 .LBB2_2-.Ltmp0, $4  }
0x43: {  	s24 =	sadd.s32 $0xC80, s21;
	[sflag:s19] =	ssyncadd.s32 $0xFFFF9C00  }
0x44: {  	[hbm4b:s24+s3] =	stream.linear.scatter [tilespmem:s17], [sflag:$0x3], $0x6400, $0x38;
	[tilespmem:$0xCA00] =	vst v63  }
0x45: {  	s22 =	sadd.s32 $0x190, s22;
	_ =	swait.ge [sflag:s13], $0x6400  }
0x46: {  	s21 =	sadd.s32 $0x1900, s21;
	s24 =	smov.u32 s26;
	[sflag:s13] =	ssyncset.done $0x0  }
0x47: {  	s23 =	sadd.s32 s23, s12;
	[sflag:s13] =	ssyncadd.s32 $0xFFFF9C00  }
0x48: {  	[tilespmem:s16], [sflag:$0x3] =	stream.linear.gather [hbm4b:s23+s3], $0xC8, $0x38;
	[tilespmem:$0xCA00] =	vst v63  }
0x49: {  	_ =	swait.ge [sflag:s13], $0xC8  }
0x4a: {  	[sflag:s13] =	ssyncset.done $0x0  }
0x4b: {  	[sflag:s13] =	ssyncadd.s32 $0xFFFFFF38  }
0x4c: {  	[tilespmem:s17], [sflag:$0x2] =	stream.indirect.gather [hbm4b:s2+s14], $0x80, s16, s14, $0xb8;
	[tilespmem:$0xCA00] =	vst v63  }
0x4d: {  	_ =	swait.ge [sflag:s18], $0x6400  }
0x4e: {  	[sflag:s18] =	ssyncset.done $0x0  }
0x4f: {  	[sflag:s18] =	ssyncadd.s32 $0xFFFF9C00  }
0x50: {  	[hbm4b:s21+s3] =	stream.linear.scatter [tilespmem:s15], [sflag:$0x3], $0x6400, $0x38;
	[tilespmem:$0xCA00] =	vst v63  }
0x51: {  	_ =	swait.ge [sflag:s13], $0x6400  }
0x52: {  	s22 =	sshrl.u32 s22, $0x3;
	[sflag:s13] =	ssyncset.done $0x0  }
0x53: {  	s22 =	sadd.s32 s4, s22;
	[sflag:s13] =	ssyncadd.s32 $0xFFFF9C00  }
0x54: {  	[tilespmem:s3], [sflag:$0x3] =	stream.linear.gather [hbm4b:s22+s3], $0xC8, $0x38;
	[tilespmem:$0xCA00] =	vst v63  }
0x55: {  	_ =	swait.ge [sflag:s13], $0xC8  }
0x56: {  	[sflag:s13] =	ssyncset.done $0x0  }
0x57: {  	[sflag:s13] =	ssyncadd.s32 $0xFFFFFF38  }
0x58: {  	[tilespmem:s15], [sflag:$0x1] =	stream.indirect.gather [hbm4b:s2+s14], $0x80, s3, s14, $0xb8;
	[tilespmem:$0xCA00] =	vst v63  }
0x59: {  	_ =	swait.ge [sflag:s19], $0x6400  }
0x5a: {  	[sflag:s19] =	ssyncset.done $0x0  }
0x5b: {  	s31 =	sadd.s32 $0xC80, s21;
	[sflag:s19] =	ssyncadd.s32 $0xFFFF9C00  }
0x5c: {  	[hbm4b:s31+s3] =	stream.linear.scatter [tilespmem:s17], [sflag:$0x3], $0x6400, $0x38;
	[tilespmem:$0xCA00] =	vst v63  }
0x5d: {  	_ =	swait.ge [sflag:s13], $0x6400  }
0x5e: {  	[sflag:s13] =	ssyncset.done $0x0  }
0x5f: {  	[sflag:s13] =	ssyncadd.s32 $0xFFFF9C00  }
0x60: {  	[tilespmem:s16], [sflag:$0x3] =	stream.linear.gather [hbm4b:s7+s3], $0xC8, $0x38;
	[tilespmem:$0xCA00] =	vst v63  }
0x61: {  	_ =	swait.ge [sflag:s13], $0xC8  }
0x62: {  	[sflag:s13] =	ssyncset.done $0x0  }
0x63: {  	[sflag:s13] =	ssyncadd.s32 $0xFFFFFF38  }
0x64: {  	[tilespmem:s17], [sflag:$0x2] =	stream.indirect.gather [hbm4b:s2+s14], $0x80, s16, s14, $0xb8;
	[tilespmem:$0xCA00] =	vst v63  }
0x65: {  	_ =	swait.ge [sflag:s18], $0x6400  }
0x66: {  	[sflag:s18] =	ssyncset.done $0x0  }
0x67: {  	[sflag:s18] =	ssyncadd.s32 $0xFFFF9C00  }
0x68: {  	[hbm4b:s8+s3] =	stream.linear.scatter [tilespmem:s15], [sflag:$0x3], $0x6400, $0x38;
	[tilespmem:$0xCA00] =	vst v63  }
0x69: {  	_ =	swait.ge [sflag:s13], $0x6400  }
0x6a: {  	[sflag:s13] =	ssyncset.done $0x0  }
0x6b: {  	[sflag:s13] =	ssyncadd.s32 $0xFFFF9C00  }
0x6c: {  	s20 =	sadd.s32 $0x1, s20;
	_ =	swait.ge [sflag:s19], $0x6400  }
0x6d: {  	p0 =	sne.s32 s20, s6;
	[sflag:s19] =	ssyncset.done $0x0  }
.Ltmp1:
0x6e: {  	[sflag:s19] =	ssyncadd.s32 $0xFFFF9C00;
	(pc) =	sbr.rel @p0 .LBB2_1-.Ltmp1, $4  }
0x6f: {  	[hbm4b:s9+s3] =	stream.linear.scatter [tilespmem:s17], [sflag:$0x3], $0x6400, $0x38;
	[tilespmem:$0xCA00] =	vst v63  }
0x70: {  	_ =	swait.ge [sflag:s13], $0x6400  }
0x71: {  	[sflag:s13] =	ssyncset.done $0x0  }
0x72: {  	[sflag:s13] =	ssyncadd.s32 $0xFFFF9C00  }
0x73: {  	_ =	sfence.sel $0x180000  }
0x74: {  	[bflag:$0x0] =	sbarrier.arrive $0xFFFF  }
0x75: {  	p0 =	sne.s32 s1, $0x0;
	_ =	strace $0x90000047  }
0x76: {  	s0 =	sadd.s32 @!p0 $0x100000, s0;
	[bflag:$0x2] =	sbarrier.arrive $0xFFFF  }
0x77: {  	[sflag:s0] =	ssyncadd.tile.s32 @!p0 $0x1;
	_ =	shalt  }
.Lfunc_end2:
_tile_overlayer_lowered:
.L_overlay_start_2:
0x78: {  	(tag) =	ssettag $0x2  }
0x79: {  	s0 =	rddreg [dreg:$0x0];
	s2 =	stileid.u32  }
0x7a: {  	s1 =	rddreg [dreg:$0x1];
	p0 =	sne.s32 s2, $0x0  }
0x7b: {  	s3 =	rddreg [dreg:$0x2];
	[bflag:$0x3] =	sbarrier.arrive $0xFFFF;
	s2 =	simm.s32 @!p0 $0x1C03  }
0x7c: {  	[timem:s3], [sflag:s2] =	dma.local @!p0 [hbm:s0], s1  }
0x7d: {  	s0 =	simm.s32 @!p0 $0x3  }
0x7e: {  	_ =	swait.ge @!p0 [sflag:s0], s1  }
0x7f: {  	s1 =	ssub.s32 @!p0 $0x0, s1;
	[sflag:s0] =	ssyncset.done @!p0 $0x0  }
0x80: {  	[sflag:s0] =	ssyncadd.s32 @!p0 s1  }
0x81: {  	[bflag:$0x3] =	sbarrier.arrive $0xFFFF  }
0x82: {  	_ =	shalt  }

</sc_bundles>
